<compile_context>
chip_gen: v7x
topology: tpu7x:2x2x1
jax: 0.10.2.dev20260603
libtpu: 0.0.44.dev20260713+nightly
codegen_flags: <defaults>
</compile_context>

<pallas_src>
import functools

import jax
import jax.numpy as jnp
from jax import lax
from jax.experimental import pallas as pl
from jax.experimental.pallas import tpu as pltpu
from jax.experimental.pallas import tpu_sc as plsc


def _sigmoid(v):
    return 1.0 / (1.0 + jnp.exp(-v))


def _dense1_body(x_ref, wiou_ref, biou_ref, wf_ref, bf_ref, uf_ref,
                 xiou_ref, ts_ref, tu_ref, td_ref, h):
    xv = x_ref[...]
    npad = xv.shape[0]
    x_iou = jnp.dot(xv, wiou_ref[...], preferred_element_type=jnp.float32)
    x_iou = x_iou + biou_ref[...]
    x_f = jnp.dot(xv, wf_ref[...], preferred_element_type=jnp.float32)
    x_f = x_f + bf_ref[...]
    xiou_ref[...] = x_iou
    i_g = _sigmoid(x_iou[:, :h])
    o_g = _sigmoid(x_iou[:, h:2 * h])
    u_g = jnp.tanh(x_iou[:, 2 * h:])
    c1 = i_g * u_g
    h1 = o_g * jnp.tanh(c1)
    hu = jnp.dot(h1, uf_ref[...], preferred_element_type=jnp.float32)
    pad = jnp.zeros((npad, h), jnp.float32)
    ts_ref[...] = jnp.concatenate([h1, c1], axis=1)
    tu_ref[...] = jnp.concatenate([hu, pad], axis=1)
    td_ref[...] = jnp.concatenate([x_f, pad], axis=1)


def _dense1(xp, W_iou, b_iou, W_f, b_f, U_f):
    npad, d_in = xp.shape
    h = U_f.shape[0]
    return pl.pallas_call(
        functools.partial(_dense1_body, h=h),
        out_shape=(
            jax.ShapeDtypeStruct((npad, 3 * h), jnp.float32),
            jax.ShapeDtypeStruct((npad, 2 * h), jnp.float32),
            jax.ShapeDtypeStruct((npad, 2 * h), jnp.float32),
            jax.ShapeDtypeStruct((npad, 2 * h), jnp.float32),
        ),
    )(xp, W_iou, b_iou.reshape(1, -1), W_f, b_f.reshape(1, -1), U_f)


def _edge_sweep(t_hc, t_hu, t_d, src, dst, *, acc_rows, ch, h):
    e_pad = src.shape[0]
    ept = e_pad // 16
    n_chunks = ept // ch
    n_pairs = n_chunks // 2
    half = acc_rows // 2
    local_rows = half + 128
    zrows_per_tile = local_rows // 16
    orows_per_tile = half // 16
    mesh = plsc.VectorSubcoreMesh(core_axis_name="c", subcore_axis_name="s")

    @functools.partial(
        pl.kernel,
        out_type=jax.ShapeDtypeStruct((acc_rows, 2 * h), jnp.float32),
        mesh=mesh,
        scratch_types=[
            pltpu.VMEM((ch,), jnp.int32),
            pltpu.VMEM((ch,), jnp.int32),
            pltpu.VMEM((ch,), jnp.int32),
            pltpu.VMEM((ch,), jnp.int32),
            pltpu.VMEM((ch,), jnp.int32),
            pltpu.VMEM((ch,), jnp.int32),
            pltpu.VMEM((ch, 2 * h), jnp.float32),
            pltpu.VMEM((ch, 2 * h), jnp.float32),
            pltpu.VMEM((ch, 2 * h), jnp.float32),
            pltpu.VMEM((ch, 2 * h), jnp.float32),
            pltpu.VMEM((ch, 2 * h), jnp.float32),
            pltpu.VMEM((ch, 2 * h), jnp.float32),
            pltpu.VMEM_SHARED((local_rows, 2 * h), jnp.float32),
            pltpu.SemaphoreType.DMA,
            pltpu.SemaphoreType.DMA,
            pltpu.SemaphoreType.DMA,
            pltpu.SemaphoreType.DMA,
            pltpu.SemaphoreType.DMA,
            pltpu.SemaphoreType.DMA,
        ],
    )
    def sweep(hc_hbm, hu_hbm, xf_hbm, src_hbm, dst_hbm, out_hbm,
              src0, src1, dst0, dst1, tgt0, tgt1,
              hc0, hc1, hu0, hu1, xf0, xf1, acc_sh,
              si0, si1, sg0, sg1, ss0, ss1):
        cid = lax.axis_index("c")
        sid = lax.axis_index("s")
        row0 = cid * half
        ebase = sid * ept
        z16 = jnp.zeros((16,), jnp.float32)
        srcb, dstb, tgtb = (src0, src1), (dst0, dst1), (tgt0, tgt1)
        hcb, hub, xfb = (hc0, hc1), (hu0, hu1), (xf0, xf1)
        sib, sgb, ssb = (si0, si1), (sg0, sg1), (ss0, ss1)

        def zero_row(r, _):
            for j in range(2 * h // 16):
                hc0[r, pl.ds(j * 16, 16)] = z16
            return 0

        lax.fori_loop(0, ch, zero_row, 0)
        zbase = sid * zrows_per_tile
        zleft = zrows_per_tile
        while zleft > 0:
            step = min(zleft, ch)
            pltpu.sync_copy(hc0.at[pl.ds(0, step)],
                            acc_sh.at[pl.ds(zbase + zrows_per_tile - zleft,
                                            step)])
            zleft -= step

        def idx_start(k, p):
            base = pl.multiple_of(ebase + k * ch, 8)
            pltpu.async_copy(src_hbm.at[pl.ds(base, ch)], srcb[p], sib[p])
            pltpu.async_copy(dst_hbm.at[pl.ds(base, ch)], dstb[p], sib[p])

        def idx_wait(k, p):
            base = pl.multiple_of(ebase + k * ch, 8)
            pltpu.make_async_copy(src_hbm.at[pl.ds(base, ch)], srcb[p],
                                  sib[p]).wait()
            pltpu.make_async_copy(dst_hbm.at[pl.ds(base, ch)], dstb[p],
                                  sib[p]).wait()

        def gathers_start(p):
            pltpu.async_copy(hc_hbm.at[srcb[p]], hcb[p], sgb[p])
            pltpu.async_copy(hu_hbm.at[srcb[p]], hub[p], sgb[p])
            pltpu.async_copy(xf_hbm.at[dstb[p]], xfb[p], sgb[p])

        def gathers_wait(p):
            pltpu.make_async_copy(hc_hbm.at[srcb[p]], hcb[p], sgb[p]).wait()
            pltpu.make_async_copy(hu_hbm.at[srcb[p]], hub[p], sgb[p]).wait()
            pltpu.make_async_copy(xf_hbm.at[dstb[p]], xfb[p], sgb[p]).wait()

        def scatter_start(p):
            pltpu.async_copy(hcb[p], acc_sh.at[tgtb[p]], ssb[p], add=True)

        def scatter_wait(p):
            pltpu.make_async_copy(hcb[p], acc_sh.at[tgtb[p]], ssb[p]).wait()

        def make_fix_idx(p):
            def fix_idx(g, _):
                d = dstb[p][pl.ds(g * 16, 16)]
                t = d - row0
                oob = (t < 0) | (t >= half)
                tgtb[p][pl.ds(g * 16, 16)] = jnp.where(oob, half, t)
                return 0
            return fix_idx

        def make_edge_row(p):
            hc_v, hu_v, xf_v = hcb[p], hub[p], xfb[p]

            def edge_row(r, _):
                for j in range(h // 16):
                    xfv = xf_v[r, pl.ds(j * 16, 16)]
                    huv = hu_v[r, pl.ds(j * 16, 16)]
                    cv = hc_v[r, pl.ds(h + j * 16, 16)]
                    hc_v[r, pl.ds(h + j * 16, 16)] = (
                        cv / (1.0 + jnp.exp(-(xfv + huv))))
                return 0
            return edge_row

        idx_start(0, 0)
        idx_wait(0, 0)
        gathers_start(0)
        plsc.subcore_barrier()

        def chunk_step(k, p):
            @pl.when(k + 1 < n_chunks)
            def _():
                idx_start(k + 1, 1 - p)

            gathers_wait(p)
            fix_idx = make_fix_idx(p)
            edge_row = make_edge_row(p)

            @plsc.parallel_loop(0, ch // 16, step=1, unroll=2)
            def _(g):
                fix_idx(g, 0)

            @plsc.parallel_loop(0, ch, step=1, unroll=4)
            def _(r):
                edge_row(r, 0)

            @pl.when(k > 0)
            def _():
                scatter_wait(1 - p)

            @pl.when(k + 1 < n_chunks)
            def _():
                idx_wait(k + 1, 1 - p)
                gathers_start(1 - p)

            scatter_start(p)

        def pair(i, _):
            chunk_step(2 * i, 0)
            chunk_step(2 * i + 1, 1)
            return 0

        lax.fori_loop(0, n_pairs, pair, 0)
        scatter_wait(1)
        plsc.subcore_barrier()
        obase = sid * orows_per_tile
        gbase = pl.multiple_of(row0 + obase, 8)
        pltpu.sync_copy(acc_sh.at[pl.ds(obase, orows_per_tile)],
                        out_hbm.at[pl.ds(gbase, orows_per_tile)])

    return sweep(t_hc, t_hu, t_d, src, dst)


def _dense2_body(xiou_ref, acc_ref, uiou_ref, w1_ref, b1_ref,
                 w2_ref, b2_ref, logits_ref, prob_ref, pred_ref, h):
    acc = acc_ref[...]
    m = acc[:, :h]
    c_sum = acc[:, h:]
    iou = xiou_ref[...] + jnp.dot(m, uiou_ref[...],
                                  preferred_element_type=jnp.float32)
    i_g = _sigmoid(iou[:, :h])
    o_g = _sigmoid(iou[:, h:2 * h])
    u_g = jnp.tanh(iou[:, 2 * h:])
    c2 = i_g * u_g + c_sum
    h2 = o_g * jnp.tanh(c2)
    hidden = jnp.tanh(jnp.dot(h2, w1_ref[...],
                              preferred_element_type=jnp.float32) + b1_ref[...])
    logits = jnp.dot(hidden, w2_ref[...],
                     preferred_element_type=jnp.float32) + b2_ref[...]
    logits_ref[...] = logits
    n_rel = logits.shape[1]
    lmax = jnp.max(logits, axis=1, keepdims=True)
    z = jnp.sum(jnp.exp(logits - lmax), axis=1, keepdims=True)
    prob_ref[...] = 1.0 / z
    col = lax.broadcasted_iota(jnp.int32, logits.shape, 1)
    pred_ref[...] = jnp.min(jnp.where(logits == lmax, col, n_rel),
                            axis=1, keepdims=True)


def _dense2(x_iou, acc, U_iou, W1, b1, W2, b2):
    npad = x_iou.shape[0]
    h = U_iou.shape[0]
    n_rel = W2.shape[1]
    return pl.pallas_call(
        functools.partial(_dense2_body, h=h),
        out_shape=(
            jax.ShapeDtypeStruct((npad, n_rel), jnp.float32),
            jax.ShapeDtypeStruct((npad, 1), jnp.float32),
            jax.ShapeDtypeStruct((npad, 1), jnp.int32),
        ),
    )(x_iou, acc, U_iou, W1, b1.reshape(1, -1), W2, b2.reshape(1, -1))


def kernel(x, edge_index, W_iou, U_iou, b_iou, W_f, U_f, b_f, W1, b1, W2, b2):
    n, _ = x.shape
    h = U_iou.shape[0]
    e = edge_index.shape[1]

    ch = 112
    e_pad = 32 * ch * (-(-e // (32 * ch)))
    n_pad = -(-(n + 1) // 16) * 16
    acc_rows = -(-(n + 1) // 2048) * 2048

    xp = jnp.pad(x, ((0, n_pad - n), (0, 0)))
    src = jnp.concatenate(
        [edge_index[0], jnp.full((e_pad - e,), n, jnp.int32)])
    dst = jnp.concatenate(
        [edge_index[1], jnp.full((e_pad - e,), n, jnp.int32)])

    x_iou, t_hc, t_hu, t_d = _dense1(xp, W_iou, b_iou, W_f, b_f, U_f)
    acc = _edge_sweep(t_hc, t_hu, t_d, src, dst,
                      acc_rows=acc_rows, ch=ch, h=h)
    logits, prob, pred = _dense2(x_iou, acc[:n_pad],
                                 U_iou, W1, b1, W2, b2)
    return logits[:n], prob[:n, 0], pred[:n, 0]

# --- scband reference (transcript-rebuilt; emitter-appended) ---
"""Pipeline reference for scband-lstm-er-51934744543424 (READ-ONLY COPY).

The authoritative reference and input builder live on the scoring server;
editing this copy changes nothing except your own understanding.
"""

import jax, jax.numpy as jnp
import numpy as np

N_NODES = 10000
N_EDGES = 320000
D_IN = 128
H = 64
RE_HIDDEN = 128
N_REL = 5


def setup_inputs(seed: int = 0) -> dict:
    key = jax.random.key(seed)
    ks = jax.random.split(key, 12)
    x = jax.random.normal(ks[0], (N_NODES, D_IN), dtype=jnp.float32)
    edge_index = jax.random.randint(ks[1], (2, N_EDGES), 0, N_NODES, dtype=jnp.int32)
    s = 1.0 / np.sqrt(D_IN)
    sh = 1.0 / np.sqrt(H)
    W_iou = jax.random.normal(ks[2], (D_IN, 3 * H), dtype=jnp.float32) * s
    U_iou = jax.random.normal(ks[3], (H, 3 * H), dtype=jnp.float32) * sh
    b_iou = jnp.zeros((3 * H,), dtype=jnp.float32)
    W_f = jax.random.normal(ks[4], (D_IN, H), dtype=jnp.float32) * s
    U_f = jax.random.normal(ks[5], (H, H), dtype=jnp.float32) * sh
    b_f = jnp.zeros((H,), dtype=jnp.float32)
    W1 = jax.random.normal(ks[6], (H, RE_HIDDEN), dtype=jnp.float32) * sh
    b1 = jnp.zeros((RE_HIDDEN,), dtype=jnp.float32)
    W2 = jax.random.normal(ks[7], (RE_HIDDEN, N_REL), dtype=jnp.float32) * (1.0 / np.sqrt(RE_HIDDEN))
    b2 = jnp.zeros((N_REL,), dtype=jnp.float32)
    return {"x": x, "edge_index": edge_index, "W_iou": W_iou, "U_iou": U_iou,
            "b_iou": b_iou, "W_f": W_f, "U_f": U_f, "b_f": b_f,
            "W1": W1, "b1": b1, "W2": W2, "b2": b2}


def reference(x, edge_index, W_iou, U_iou, b_iou, W_f, U_f, b_f, W1, b1, W2, b2):
    # Child-sum TreeLSTM message passing over the dependency graph (core of
    # LSTM_ER.tree_lstm), followed by the rel_decoder MLP + softmax head.
    src = edge_index[0]
    dst = edge_index[1]
    n = x.shape[0]
    h_size = U_iou.shape[0]
    h_state = jnp.zeros((n, h_size), dtype=x.dtype)   # h0
    c_state = jnp.zeros((n, h_size), dtype=x.dtype)   # c0
    x_iou = x @ W_iou + b_iou
    x_f = x @ W_f + b_f
    for _ in range(2):  # bidirectional-style two propagation passes
        # gather child hidden states along edges, scatter-add into parents
        m = jax.ops.segment_sum(h_state[src], dst, num_segments=n)
        iou = x_iou + m @ U_iou
        i_g, o_g, u_g = jnp.split(iou, 3, axis=-1)
        i_g = jax.nn.sigmoid(i_g)
        o_g = jax.nn.sigmoid(o_g)
        u_g = jnp.tanh(u_g)
        # per-edge forget gates (child-wise, as in child-sum TreeLSTM)
        f_e = jax.nn.sigmoid(x_f[dst] + h_state[src] @ U_f)
        c_sum = jax.ops.segment_sum(f_e * c_state[src], dst, num_segments=n)
        c_state = i_g * u_g + c_sum
        h_state = o_g * jnp.tanh(c_state)
    # rel_decoder: Linear -> Tanh -> Linear
    hidden = jnp.tanh(h_state @ W1 + b1)
    stance_logits = hidden @ W2 + b2
    stance_prob_dist = jax.nn.softmax(stance_logits, axis=1)
    stance_prob = jnp.max(stance_prob_dist, axis=1)
    stance_predict = jnp.argmax(stance_prob_dist, axis=1)
    return stance_logits, stance_prob, stance_predict

if __name__ == "__main__":
    import jax
    _d = setup_inputs()
    print(jax.jit(kernel)(*tuple(_d.values())))

</pallas_src>

<mosaic_0001>
#map = affine_map<(d0, d1) -> (0, 0)>
#map1 = affine_map<(d0, d1) -> (0)>
module attributes {stable_mosaic.version = 14 : i64} {
  func.func @sweep(%arg0: i32, %arg1: i32, %arg2: memref<10016x128xf32, #tpu.memory_space<hbm>>, %arg3: memref<10016x128xf32, #tpu.memory_space<hbm>>, %arg4: memref<10016x128xf32, #tpu.memory_space<hbm>>, %arg5: memref<322560xi32, #tpu.memory_space<hbm>>, %arg6: memref<322560xi32, #tpu.memory_space<hbm>>, %arg7: memref<10240x128xf32, #tpu.memory_space<hbm>>, %arg8: memref<112xi32, #tpu.memory_space<vmem>>, %arg9: memref<112xi32, #tpu.memory_space<vmem>>, %arg10: memref<112xi32, #tpu.memory_space<vmem>>, %arg11: memref<112xi32, #tpu.memory_space<vmem>>, %arg12: memref<112xi32, #tpu.memory_space<vmem>>, %arg13: memref<112xi32, #tpu.memory_space<vmem>>, %arg14: memref<112x128xf32, #tpu.memory_space<vmem>>, %arg15: memref<112x128xf32, #tpu.memory_space<vmem>>, %arg16: memref<112x128xf32, #tpu.memory_space<vmem>>, %arg17: memref<112x128xf32, #tpu.memory_space<vmem>>, %arg18: memref<112x128xf32, #tpu.memory_space<vmem>>, %arg19: memref<112x128xf32, #tpu.memory_space<vmem>>, %arg20: memref<5248x128xf32, #tpu.memory_space<vmem_shared>>, %arg21: memref<!tpu.dma_semaphore, #tpu.memory_space<semaphore_mem>>, %arg22: memref<!tpu.dma_semaphore, #tpu.memory_space<semaphore_mem>>, %arg23: memref<!tpu.dma_semaphore, #tpu.memory_space<semaphore_mem>>, %arg24: memref<!tpu.dma_semaphore, #tpu.memory_space<semaphore_mem>>, %arg25: memref<!tpu.dma_semaphore, #tpu.memory_space<semaphore_mem>>, %arg26: memref<!tpu.dma_semaphore, #tpu.memory_space<semaphore_mem>>) attributes {dimension_semantics = [#tpu.dimension_semantics<core_parallel>, #tpu.dimension_semantics<subcore_parallel>], iteration_bounds = array<i64: 2, 16>, scalar_prefetch = 0 : i64, scratch_operands = 19 : i64, tpu.core_type = #tpu.core_type<sc_vector_subcore>, window_params = [{transform_indices = #map}, {transform_indices = #map}, {transform_indices = #map}, {transform_indices = #map1}, {transform_indices = #map1}, {transform_indices = #map}]} {
    %mul3A = arith.constant 5120 : i32
    %mul3A_0 = arith.muli %arg0, %mul3A : i32
    %mul3A_1 = arith.constant 20160 : i32
    %mul3A_2 = arith.muli %arg1, %mul3A_1 : i32
    %broadcast_in_dim3A = arith.constant 0.000000e+00 : f32
    %broadcast_in_dim3A_3 = vector.broadcast %broadcast_in_dim3A : f32 to vector<16xf32>
    %scan3A = arith.constant 0 : i32
    %scan3A_4 = arith.constant 0 : i32
    %scan3A_5 = arith.constant 112 : i32
    %scan3A_6 = arith.addi %scan3A_4, %scan3A_5 : i32
    %scan3A_7 = arith.constant 1 : i32
    %scan3A_8 = scf.for %scan3A_57 = %scan3A_4 to %scan3A_6 step %scan3A_7 iter_args(%scan3A_58 = %scan3A) -> (i32)  : i32 {
      %swap3A = arith.index_cast %scan3A_57 : i32 to index
      %swap3A_59 = arith.constant 0 : index
      %swap3A_60 = tpu.vector_load %arg14[%swap3A, %swap3A_59] {strides = array<i32>} : memref<112x128xf32, #tpu.memory_space<vmem>>, vector<1x16xf32>,
      %swap3A_61 = vector.shape_cast %swap3A_60 : vector<1x16xf32> to vector<16xf32>
      %swap3A_62 = vector.shape_cast %broadcast_in_dim3A_3 : vector<16xf32> to vector<1x16xf32>
      tpu.vector_store %arg14[%swap3A, %swap3A_59], %swap3A_62 {strides = array<i32>} : memref<112x128xf32, #tpu.memory_space<vmem>>, vector<1x16xf32>,
      %swap3A_63 = arith.index_cast %scan3A_57 : i32 to index
      %swap3A_64 = arith.constant 16 : index
      %swap3A_65 = tpu.vector_load %arg14[%swap3A_63, %swap3A_64] {strides = array<i32>} : memref<112x128xf32, #tpu.memory_space<vmem>>, vector<1x16xf32>,
      %swap3A_66 = vector.shape_cast %swap3A_65 : vector<1x16xf32> to vector<16xf32>
      %swap3A_67 = vector.shape_cast %broadcast_in_dim3A_3 : vector<16xf32> to vector<1x16xf32>
      tpu.vector_store %arg14[%swap3A_63, %swap3A_64], %swap3A_67 {strides = array<i32>} : memref<112x128xf32, #tpu.memory_space<vmem>>, vector<1x16xf32>,
      %swap3A_68 = arith.index_cast %scan3A_57 : i32 to index
      %swap3A_69 = arith.constant 32 : index
      %swap3A_70 = tpu.vector_load %arg14[%swap3A_68, %swap3A_69] {strides = array<i32>} : memref<112x128xf32, #tpu.memory_space<vmem>>, vector<1x16xf32>,
      %swap3A_71 = vector.shape_cast %swap3A_70 : vector<1x16xf32> to vector<16xf32>
      %swap3A_72 = vector.shape_cast %broadcast_in_dim3A_3 : vector<16xf32> to vector<1x16xf32>
      tpu.vector_store %arg14[%swap3A_68, %swap3A_69], %swap3A_72 {strides = array<i32>} : memref<112x128xf32, #tpu.memory_space<vmem>>, vector<1x16xf32>,
      %swap3A_73 = arith.index_cast %scan3A_57 : i32 to index
      %swap3A_74 = arith.constant 48 : index
      %swap3A_75 = tpu.vector_load %arg14[%swap3A_73, %swap3A_74] {strides = array<i32>} : memref<112x128xf32, #tpu.memory_space<vmem>>, vector<1x16xf32>,
      %swap3A_76 = vector.shape_cast %swap3A_75 : vector<1x16xf32> to vector<16xf32>
      %swap3A_77 = vector.shape_cast %broadcast_in_dim3A_3 : vector<16xf32> to vector<1x16xf32>
      tpu.vector_store %arg14[%swap3A_73, %swap3A_74], %swap3A_77 {strides = array<i32>} : memref<112x128xf32, #tpu.memory_space<vmem>>, vector<1x16xf32>,
      %swap3A_78 = arith.index_cast %scan3A_57 : i32 to index
      %swap3A_79 = arith.constant 64 : index
      %swap3A_80 = tpu.vector_load %arg14[%swap3A_78, %swap3A_79] {strides = array<i32>} : memref<112x128xf32, #tpu.memory_space<vmem>>, vector<1x16xf32>,
      %swap3A_81 = vector.shape_cast %swap3A_80 : vector<1x16xf32> to vector<16xf32>
      %swap3A_82 = vector.shape_cast %broadcast_in_dim3A_3 : vector<16xf32> to vector<1x16xf32>
      tpu.vector_store %arg14[%swap3A_78, %swap3A_79], %swap3A_82 {strides = array<i32>} : memref<112x128xf32, #tpu.memory_space<vmem>>, vector<1x16xf32>,
      %swap3A_83 = arith.index_cast %scan3A_57 : i32 to index
      %swap3A_84 = arith.constant 80 : index
      %swap3A_85 = tpu.vector_load %arg14[%swap3A_83, %swap3A_84] {strides = array<i32>} : memref<112x128xf32, #tpu.memory_space<vmem>>, vector<1x16xf32>,
      %swap3A_86 = vector.shape_cast %swap3A_85 : vector<1x16xf32> to vector<16xf32>
      %swap3A_87 = vector.shape_cast %broadcast_in_dim3A_3 : vector<16xf32> to vector<1x16xf32>
      tpu.vector_store %arg14[%swap3A_83, %swap3A_84], %swap3A_87 {strides = array<i32>} : memref<112x128xf32, #tpu.memory_space<vmem>>, vector<1x16xf32>,
      %swap3A_88 = arith.index_cast %scan3A_57 : i32 to index
      %swap3A_89 = arith.constant 96 : index
      %swap3A_90 = tpu.vector_load %arg14[%swap3A_88, %swap3A_89] {strides = array<i32>} : memref<112x128xf32, #tpu.memory_space<vmem>>, vector<1x16xf32>,
      %swap3A_91 = vector.shape_cast %swap3A_90 : vector<1x16xf32> to vector<16xf32>
      %swap3A_92 = vector.shape_cast %broadcast_in_dim3A_3 : vector<16xf32> to vector<1x16xf32>
      tpu.vector_store %arg14[%swap3A_88, %swap3A_89], %swap3A_92 {strides = array<i32>} : memref<112x128xf32, #tpu.memory_space<vmem>>, vector<1x16xf32>,
      %swap3A_93 = arith.index_cast %scan3A_57 : i32 to index
      %swap3A_94 = arith.constant 112 : index
      %swap3A_95 = tpu.vector_load %arg14[%swap3A_93, %swap3A_94] {strides = array<i32>} : memref<112x128xf32, #tpu.memory_space<vmem>>, vector<1x16xf32>,
      %swap3A_96 = vector.shape_cast %swap3A_95 : vector<1x16xf32> to vector<16xf32>
      %swap3A_97 = vector.shape_cast %broadcast_in_dim3A_3 : vector<16xf32> to vector<1x16xf32>
      tpu.vector_store %arg14[%swap3A_93, %swap3A_94], %swap3A_97 {strides = array<i32>} : memref<112x128xf32, #tpu.memory_space<vmem>>, vector<1x16xf32>,
      %scan3A_98 = arith.constant 0 : i32
      scf.yield %scan3A_98 : i32
    }
    %scan3A_9 = arith.constant 112 : i32
    %mul3A_10 = arith.constant 328 : i32
    %mul3A_11 = arith.muli %arg1, %mul3A_10 : i32
    %add3A = arith.constant 328 : i32
    %add3A_12 = arith.addi %mul3A_11, %add3A : i32
    %sub3A = arith.constant 328 : i32
    %sub3A_13 = arith.subi %add3A_12, %sub3A : i32
    "tpu.region"() ({
      %run_scoped3A = tpu.sem_alloc : memref<!tpu.dma_semaphore, #tpu.memory_space<semaphore_mem>>
      %dma_start3A_57 = arith.constant 0 : i32
      %dma_start3A_58 = arith.constant 0 : i32
      %dma_start3A_59 = tpu.memref_slice %arg14[%dma_start3A_57, %dma_start3A_58] : memref<112x128xf32, #tpu.memory_space<vmem>> -> memref<112x128xf32, #tpu.memory_space<vmem>>
      %dma_start3A_60 = arith.constant 0 : i32
      %dma_start3A_61 = tpu.memref_slice %arg20[%sub3A_13, %dma_start3A_60] : memref<5248x128xf32, #tpu.memory_space<vmem_shared>> -> memref<112x128xf32, #tpu.memory_space<vmem_shared>>
      %dma_start3A_62 = arith.constant 0 : i32
      %dma_start3A_63 = tpu.memref_slice %arg20[%sub3A_13, %dma_start3A_62] : memref<5248x128xf32, #tpu.memory_space<vmem_shared>> -> memref<112x128xf32, #tpu.memory_space<vmem_shared>>
      %dma_start3A_64 = arith.constant 0 : i32
      %dma_start3A_65 = arith.constant 0 : i32
      %dma_start3A_66 = tpu.memref_slice %arg14[%dma_start3A_64, %dma_start3A_65] : memref<112x128xf32, #tpu.memory_space<vmem>> -> memref<112x128xf32, #tpu.memory_space<vmem>>
      tpu.enqueue_dma source(%dma_start3A_66 : memref<112x128xf32, #tpu.memory_space<vmem>>) target(%dma_start3A_63 : memref<112x128xf32, #tpu.memory_space<vmem_shared>>) target_semaphore(%run_scoped3A : memref<!tpu.dma_semaphore, #tpu.memory_space<semaphore_mem>>)
      %dma_wait3A_67 = arith.constant 0 : i32
      %dma_wait3A_68 = arith.constant 0 : i32
      %dma_wait3A_69 = tpu.memref_slice %arg14[%dma_wait3A_67, %dma_wait3A_68] : memref<112x128xf32, #tpu.memory_space<vmem>> -> memref<112x128xf32, #tpu.memory_space<vmem>>
      %dma_wait3A_70 = arith.constant 0 : i32
      %dma_wait3A_71 = tpu.memref_slice %arg20[%sub3A_13, %dma_wait3A_70] : memref<5248x128xf32, #tpu.memory_space<vmem_shared>> -> memref<112x128xf32, #tpu.memory_space<vmem_shared>>
      %dma_wait3A_72 = arith.constant 0 : i32
      %dma_wait3A_73 = tpu.memref_slice %arg20[%sub3A_13, %dma_wait3A_72] : memref<5248x128xf32, #tpu.memory_space<vmem_shared>> -> memref<112x128xf32, #tpu.memory_space<vmem_shared>>
      %dma_wait3A_74 = arith.constant 0 : i32
      %dma_wait3A_75 = arith.constant 0 : i32
      %dma_wait3A_76 = tpu.memref_slice %arg14[%dma_wait3A_74, %dma_wait3A_75] : memref<112x128xf32, #tpu.memory_space<vmem>> -> memref<112x128xf32, #tpu.memory_space<vmem>>
      tpu.wait_dma2 semaphore(%run_scoped3A : memref<!tpu.dma_semaphore, #tpu.memory_space<semaphore_mem>>) src(%dma_wait3A_76 : memref<112x128xf32, #tpu.memory_space<vmem>>) dst(%dma_wait3A_73 : memref<112x128xf32, #tpu.memory_space<vmem_shared>>)
      tpu.yield
    }) : () -> ()
    %add3A_14 = arith.constant 328 : i32
    %add3A_15 = arith.addi %mul3A_11, %add3A_14 : i32
    %sub3A_16 = arith.constant 216 : i32
    %sub3A_17 = arith.subi %add3A_15, %sub3A_16 : i32
    "tpu.region"() ({
      %run_scoped3A = tpu.sem_alloc : memref<!tpu.dma_semaphore, #tpu.memory_space<semaphore_mem>>
      %dma_start3A_57 = arith.constant 0 : i32
      %dma_start3A_58 = arith.constant 0 : i32
      %dma_start3A_59 = tpu.memref_slice %arg14[%dma_start3A_57, %dma_start3A_58] : memref<112x128xf32, #tpu.memory_space<vmem>> -> memref<112x128xf32, #tpu.memory_space<vmem>>
      %dma_start3A_60 = arith.constant 0 : i32
      %dma_start3A_61 = tpu.memref_slice %arg20[%sub3A_17, %dma_start3A_60] : memref<5248x128xf32, #tpu.memory_space<vmem_shared>> -> memref<112x128xf32, #tpu.memory_space<vmem_shared>>
      %dma_start3A_62 = arith.constant 0 : i32
      %dma_start3A_63 = tpu.memref_slice %arg20[%sub3A_17, %dma_start3A_62] : memref<5248x128xf32, #tpu.memory_space<vmem_shared>> -> memref<112x128xf32, #tpu.memory_space<vmem_shared>>
      %dma_start3A_64 = arith.constant 0 : i32
      %dma_start3A_65 = arith.constant 0 : i32
      %dma_start3A_66 = tpu.memref_slice %arg14[%dma_start3A_64, %dma_start3A_65] : memref<112x128xf32, #tpu.memory_space<vmem>> -> memref<112x128xf32, #tpu.memory_space<vmem>>
      tpu.enqueue_dma source(%dma_start3A_66 : memref<112x128xf32, #tpu.memory_space<vmem>>) target(%dma_start3A_63 : memref<112x128xf32, #tpu.memory_space<vmem_shared>>) target_semaphore(%run_scoped3A : memref<!tpu.dma_semaphore, #tpu.memory_space<semaphore_mem>>)
      %dma_wait3A_67 = arith.constant 0 : i32
      %dma_wait3A_68 = arith.constant 0 : i32
      %dma_wait3A_69 = tpu.memref_slice %arg14[%dma_wait3A_67, %dma_wait3A_68] : memref<112x128xf32, #tpu.memory_space<vmem>> -> memref<112x128xf32, #tpu.memory_space<vmem>>
      %dma_wait3A_70 = arith.constant 0 : i32
      %dma_wait3A_71 = tpu.memref_slice %arg20[%sub3A_17, %dma_wait3A_70] : memref<5248x128xf32, #tpu.memory_space<vmem_shared>> -> memref<112x128xf32, #tpu.memory_space<vmem_shared>>
      %dma_wait3A_72 = arith.constant 0 : i32
      %dma_wait3A_73 = tpu.memref_slice %arg20[%sub3A_17, %dma_wait3A_72] : memref<5248x128xf32, #tpu.memory_space<vmem_shared>> -> memref<112x128xf32, #tpu.memory_space<vmem_shared>>
      %dma_wait3A_74 = arith.constant 0 : i32
      %dma_wait3A_75 = arith.constant 0 : i32
      %dma_wait3A_76 = tpu.memref_slice %arg14[%dma_wait3A_74, %dma_wait3A_75] : memref<112x128xf32, #tpu.memory_space<vmem>> -> memref<112x128xf32, #tpu.memory_space<vmem>>
      tpu.wait_dma2 semaphore(%run_scoped3A : memref<!tpu.dma_semaphore, #tpu.memory_space<semaphore_mem>>) src(%dma_wait3A_76 : memref<112x128xf32, #tpu.memory_space<vmem>>) dst(%dma_wait3A_73 : memref<112x128xf32, #tpu.memory_space<vmem_shared>>)
      tpu.yield
    }) : () -> ()
    %add3A_18 = arith.constant 328 : i32
    %add3A_19 = arith.addi %mul3A_11, %add3A_18 : i32
    %sub3A_20 = arith.constant 104 : i32
    %sub3A_21 = arith.subi %add3A_19, %sub3A_20 : i32
    "tpu.region"() ({
      %run_scoped3A = tpu.sem_alloc : memref<!tpu.dma_semaphore, #tpu.memory_space<semaphore_mem>>
      %dma_start3A_57 = arith.constant 0 : i32
      %dma_start3A_58 = arith.constant 0 : i32
      %dma_start3A_59 = tpu.memref_slice %arg14[%dma_start3A_57, %dma_start3A_58] : memref<112x128xf32, #tpu.memory_space<vmem>> -> memref<104x128xf32, #tpu.memory_space<vmem>>
      %dma_start3A_60 = arith.constant 0 : i32
      %dma_start3A_61 = tpu.memref_slice %arg20[%sub3A_21, %dma_start3A_60] : memref<5248x128xf32, #tpu.memory_space<vmem_shared>> -> memref<104x128xf32, #tpu.memory_space<vmem_shared>>
      %dma_start3A_62 = arith.constant 0 : i32
      %dma_start3A_63 = tpu.memref_slice %arg20[%sub3A_21, %dma_start3A_62] : memref<5248x128xf32, #tpu.memory_space<vmem_shared>> -> memref<104x128xf32, #tpu.memory_space<vmem_shared>>
      %dma_start3A_64 = arith.constant 0 : i32
      %dma_start3A_65 = arith.constant 0 : i32
      %dma_start3A_66 = tpu.memref_slice %arg14[%dma_start3A_64, %dma_start3A_65] : memref<112x128xf32, #tpu.memory_space<vmem>> -> memref<104x128xf32, #tpu.memory_space<vmem>>
      tpu.enqueue_dma source(%dma_start3A_66 : memref<104x128xf32, #tpu.memory_space<vmem>>) target(%dma_start3A_63 : memref<104x128xf32, #tpu.memory_space<vmem_shared>>) target_semaphore(%run_scoped3A : memref<!tpu.dma_semaphore, #tpu.memory_space<semaphore_mem>>)
      %dma_wait3A_67 = arith.constant 0 : i32
      %dma_wait3A_68 = arith.constant 0 : i32
      %dma_wait3A_69 = tpu.memref_slice %arg14[%dma_wait3A_67, %dma_wait3A_68] : memref<112x128xf32, #tpu.memory_space<vmem>> -> memref<104x128xf32, #tpu.memory_space<vmem>>
      %dma_wait3A_70 = arith.constant 0 : i32
      %dma_wait3A_71 = tpu.memref_slice %arg20[%sub3A_21, %dma_wait3A_70] : memref<5248x128xf32, #tpu.memory_space<vmem_shared>> -> memref<104x128xf32, #tpu.memory_space<vmem_shared>>
      %dma_wait3A_72 = arith.constant 0 : i32
      %dma_wait3A_73 = tpu.memref_slice %arg20[%sub3A_21, %dma_wait3A_72] : memref<5248x128xf32, #tpu.memory_space<vmem_shared>> -> memref<104x128xf32, #tpu.memory_space<vmem_shared>>
      %dma_wait3A_74 = arith.constant 0 : i32
      %dma_wait3A_75 = arith.constant 0 : i32
      %dma_wait3A_76 = tpu.memref_slice %arg14[%dma_wait3A_74, %dma_wait3A_75] : memref<112x128xf32, #tpu.memory_space<vmem>> -> memref<104x128xf32, #tpu.memory_space<vmem>>
      tpu.wait_dma2 semaphore(%run_scoped3A : memref<!tpu.dma_semaphore, #tpu.memory_space<semaphore_mem>>) src(%dma_wait3A_76 : memref<104x128xf32, #tpu.memory_space<vmem>>) dst(%dma_wait3A_73 : memref<104x128xf32, #tpu.memory_space<vmem_shared>>)
      tpu.yield
    }) : () -> ()
    %add3A_22 = arith.constant 0 : i32
    %add3A_23 = arith.addi %mul3A_2, %add3A_22 : i32
    %multiple_of3A = tpu.assume_multiple %add3A_23, 8 : i32
    %dma_start3A = tpu.memref_slice %arg5[%multiple_of3A] : memref<322560xi32, #tpu.memory_space<hbm>> -> memref<112xi32, #tpu.memory_space<hbm>>
    %dma_start3A_24 = tpu.memref_slice %arg5[%multiple_of3A] : memref<322560xi32, #tpu.memory_space<hbm>> -> memref<112xi32, #tpu.memory_space<hbm>>
    tpu.enqueue_dma source(%dma_start3A_24 : memref<112xi32, #tpu.memory_space<hbm>>) target(%arg8 : memref<112xi32, #tpu.memory_space<vmem>>) target_semaphore(%arg21 : memref<!tpu.dma_semaphore, #tpu.memory_space<semaphore_mem>>)
    %dma_start3A_25 = tpu.memref_slice %arg6[%multiple_of3A] : memref<322560xi32, #tpu.memory_space<hbm>> -> memref<112xi32, #tpu.memory_space<hbm>>
    %dma_start3A_26 = tpu.memref_slice %arg6[%multiple_of3A] : memref<322560xi32, #tpu.memory_space<hbm>> -> memref<112xi32, #tpu.memory_space<hbm>>
    tpu.enqueue_dma source(%dma_start3A_26 : memref<112xi32, #tpu.memory_space<hbm>>) target(%arg10 : memref<112xi32, #tpu.memory_space<vmem>>) target_semaphore(%arg21 : memref<!tpu.dma_semaphore, #tpu.memory_space<semaphore_mem>>)
    %add3A_27 = arith.constant 0 : i32
    %add3A_28 = arith.addi %mul3A_2, %add3A_27 : i32
    %multiple_of3A_29 = tpu.assume_multiple %add3A_28, 8 : i32
    %dma_wait3A = tpu.memref_slice %arg5[%multiple_of3A_29] : memref<322560xi32, #tpu.memory_space<hbm>> -> memref<112xi32, #tpu.memory_space<hbm>>
    %dma_wait3A_30 = tpu.memref_slice %arg5[%multiple_of3A_29] : memref<322560xi32, #tpu.memory_space<hbm>> -> memref<112xi32, #tpu.memory_space<hbm>>
    tpu.wait_dma2 semaphore(%arg21 : memref<!tpu.dma_semaphore, #tpu.memory_space<semaphore_mem>>) src(%dma_wait3A_30 : memref<112xi32, #tpu.memory_space<hbm>>) dst(%arg8 : memref<112xi32, #tpu.memory_space<vmem>>)
    %dma_wait3A_31 = tpu.memref_slice %arg6[%multiple_of3A_29] : memref<322560xi32, #tpu.memory_space<hbm>> -> memref<112xi32, #tpu.memory_space<hbm>>
    %dma_wait3A_32 = tpu.memref_slice %arg6[%multiple_of3A_29] : memref<322560xi32, #tpu.memory_space<hbm>> -> memref<112xi32, #tpu.memory_space<hbm>>
    tpu.wait_dma2 semaphore(%arg21 : memref<!tpu.dma_semaphore, #tpu.memory_space<semaphore_mem>>) src(%dma_wait3A_32 : memref<112xi32, #tpu.memory_space<hbm>>) dst(%arg10 : memref<112xi32, #tpu.memory_space<vmem>>)
    %dma_start3A_33 = arith.constant 0 : i32
    %dma_start3A_34 = arith.constant 0 : i32
    %dma_start3A_35 = tpu.memref_slice %arg2[%dma_start3A_33, %dma_start3A_34] : memref<10016x128xf32, #tpu.memory_space<hbm>> -> memref<10016x128xf32, #tpu.memory_space<hbm>>
    tpu.enqueue_indirect_dma source(%dma_start3A_35 : memref<10016x128xf32, #tpu.memory_space<hbm>>) target(%arg14 : memref<112x128xf32, #tpu.memory_space<vmem>>) offsets(%arg8 : memref<112xi32, #tpu.memory_space<vmem>>) semaphore(%arg23 : memref<!tpu.dma_semaphore, #tpu.memory_space<semaphore_mem>>)
    %dma_start3A_36 = arith.constant 0 : i32
    %dma_start3A_37 = arith.constant 0 : i32
    %dma_start3A_38 = tpu.memref_slice %arg3[%dma_start3A_36, %dma_start3A_37] : memref<10016x128xf32, #tpu.memory_space<hbm>> -> memref<10016x128xf32, #tpu.memory_space<hbm>>
    tpu.enqueue_indirect_dma source(%dma_start3A_38 : memref<10016x128xf32, #tpu.memory_space<hbm>>) target(%arg16 : memref<112x128xf32, #tpu.memory_space<vmem>>) offsets(%arg8 : memref<112xi32, #tpu.memory_space<vmem>>) semaphore(%arg23 : memref<!tpu.dma_semaphore, #tpu.memory_space<semaphore_mem>>)
    %dma_start3A_39 = arith.constant 0 : i32
    %dma_start3A_40 = arith.constant 0 : i32
    %dma_start3A_41 = tpu.memref_slice %arg4[%dma_start3A_39, %dma_start3A_40] : memref<10016x128xf32, #tpu.memory_space<hbm>> -> memref<10016x128xf32, #tpu.memory_space<hbm>>
    tpu.enqueue_indirect_dma source(%dma_start3A_41 : memref<10016x128xf32, #tpu.memory_space<hbm>>) target(%arg18 : memref<112x128xf32, #tpu.memory_space<vmem>>) offsets(%arg10 : memref<112xi32, #tpu.memory_space<vmem>>) semaphore(%arg23 : memref<!tpu.dma_semaphore, #tpu.memory_space<semaphore_mem>>)
    %barrier3A = arith.constant 0 : index
    tpu.barrier barrier_id(%barrier3A)
    %scan3A_42 = arith.constant 0 : i32
    %scan3A_43 = arith.constant 0 : i32
    %scan3A_44 = arith.constant 90 : i32
    %scan3A_45 = arith.addi %scan3A_43, %scan3A_44 : i32
    %scan3A_46 = arith.constant 1 : i32
    %scan3A_47 = scf.for %scan3A_57 = %scan3A_43 to %scan3A_45 step %scan3A_46 iter_args(%scan3A_58 = %scan3A_42) -> (i32)  : i32 {
      %mul3A_59 = arith.constant 2 : i32
      %mul3A_60 = arith.muli %mul3A_59, %scan3A_57 : i32
      %add3A_61 = arith.constant 1 : i32
      %add3A_62 = arith.addi %mul3A_60, %add3A_61 : i32
      %lt3A = arith.constant 180 : i32
      %lt3A_63 = arith.cmpi slt, %add3A_62, %lt3A : i32
      %convert_element_type3A = arith.extui %lt3A_63 : i1 to i32
      %cond3A = arith.constant 0 : i32
      %cond3A_64 = arith.cmpi ne, %convert_element_type3A, %cond3A : i32
      scf.if %cond3A_64 {
        %add3A_135 = arith.constant 1 : i32
        %add3A_136 = arith.addi %mul3A_60, %add3A_135 : i32
        %mul3A_137 = arith.constant 112 : i32
        %mul3A_138 = arith.muli %add3A_136, %mul3A_137 : i32
        %add3A_139 = arith.addi %mul3A_2, %mul3A_138 : i32
        %multiple_of3A_140 = tpu.assume_multiple %add3A_139, 8 : i32
        %dma_start3A_141 = tpu.memref_slice %arg5[%multiple_of3A_140] : memref<322560xi32, #tpu.memory_space<hbm>> -> memref<112xi32, #tpu.memory_space<hbm>>
        %dma_start3A_142 = tpu.memref_slice %arg5[%multiple_of3A_140] : memref<322560xi32, #tpu.memory_space<hbm>> -> memref<112xi32, #tpu.memory_space<hbm>>
        tpu.enqueue_dma source(%dma_start3A_142 : memref<112xi32, #tpu.memory_space<hbm>>) target(%arg9 : memref<112xi32, #tpu.memory_space<vmem>>) target_semaphore(%arg22 : memref<!tpu.dma_semaphore, #tpu.memory_space<semaphore_mem>>)
        %dma_start3A_143 = tpu.memref_slice %arg6[%multiple_of3A_140] : memref<322560xi32, #tpu.memory_space<hbm>> -> memref<112xi32, #tpu.memory_space<hbm>>
        %dma_start3A_144 = tpu.memref_slice %arg6[%multiple_of3A_140] : memref<322560xi32, #tpu.memory_space<hbm>> -> memref<112xi32, #tpu.memory_space<hbm>>
        tpu.enqueue_dma source(%dma_start3A_144 : memref<112xi32, #tpu.memory_space<hbm>>) target(%arg11 : memref<112xi32, #tpu.memory_space<vmem>>) target_semaphore(%arg22 : memref<!tpu.dma_semaphore, #tpu.memory_space<semaphore_mem>>)
      } else {
      }
      %dma_wait3A_65 = arith.constant 0 : i32
      %dma_wait3A_66 = arith.constant 0 : i32
      %dma_wait3A_67 = tpu.memref_slice %arg2[%dma_wait3A_65, %dma_wait3A_66] : memref<10016x128xf32, #tpu.memory_space<hbm>> -> memref<10016x128xf32, #tpu.memory_space<hbm>>
      tpu.wait_indirect_dma semaphore(%arg23 : memref<!tpu.dma_semaphore, #tpu.memory_space<semaphore_mem>>) src(%dma_wait3A_67 : memref<10016x128xf32, #tpu.memory_space<hbm>>) dst(%arg14 : memref<112x128xf32, #tpu.memory_space<vmem>>)
      %dma_wait3A_68 = arith.constant 0 : i32
      %dma_wait3A_69 = arith.constant 0 : i32
      %dma_wait3A_70 = tpu.memref_slice %arg3[%dma_wait3A_68, %dma_wait3A_69] : memref<10016x128xf32, #tpu.memory_space<hbm>> -> memref<10016x128xf32, #tpu.memory_space<hbm>>
      tpu.wait_indirect_dma semaphore(%arg23 : memref<!tpu.dma_semaphore, #tpu.memory_space<semaphore_mem>>) src(%dma_wait3A_70 : memref<10016x128xf32, #tpu.memory_space<hbm>>) dst(%arg16 : memref<112x128xf32, #tpu.memory_space<vmem>>)
      %dma_wait3A_71 = arith.constant 0 : i32
      %dma_wait3A_72 = arith.constant 0 : i32
      %dma_wait3A_73 = tpu.memref_slice %arg4[%dma_wait3A_71, %dma_wait3A_72] : memref<10016x128xf32, #tpu.memory_space<hbm>> -> memref<10016x128xf32, #tpu.memory_space<hbm>>
      tpu.wait_indirect_dma semaphore(%arg23 : memref<!tpu.dma_semaphore, #tpu.memory_space<semaphore_mem>>) src(%dma_wait3A_73 : memref<10016x128xf32, #tpu.memory_space<hbm>>) dst(%arg18 : memref<112x128xf32, #tpu.memory_space<vmem>>)
      %parallel_loop3A = arith.constant 0 : i32
      %parallel_loop3A_74 = arith.constant 7 : i32
      %parallel_loop3A_75 = arith.constant 1 : i32
      scf.for %parallel_loop3A_135 = %parallel_loop3A to %parallel_loop3A_74 step %parallel_loop3A_75  : i32 {
        %parallel_loop3A_136 = arith.constant 16 : i32
        %parallel_loop3A_137 = arith.muli %parallel_loop3A_135, %parallel_loop3A_136 : i32
        %parallel_loop3A_138 = arith.index_cast %parallel_loop3A_137 : i32 to index
        %parallel_loop3A_139 = tpu.vector_load %arg10[%parallel_loop3A_138] {strides = array<i32>} : memref<112xi32, #tpu.memory_space<vmem>>, vector<16xi32>,
        %parallel_loop3A_140 = vector.shape_cast %parallel_loop3A_139 : vector<16xi32> to vector<16xi32>
        %parallel_loop3A_141 = vector.broadcast %mul3A_0 : i32 to vector<16xi32>
        %parallel_loop3A_142 = arith.subi %parallel_loop3A_140, %parallel_loop3A_141 : vector<16xi32>
        %parallel_loop3A_143 = arith.constant 0 : i32
        %parallel_loop3A_144 = vector.broadcast %parallel_loop3A_143 : i32 to vector<16xi32>
        %parallel_loop3A_145 = arith.cmpi slt, %parallel_loop3A_142, %parallel_loop3A_144 : vector<16xi32>
        %parallel_loop3A_146 = arith.constant 5120 : i32
        %parallel_loop3A_147 = vector.broadcast %parallel_loop3A_146 : i32 to vector<16xi32>
        %parallel_loop3A_148 = arith.cmpi sge, %parallel_loop3A_142, %parallel_loop3A_147 : vector<16xi32>
        %parallel_loop3A_149 = arith.ori %parallel_loop3A_145, %parallel_loop3A_148 : vector<16xi1>
        %parallel_loop3A_150 = arith.constant 5120 : i32
        %parallel_loop3A_151 = vector.broadcast %parallel_loop3A_150 : i32 to vector<16xi32>
        %parallel_loop3A_152 = arith.select %parallel_loop3A_149, %parallel_loop3A_151, %parallel_loop3A_142 : vector<16xi1>, vector<16xi32>
        %parallel_loop3A_153 = arith.constant 16 : i32
        %parallel_loop3A_154 = arith.muli %parallel_loop3A_135, %parallel_loop3A_153 : i32
        %parallel_loop3A_155 = arith.index_cast %parallel_loop3A_154 : i32 to index
        %parallel_loop3A_156 = tpu.vector_load %arg12[%parallel_loop3A_155] {strides = array<i32>} : memref<112xi32, #tpu.memory_space<vmem>>, vector<16xi32>,
        %parallel_loop3A_157 = vector.shape_cast %parallel_loop3A_156 : vector<16xi32> to vector<16xi32>
        %parallel_loop3A_158 = vector.shape_cast %parallel_loop3A_152 : vector<16xi32> to vector<16xi32>
        tpu.vector_store %arg12[%parallel_loop3A_155], %parallel_loop3A_158 {strides = array<i32>} : memref<112xi32, #tpu.memory_space<vmem>>, vector<16xi32>,
      } {sc.loop_unroll_factor = 2 : i64, sc.parallel_access}
      %parallel_loop3A_76 = arith.constant 0 : i32
      %parallel_loop3A_77 = arith.constant 112 : i32
      %parallel_loop3A_78 = arith.constant 1 : i32
      scf.for %parallel_loop3A_135 = %parallel_loop3A_76 to %parallel_loop3A_77 step %parallel_loop3A_78  : i32 {
        %parallel_loop3A_136 = arith.index_cast %parallel_loop3A_135 : i32 to index
        %parallel_loop3A_137 = arith.constant 0 : index
        %parallel_loop3A_138 = tpu.vector_load %arg18[%parallel_loop3A_136, %parallel_loop3A_137] {strides = array<i32>} : memref<112x128xf32, #tpu.memory_space<vmem>>, vector<1x16xf32>,
        %parallel_loop3A_139 = vector.shape_cast %parallel_loop3A_138 : vector<1x16xf32> to vector<16xf32>
        %parallel_loop3A_140 = arith.index_cast %parallel_loop3A_135 : i32 to index
        %parallel_loop3A_141 = arith.constant 0 : index
        %parallel_loop3A_142 = tpu.vector_load %arg16[%parallel_loop3A_140, %parallel_loop3A_141] {strides = array<i32>} : memref<112x128xf32, #tpu.memory_space<vmem>>, vector<1x16xf32>,
        %parallel_loop3A_143 = vector.shape_cast %parallel_loop3A_142 : vector<1x16xf32> to vector<16xf32>
        %parallel_loop3A_144 = arith.index_cast %parallel_loop3A_135 : i32 to index
        %parallel_loop3A_145 = arith.constant 64 : index
        %parallel_loop3A_146 = tpu.vector_load %arg14[%parallel_loop3A_144, %parallel_loop3A_145] {strides = array<i32>} : memref<112x128xf32, #tpu.memory_space<vmem>>, vector<1x16xf32>,
        %parallel_loop3A_147 = vector.shape_cast %parallel_loop3A_146 : vector<1x16xf32> to vector<16xf32>
        %parallel_loop3A_148 = arith.addf %parallel_loop3A_139, %parallel_loop3A_143 : vector<16xf32>
        %parallel_loop3A_149 = arith.constant 0.000000e+00 : f32
        %parallel_loop3A_150 = vector.broadcast %parallel_loop3A_149 : f32 to vector<16xf32>
        %parallel_loop3A_151 = arith.subf %parallel_loop3A_150, %parallel_loop3A_148 : vector<16xf32>
        %parallel_loop3A_152 = math.exp %parallel_loop3A_151 : vector<16xf32>
        %parallel_loop3A_153 = arith.constant 1.000000e+00 : f32
        %parallel_loop3A_154 = vector.broadcast %parallel_loop3A_153 : f32 to vector<16xf32>
        %parallel_loop3A_155 = arith.addf %parallel_loop3A_154, %parallel_loop3A_152 : vector<16xf32>
        %parallel_loop3A_156 = arith.divf %parallel_loop3A_147, %parallel_loop3A_155 : vector<16xf32>
        %parallel_loop3A_157 = arith.index_cast %parallel_loop3A_135 : i32 to index
        %parallel_loop3A_158 = arith.constant 64 : index
        %parallel_loop3A_159 = tpu.vector_load %arg14[%parallel_loop3A_157, %parallel_loop3A_158] {strides = array<i32>} : memref<112x128xf32, #tpu.memory_space<vmem>>, vector<1x16xf32>,
        %parallel_loop3A_160 = vector.shape_cast %parallel_loop3A_159 : vector<1x16xf32> to vector<16xf32>
        %parallel_loop3A_161 = vector.shape_cast %parallel_loop3A_156 : vector<16xf32> to vector<1x16xf32>
        tpu.vector_store %arg14[%parallel_loop3A_157, %parallel_loop3A_158], %parallel_loop3A_161 {strides = array<i32>} : memref<112x128xf32, #tpu.memory_space<vmem>>, vector<1x16xf32>,
        %parallel_loop3A_162 = arith.index_cast %parallel_loop3A_135 : i32 to index
        %parallel_loop3A_163 = arith.constant 16 : index
        %parallel_loop3A_164 = tpu.vector_load %arg18[%parallel_loop3A_162, %parallel_loop3A_163] {strides = array<i32>} : memref<112x128xf32, #tpu.memory_space<vmem>>, vector<1x16xf32>,
        %parallel_loop3A_165 = vector.shape_cast %parallel_loop3A_164 : vector<1x16xf32> to vector<16xf32>
        %parallel_loop3A_166 = arith.index_cast %parallel_loop3A_135 : i32 to index
        %parallel_loop3A_167 = arith.constant 16 : index
        %parallel_loop3A_168 = tpu.vector_load %arg16[%parallel_loop3A_166, %parallel_loop3A_167] {strides = array<i32>} : memref<112x128xf32, #tpu.memory_space<vmem>>, vector<1x16xf32>,
        %parallel_loop3A_169 = vector.shape_cast %parallel_loop3A_168 : vector<1x16xf32> to vector<16xf32>
        %parallel_loop3A_170 = arith.index_cast %parallel_loop3A_135 : i32 to index
        %parallel_loop3A_171 = arith.constant 80 : index
        %parallel_loop3A_172 = tpu.vector_load %arg14[%parallel_loop3A_170, %parallel_loop3A_171] {strides = array<i32>} : memref<112x128xf32, #tpu.memory_space<vmem>>, vector<1x16xf32>,
        %parallel_loop3A_173 = vector.shape_cast %parallel_loop3A_172 : vector<1x16xf32> to vector<16xf32>
        %parallel_loop3A_174 = arith.addf %parallel_loop3A_165, %parallel_loop3A_169 : vector<16xf32>
        %parallel_loop3A_175 = arith.constant 0.000000e+00 : f32
        %parallel_loop3A_176 = vector.broadcast %parallel_loop3A_175 : f32 to vector<16xf32>
        %parallel_loop3A_177 = arith.subf %parallel_loop3A_176, %parallel_loop3A_174 : vector<16xf32>
        %parallel_loop3A_178 = math.exp %parallel_loop3A_177 : vector<16xf32>
        %parallel_loop3A_179 = arith.constant 1.000000e+00 : f32
        %parallel_loop3A_180 = vector.broadcast %parallel_loop3A_179 : f32 to vector<16xf32>
        %parallel_loop3A_181 = arith.addf %parallel_loop3A_180, %parallel_loop3A_178 : vector<16xf32>
        %parallel_loop3A_182 = arith.divf %parallel_loop3A_173, %parallel_loop3A_181 : vector<16xf32>
        %parallel_loop3A_183 = arith.index_cast %parallel_loop3A_135 : i32 to index
        %parallel_loop3A_184 = arith.constant 80 : index
        %parallel_loop3A_185 = tpu.vector_load %arg14[%parallel_loop3A_183, %parallel_loop3A_184] {strides = array<i32>} : memref<112x128xf32, #tpu.memory_space<vmem>>, vector<1x16xf32>,
        %parallel_loop3A_186 = vector.shape_cast %parallel_loop3A_185 : vector<1x16xf32> to vector<16xf32>
        %parallel_loop3A_187 = vector.shape_cast %parallel_loop3A_182 : vector<16xf32> to vector<1x16xf32>
        tpu.vector_store %arg14[%parallel_loop3A_183, %parallel_loop3A_184], %parallel_loop3A_187 {strides = array<i32>} : memref<112x128xf32, #tpu.memory_space<vmem>>, vector<1x16xf32>,
        %parallel_loop3A_188 = arith.index_cast %parallel_loop3A_135 : i32 to index
        %parallel_loop3A_189 = arith.constant 32 : index
        %parallel_loop3A_190 = tpu.vector_load %arg18[%parallel_loop3A_188, %parallel_loop3A_189] {strides = array<i32>} : memref<112x128xf32, #tpu.memory_space<vmem>>, vector<1x16xf32>,
        %parallel_loop3A_191 = vector.shape_cast %parallel_loop3A_190 : vector<1x16xf32> to vector<16xf32>
        %parallel_loop3A_192 = arith.index_cast %parallel_loop3A_135 : i32 to index
        %parallel_loop3A_193 = arith.constant 32 : index
        %parallel_loop3A_194 = tpu.vector_load %arg16[%parallel_loop3A_192, %parallel_loop3A_193] {strides = array<i32>} : memref<112x128xf32, #tpu.memory_space<vmem>>, vector<1x16xf32>,
        %parallel_loop3A_195 = vector.shape_cast %parallel_loop3A_194 : vector<1x16xf32> to vector<16xf32>
        %parallel_loop3A_196 = arith.index_cast %parallel_loop3A_135 : i32 to index
        %parallel_loop3A_197 = arith.constant 96 : index
        %parallel_loop3A_198 = tpu.vector_load %arg14[%parallel_loop3A_196, %parallel_loop3A_197] {strides = array<i32>} : memref<112x128xf32, #tpu.memory_space<vmem>>, vector<1x16xf32>,
        %parallel_loop3A_199 = vector.shape_cast %parallel_loop3A_198 : vector<1x16xf32> to vector<16xf32>
        %parallel_loop3A_200 = arith.addf %parallel_loop3A_191, %parallel_loop3A_195 : vector<16xf32>
        %parallel_loop3A_201 = arith.constant 0.000000e+00 : f32
        %parallel_loop3A_202 = vector.broadcast %parallel_loop3A_201 : f32 to vector<16xf32>
        %parallel_loop3A_203 = arith.subf %parallel_loop3A_202, %parallel_loop3A_200 : vector<16xf32>
        %parallel_loop3A_204 = math.exp %parallel_loop3A_203 : vector<16xf32>
        %parallel_loop3A_205 = arith.constant 1.000000e+00 : f32
        %parallel_loop3A_206 = vector.broadcast %parallel_loop3A_205 : f32 to vector<16xf32>
        %parallel_loop3A_207 = arith.addf %parallel_loop3A_206, %parallel_loop3A_204 : vector<16xf32>
        %parallel_loop3A_208 = arith.divf %parallel_loop3A_199, %parallel_loop3A_207 : vector<16xf32>
        %parallel_loop3A_209 = arith.index_cast %parallel_loop3A_135 : i32 to index
        %parallel_loop3A_210 = arith.constant 96 : index
        %parallel_loop3A_211 = tpu.vector_load %arg14[%parallel_loop3A_209, %parallel_loop3A_210] {strides = array<i32>} : memref<112x128xf32, #tpu.memory_space<vmem>>, vector<1x16xf32>,
        %parallel_loop3A_212 = vector.shape_cast %parallel_loop3A_211 : vector<1x16xf32> to vector<16xf32>
        %parallel_loop3A_213 = vector.shape_cast %parallel_loop3A_208 : vector<16xf32> to vector<1x16xf32>
        tpu.vector_store %arg14[%parallel_loop3A_209, %parallel_loop3A_210], %parallel_loop3A_213 {strides = array<i32>} : memref<112x128xf32, #tpu.memory_space<vmem>>, vector<1x16xf32>,
        %parallel_loop3A_214 = arith.index_cast %parallel_loop3A_135 : i32 to index
        %parallel_loop3A_215 = arith.constant 48 : index
        %parallel_loop3A_216 = tpu.vector_load %arg18[%parallel_loop3A_214, %parallel_loop3A_215] {strides = array<i32>} : memref<112x128xf32, #tpu.memory_space<vmem>>, vector<1x16xf32>,
        %parallel_loop3A_217 = vector.shape_cast %parallel_loop3A_216 : vector<1x16xf32> to vector<16xf32>
        %parallel_loop3A_218 = arith.index_cast %parallel_loop3A_135 : i32 to index
        %parallel_loop3A_219 = arith.constant 48 : index
        %parallel_loop3A_220 = tpu.vector_load %arg16[%parallel_loop3A_218, %parallel_loop3A_219] {strides = array<i32>} : memref<112x128xf32, #tpu.memory_space<vmem>>, vector<1x16xf32>,
        %parallel_loop3A_221 = vector.shape_cast %parallel_loop3A_220 : vector<1x16xf32> to vector<16xf32>
        %parallel_loop3A_222 = arith.index_cast %parallel_loop3A_135 : i32 to index
        %parallel_loop3A_223 = arith.constant 112 : index
        %parallel_loop3A_224 = tpu.vector_load %arg14[%parallel_loop3A_222, %parallel_loop3A_223] {strides = array<i32>} : memref<112x128xf32, #tpu.memory_space<vmem>>, vector<1x16xf32>,
        %parallel_loop3A_225 = vector.shape_cast %parallel_loop3A_224 : vector<1x16xf32> to vector<16xf32>
        %parallel_loop3A_226 = arith.addf %parallel_loop3A_217, %parallel_loop3A_221 : vector<16xf32>
        %parallel_loop3A_227 = arith.constant 0.000000e+00 : f32
        %parallel_loop3A_228 = vector.broadcast %parallel_loop3A_227 : f32 to vector<16xf32>
        %parallel_loop3A_229 = arith.subf %parallel_loop3A_228, %parallel_loop3A_226 : vector<16xf32>
        %parallel_loop3A_230 = math.exp %parallel_loop3A_229 : vector<16xf32>
        %parallel_loop3A_231 = arith.constant 1.000000e+00 : f32
        %parallel_loop3A_232 = vector.broadcast %parallel_loop3A_231 : f32 to vector<16xf32>
        %parallel_loop3A_233 = arith.addf %parallel_loop3A_232, %parallel_loop3A_230 : vector<16xf32>
        %parallel_loop3A_234 = arith.divf %parallel_loop3A_225, %parallel_loop3A_233 : vector<16xf32>
        %parallel_loop3A_235 = arith.index_cast %parallel_loop3A_135 : i32 to index
        %parallel_loop3A_236 = arith.constant 112 : index
        %parallel_loop3A_237 = tpu.vector_load %arg14[%parallel_loop3A_235, %parallel_loop3A_236] {strides = array<i32>} : memref<112x128xf32, #tpu.memory_space<vmem>>, vector<1x16xf32>,
        %parallel_loop3A_238 = vector.shape_cast %parallel_loop3A_237 : vector<1x16xf32> to vector<16xf32>
        %parallel_loop3A_239 = vector.shape_cast %parallel_loop3A_234 : vector<16xf32> to vector<1x16xf32>
        tpu.vector_store %arg14[%parallel_loop3A_235, %parallel_loop3A_236], %parallel_loop3A_239 {strides = array<i32>} : memref<112x128xf32, #tpu.memory_space<vmem>>, vector<1x16xf32>,
      } {sc.loop_unroll_factor = 4 : i64, sc.parallel_access}
      %gt3A = arith.constant 0 : i32
      %gt3A_79 = arith.cmpi sgt, %mul3A_60, %gt3A : i32
      %convert_element_type3A_80 = arith.extui %gt3A_79 : i1 to i32
      %cond3A_81 = arith.constant 0 : i32
      %cond3A_82 = arith.cmpi ne, %convert_element_type3A_80, %cond3A_81 : i32
      scf.if %cond3A_82 {
        %dma_wait3A_135 = arith.constant 0 : i32
        %dma_wait3A_136 = arith.constant 0 : i32
        %dma_wait3A_137 = tpu.memref_slice %arg20[%dma_wait3A_135, %dma_wait3A_136] : memref<5248x128xf32, #tpu.memory_space<vmem_shared>> -> memref<5248x128xf32, #tpu.memory_space<vmem_shared>>
        tpu.wait_indirect_dma semaphore(%arg26 : memref<!tpu.dma_semaphore, #tpu.memory_space<semaphore_mem>>) src(%arg15 : memref<112x128xf32, #tpu.memory_space<vmem>>) dst(%dma_wait3A_137 : memref<5248x128xf32, #tpu.memory_space<vmem_shared>>)
      } else {
      }
      %add3A_83 = arith.constant 1 : i32
      %add3A_84 = arith.addi %mul3A_60, %add3A_83 : i32
      %lt3A_85 = arith.constant 180 : i32
      %lt3A_86 = arith.cmpi slt, %add3A_84, %lt3A_85 : i32
      %convert_element_type3A_87 = arith.extui %lt3A_86 : i1 to i32
      %cond3A_88 = arith.constant 0 : i32
      %cond3A_89 = arith.cmpi ne, %convert_element_type3A_87, %cond3A_88 : i32
      scf.if %cond3A_89 {
        %add3A_135 = arith.constant 1 : i32
        %add3A_136 = arith.addi %mul3A_60, %add3A_135 : i32
        %mul3A_137 = arith.constant 112 : i32
        %mul3A_138 = arith.muli %add3A_136, %mul3A_137 : i32
        %add3A_139 = arith.addi %mul3A_2, %mul3A_138 : i32
        %multiple_of3A_140 = tpu.assume_multiple %add3A_139, 8 : i32
        %dma_wait3A_141 = tpu.memref_slice %arg5[%multiple_of3A_140] : memref<322560xi32, #tpu.memory_space<hbm>> -> memref<112xi32, #tpu.memory_space<hbm>>
        %dma_wait3A_142 = tpu.memref_slice %arg5[%multiple_of3A_140] : memref<322560xi32, #tpu.memory_space<hbm>> -> memref<112xi32, #tpu.memory_space<hbm>>
        tpu.wait_dma2 semaphore(%arg22 : memref<!tpu.dma_semaphore, #tpu.memory_space<semaphore_mem>>) src(%dma_wait3A_142 : memref<112xi32, #tpu.memory_space<hbm>>) dst(%arg9 : memref<112xi32, #tpu.memory_space<vmem>>)
        %dma_wait3A_143 = tpu.memref_slice %arg6[%multiple_of3A_140] : memref<322560xi32, #tpu.memory_space<hbm>> -> memref<112xi32, #tpu.memory_space<hbm>>
        %dma_wait3A_144 = tpu.memref_slice %arg6[%multiple_of3A_140] : memref<322560xi32, #tpu.memory_space<hbm>> -> memref<112xi32, #tpu.memory_space<hbm>>
        tpu.wait_dma2 semaphore(%arg22 : memref<!tpu.dma_semaphore, #tpu.memory_space<semaphore_mem>>) src(%dma_wait3A_144 : memref<112xi32, #tpu.memory_space<hbm>>) dst(%arg11 : memref<112xi32, #tpu.memory_space<vmem>>)
        %dma_start3A_145 = arith.constant 0 : i32
        %dma_start3A_146 = arith.constant 0 : i32
        %dma_start3A_147 = tpu.memref_slice %arg2[%dma_start3A_145, %dma_start3A_146] : memref<10016x128xf32, #tpu.memory_space<hbm>> -> memref<10016x128xf32, #tpu.memory_space<hbm>>
        tpu.enqueue_indirect_dma source(%dma_start3A_147 : memref<10016x128xf32, #tpu.memory_space<hbm>>) target(%arg15 : memref<112x128xf32, #tpu.memory_space<vmem>>) offsets(%arg9 : memref<112xi32, #tpu.memory_space<vmem>>) semaphore(%arg24 : memref<!tpu.dma_semaphore, #tpu.memory_space<semaphore_mem>>)
        %dma_start3A_148 = arith.constant 0 : i32
        %dma_start3A_149 = arith.constant 0 : i32
        %dma_start3A_150 = tpu.memref_slice %arg3[%dma_start3A_148, %dma_start3A_149] : memref<10016x128xf32, #tpu.memory_space<hbm>> -> memref<10016x128xf32, #tpu.memory_space<hbm>>
        tpu.enqueue_indirect_dma source(%dma_start3A_150 : memref<10016x128xf32, #tpu.memory_space<hbm>>) target(%arg17 : memref<112x128xf32, #tpu.memory_space<vmem>>) offsets(%arg9 : memref<112xi32, #tpu.memory_space<vmem>>) semaphore(%arg24 : memref<!tpu.dma_semaphore, #tpu.memory_space<semaphore_mem>>)
        %dma_start3A_151 = arith.constant 0 : i32
        %dma_start3A_152 = arith.constant 0 : i32
        %dma_start3A_153 = tpu.memref_slice %arg4[%dma_start3A_151, %dma_start3A_152] : memref<10016x128xf32, #tpu.memory_space<hbm>> -> memref<10016x128xf32, #tpu.memory_space<hbm>>
        tpu.enqueue_indirect_dma source(%dma_start3A_153 : memref<10016x128xf32, #tpu.memory_space<hbm>>) target(%arg19 : memref<112x128xf32, #tpu.memory_space<vmem>>) offsets(%arg11 : memref<112xi32, #tpu.memory_space<vmem>>) semaphore(%arg24 : memref<!tpu.dma_semaphore, #tpu.memory_space<semaphore_mem>>)
      } else {
      }
      %dma_start3A_90 = arith.constant 0 : i32
      %dma_start3A_91 = arith.constant 0 : i32
      %dma_start3A_92 = tpu.memref_slice %arg20[%dma_start3A_90, %dma_start3A_91] : memref<5248x128xf32, #tpu.memory_space<vmem_shared>> -> memref<5248x128xf32, #tpu.memory_space<vmem_shared>>
      tpu.enqueue_indirect_dma source(%arg14 : memref<112x128xf32, #tpu.memory_space<vmem>>) target(%dma_start3A_92 : memref<5248x128xf32, #tpu.memory_space<vmem_shared>>) offsets(%arg12 : memref<112xi32, #tpu.memory_space<vmem>>) semaphore(%arg25 : memref<!tpu.dma_semaphore, #tpu.memory_space<semaphore_mem>>) {add = true}
      %mul3A_93 = arith.constant 2 : i32
      %mul3A_94 = arith.muli %mul3A_93, %scan3A_57 : i32
      %add3A_95 = arith.constant 1 : i32
      %add3A_96 = arith.addi %mul3A_94, %add3A_95 : i32
      %add3A_97 = arith.constant 1 : i32
      %add3A_98 = arith.addi %add3A_96, %add3A_97 : i32
      %lt3A_99 = arith.constant 180 : i32
      %lt3A_100 = arith.cmpi slt, %add3A_98, %lt3A_99 : i32
      %convert_element_type3A_101 = arith.extui %lt3A_100 : i1 to i32
      %cond3A_102 = arith.constant 0 : i32
      %cond3A_103 = arith.cmpi ne, %convert_element_type3A_101, %cond3A_102 : i32
      scf.if %cond3A_103 {
        %add3A_135 = arith.constant 1 : i32
        %add3A_136 = arith.addi %add3A_96, %add3A_135 : i32
        %mul3A_137 = arith.constant 112 : i32
        %mul3A_138 = arith.muli %add3A_136, %mul3A_137 : i32
        %add3A_139 = arith.addi %mul3A_2, %mul3A_138 : i32
        %multiple_of3A_140 = tpu.assume_multiple %add3A_139, 8 : i32
        %dma_start3A_141 = tpu.memref_slice %arg5[%multiple_of3A_140] : memref<322560xi32, #tpu.memory_space<hbm>> -> memref<112xi32, #tpu.memory_space<hbm>>
        %dma_start3A_142 = tpu.memref_slice %arg5[%multiple_of3A_140] : memref<322560xi32, #tpu.memory_space<hbm>> -> memref<112xi32, #tpu.memory_space<hbm>>
        tpu.enqueue_dma source(%dma_start3A_142 : memref<112xi32, #tpu.memory_space<hbm>>) target(%arg8 : memref<112xi32, #tpu.memory_space<vmem>>) target_semaphore(%arg21 : memref<!tpu.dma_semaphore, #tpu.memory_space<semaphore_mem>>)
        %dma_start3A_143 = tpu.memref_slice %arg6[%multiple_of3A_140] : memref<322560xi32, #tpu.memory_space<hbm>> -> memref<112xi32, #tpu.memory_space<hbm>>
        %dma_start3A_144 = tpu.memref_slice %arg6[%multiple_of3A_140] : memref<322560xi32, #tpu.memory_space<hbm>> -> memref<112xi32, #tpu.memory_space<hbm>>
        tpu.enqueue_dma source(%dma_start3A_144 : memref<112xi32, #tpu.memory_space<hbm>>) target(%arg10 : memref<112xi32, #tpu.memory_space<vmem>>) target_semaphore(%arg21 : memref<!tpu.dma_semaphore, #tpu.memory_space<semaphore_mem>>)
      } else {
      }
      %dma_wait3A_104 = arith.constant 0 : i32
      %dma_wait3A_105 = arith.constant 0 : i32
      %dma_wait3A_106 = tpu.memref_slice %arg2[%dma_wait3A_104, %dma_wait3A_105] : memref<10016x128xf32, #tpu.memory_space<hbm>> -> memref<10016x128xf32, #tpu.memory_space<hbm>>
      tpu.wait_indirect_dma semaphore(%arg24 : memref<!tpu.dma_semaphore, #tpu.memory_space<semaphore_mem>>) src(%dma_wait3A_106 : memref<10016x128xf32, #tpu.memory_space<hbm>>) dst(%arg15 : memref<112x128xf32, #tpu.memory_space<vmem>>)
      %dma_wait3A_107 = arith.constant 0 : i32
      %dma_wait3A_108 = arith.constant 0 : i32
      %dma_wait3A_109 = tpu.memref_slice %arg3[%dma_wait3A_107, %dma_wait3A_108] : memref<10016x128xf32, #tpu.memory_space<hbm>> -> memref<10016x128xf32, #tpu.memory_space<hbm>>
      tpu.wait_indirect_dma semaphore(%arg24 : memref<!tpu.dma_semaphore, #tpu.memory_space<semaphore_mem>>) src(%dma_wait3A_109 : memref<10016x128xf32, #tpu.memory_space<hbm>>) dst(%arg17 : memref<112x128xf32, #tpu.memory_space<vmem>>)
      %dma_wait3A_110 = arith.constant 0 : i32
      %dma_wait3A_111 = arith.constant 0 : i32
      %dma_wait3A_112 = tpu.memref_slice %arg4[%dma_wait3A_110, %dma_wait3A_111] : memref<10016x128xf32, #tpu.memory_space<hbm>> -> memref<10016x128xf32, #tpu.memory_space<hbm>>
      tpu.wait_indirect_dma semaphore(%arg24 : memref<!tpu.dma_semaphore, #tpu.memory_space<semaphore_mem>>) src(%dma_wait3A_112 : memref<10016x128xf32, #tpu.memory_space<hbm>>) dst(%arg19 : memref<112x128xf32, #tpu.memory_space<vmem>>)
      %parallel_loop3A_113 = arith.constant 0 : i32
      %parallel_loop3A_114 = arith.constant 7 : i32
      %parallel_loop3A_115 = arith.constant 1 : i32
      scf.for %parallel_loop3A_135 = %parallel_loop3A_113 to %parallel_loop3A_114 step %parallel_loop3A_115  : i32 {
        %parallel_loop3A_136 = arith.constant 16 : i32
        %parallel_loop3A_137 = arith.muli %parallel_loop3A_135, %parallel_loop3A_136 : i32
        %parallel_loop3A_138 = arith.index_cast %parallel_loop3A_137 : i32 to index
        %parallel_loop3A_139 = tpu.vector_load %arg11[%parallel_loop3A_138] {strides = array<i32>} : memref<112xi32, #tpu.memory_space<vmem>>, vector<16xi32>,
        %parallel_loop3A_140 = vector.shape_cast %parallel_loop3A_139 : vector<16xi32> to vector<16xi32>
        %parallel_loop3A_141 = vector.broadcast %mul3A_0 : i32 to vector<16xi32>
        %parallel_loop3A_142 = arith.subi %parallel_loop3A_140, %parallel_loop3A_141 : vector<16xi32>
        %parallel_loop3A_143 = arith.constant 0 : i32
        %parallel_loop3A_144 = vector.broadcast %parallel_loop3A_143 : i32 to vector<16xi32>
        %parallel_loop3A_145 = arith.cmpi slt, %parallel_loop3A_142, %parallel_loop3A_144 : vector<16xi32>
        %parallel_loop3A_146 = arith.constant 5120 : i32
        %parallel_loop3A_147 = vector.broadcast %parallel_loop3A_146 : i32 to vector<16xi32>
        %parallel_loop3A_148 = arith.cmpi sge, %parallel_loop3A_142, %parallel_loop3A_147 : vector<16xi32>
        %parallel_loop3A_149 = arith.ori %parallel_loop3A_145, %parallel_loop3A_148 : vector<16xi1>
        %parallel_loop3A_150 = arith.constant 5120 : i32
        %parallel_loop3A_151 = vector.broadcast %parallel_loop3A_150 : i32 to vector<16xi32>
        %parallel_loop3A_152 = arith.select %parallel_loop3A_149, %parallel_loop3A_151, %parallel_loop3A_142 : vector<16xi1>, vector<16xi32>
        %parallel_loop3A_153 = arith.constant 16 : i32
        %parallel_loop3A_154 = arith.muli %parallel_loop3A_135, %parallel_loop3A_153 : i32
        %parallel_loop3A_155 = arith.index_cast %parallel_loop3A_154 : i32 to index
        %parallel_loop3A_156 = tpu.vector_load %arg13[%parallel_loop3A_155] {strides = array<i32>} : memref<112xi32, #tpu.memory_space<vmem>>, vector<16xi32>,
        %parallel_loop3A_157 = vector.shape_cast %parallel_loop3A_156 : vector<16xi32> to vector<16xi32>
        %parallel_loop3A_158 = vector.shape_cast %parallel_loop3A_152 : vector<16xi32> to vector<16xi32>
        tpu.vector_store %arg13[%parallel_loop3A_155], %parallel_loop3A_158 {strides = array<i32>} : memref<112xi32, #tpu.memory_space<vmem>>, vector<16xi32>,
      } {sc.loop_unroll_factor = 2 : i64, sc.parallel_access}
      %parallel_loop3A_116 = arith.constant 0 : i32
      %parallel_loop3A_117 = arith.constant 112 : i32
      %parallel_loop3A_118 = arith.constant 1 : i32
      scf.for %parallel_loop3A_135 = %parallel_loop3A_116 to %parallel_loop3A_117 step %parallel_loop3A_118  : i32 {
        %parallel_loop3A_136 = arith.index_cast %parallel_loop3A_135 : i32 to index
        %parallel_loop3A_137 = arith.constant 0 : index
        %parallel_loop3A_138 = tpu.vector_load %arg19[%parallel_loop3A_136, %parallel_loop3A_137] {strides = array<i32>} : memref<112x128xf32, #tpu.memory_space<vmem>>, vector<1x16xf32>,
        %parallel_loop3A_139 = vector.shape_cast %parallel_loop3A_138 : vector<1x16xf32> to vector<16xf32>
        %parallel_loop3A_140 = arith.index_cast %parallel_loop3A_135 : i32 to index
        %parallel_loop3A_141 = arith.constant 0 : index
        %parallel_loop3A_142 = tpu.vector_load %arg17[%parallel_loop3A_140, %parallel_loop3A_141] {strides = array<i32>} : memref<112x128xf32, #tpu.memory_space<vmem>>, vector<1x16xf32>,
        %parallel_loop3A_143 = vector.shape_cast %parallel_loop3A_142 : vector<1x16xf32> to vector<16xf32>
        %parallel_loop3A_144 = arith.index_cast %parallel_loop3A_135 : i32 to index
        %parallel_loop3A_145 = arith.constant 64 : index
        %parallel_loop3A_146 = tpu.vector_load %arg15[%parallel_loop3A_144, %parallel_loop3A_145] {strides = array<i32>} : memref<112x128xf32, #tpu.memory_space<vmem>>, vector<1x16xf32>,
        %parallel_loop3A_147 = vector.shape_cast %parallel_loop3A_146 : vector<1x16xf32> to vector<16xf32>
        %parallel_loop3A_148 = arith.addf %parallel_loop3A_139, %parallel_loop3A_143 : vector<16xf32>
        %parallel_loop3A_149 = arith.constant 0.000000e+00 : f32
        %parallel_loop3A_150 = vector.broadcast %parallel_loop3A_149 : f32 to vector<16xf32>
        %parallel_loop3A_151 = arith.subf %parallel_loop3A_150, %parallel_loop3A_148 : vector<16xf32>
        %parallel_loop3A_152 = math.exp %parallel_loop3A_151 : vector<16xf32>
        %parallel_loop3A_153 = arith.constant 1.000000e+00 : f32
        %parallel_loop3A_154 = vector.broadcast %parallel_loop3A_153 : f32 to vector<16xf32>
        %parallel_loop3A_155 = arith.addf %parallel_loop3A_154, %parallel_loop3A_152 : vector<16xf32>
        %parallel_loop3A_156 = arith.divf %parallel_loop3A_147, %parallel_loop3A_155 : vector<16xf32>
        %parallel_loop3A_157 = arith.index_cast %parallel_loop3A_135 : i32 to index
        %parallel_loop3A_158 = arith.constant 64 : index
        %parallel_loop3A_159 = tpu.vector_load %arg15[%parallel_loop3A_157, %parallel_loop3A_158] {strides = array<i32>} : memref<112x128xf32, #tpu.memory_space<vmem>>, vector<1x16xf32>,
        %parallel_loop3A_160 = vector.shape_cast %parallel_loop3A_159 : vector<1x16xf32> to vector<16xf32>
        %parallel_loop3A_161 = vector.shape_cast %parallel_loop3A_156 : vector<16xf32> to vector<1x16xf32>
        tpu.vector_store %arg15[%parallel_loop3A_157, %parallel_loop3A_158], %parallel_loop3A_161 {strides = array<i32>} : memref<112x128xf32, #tpu.memory_space<vmem>>, vector<1x16xf32>,
        %parallel_loop3A_162 = arith.index_cast %parallel_loop3A_135 : i32 to index
        %parallel_loop3A_163 = arith.constant 16 : index
        %parallel_loop3A_164 = tpu.vector_load %arg19[%parallel_loop3A_162, %parallel_loop3A_163] {strides = array<i32>} : memref<112x128xf32, #tpu.memory_space<vmem>>, vector<1x16xf32>,
        %parallel_loop3A_165 = vector.shape_cast %parallel_loop3A_164 : vector<1x16xf32> to vector<16xf32>
        %parallel_loop3A_166 = arith.index_cast %parallel_loop3A_135 : i32 to index
        %parallel_loop3A_167 = arith.constant 16 : index
        %parallel_loop3A_168 = tpu.vector_load %arg17[%parallel_loop3A_166, %parallel_loop3A_167] {strides = array<i32>} : memref<112x128xf32, #tpu.memory_space<vmem>>, vector<1x16xf32>,
        %parallel_loop3A_169 = vector.shape_cast %parallel_loop3A_168 : vector<1x16xf32> to vector<16xf32>
        %parallel_loop3A_170 = arith.index_cast %parallel_loop3A_135 : i32 to index
        %parallel_loop3A_171 = arith.constant 80 : index
        %parallel_loop3A_172 = tpu.vector_load %arg15[%parallel_loop3A_170, %parallel_loop3A_171] {strides = array<i32>} : memref<112x128xf32, #tpu.memory_space<vmem>>, vector<1x16xf32>,
        %parallel_loop3A_173 = vector.shape_cast %parallel_loop3A_172 : vector<1x16xf32> to vector<16xf32>
        %parallel_loop3A_174 = arith.addf %parallel_loop3A_165, %parallel_loop3A_169 : vector<16xf32>
        %parallel_loop3A_175 = arith.constant 0.000000e+00 : f32
        %parallel_loop3A_176 = vector.broadcast %parallel_loop3A_175 : f32 to vector<16xf32>
        %parallel_loop3A_177 = arith.subf %parallel_loop3A_176, %parallel_loop3A_174 : vector<16xf32>
        %parallel_loop3A_178 = math.exp %parallel_loop3A_177 : vector<16xf32>
        %parallel_loop3A_179 = arith.constant 1.000000e+00 : f32
        %parallel_loop3A_180 = vector.broadcast %parallel_loop3A_179 : f32 to vector<16xf32>
        %parallel_loop3A_181 = arith.addf %parallel_loop3A_180, %parallel_loop3A_178 : vector<16xf32>
        %parallel_loop3A_182 = arith.divf %parallel_loop3A_173, %parallel_loop3A_181 : vector<16xf32>
        %parallel_loop3A_183 = arith.index_cast %parallel_loop3A_135 : i32 to index
        %parallel_loop3A_184 = arith.constant 80 : index
        %parallel_loop3A_185 = tpu.vector_load %arg15[%parallel_loop3A_183, %parallel_loop3A_184] {strides = array<i32>} : memref<112x128xf32, #tpu.memory_space<vmem>>, vector<1x16xf32>,
        %parallel_loop3A_186 = vector.shape_cast %parallel_loop3A_185 : vector<1x16xf32> to vector<16xf32>
        %parallel_loop3A_187 = vector.shape_cast %parallel_loop3A_182 : vector<16xf32> to vector<1x16xf32>
        tpu.vector_store %arg15[%parallel_loop3A_183, %parallel_loop3A_184], %parallel_loop3A_187 {strides = array<i32>} : memref<112x128xf32, #tpu.memory_space<vmem>>, vector<1x16xf32>,
        %parallel_loop3A_188 = arith.index_cast %parallel_loop3A_135 : i32 to index
        %parallel_loop3A_189 = arith.constant 32 : index
        %parallel_loop3A_190 = tpu.vector_load %arg19[%parallel_loop3A_188, %parallel_loop3A_189] {strides = array<i32>} : memref<112x128xf32, #tpu.memory_space<vmem>>, vector<1x16xf32>,
        %parallel_loop3A_191 = vector.shape_cast %parallel_loop3A_190 : vector<1x16xf32> to vector<16xf32>
        %parallel_loop3A_192 = arith.index_cast %parallel_loop3A_135 : i32 to index
        %parallel_loop3A_193 = arith.constant 32 : index
        %parallel_loop3A_194 = tpu.vector_load %arg17[%parallel_loop3A_192, %parallel_loop3A_193] {strides = array<i32>} : memref<112x128xf32, #tpu.memory_space<vmem>>, vector<1x16xf32>,
        %parallel_loop3A_195 = vector.shape_cast %parallel_loop3A_194 : vector<1x16xf32> to vector<16xf32>
        %parallel_loop3A_196 = arith.index_cast %parallel_loop3A_135 : i32 to index
        %parallel_loop3A_197 = arith.constant 96 : index
        %parallel_loop3A_198 = tpu.vector_load %arg15[%parallel_loop3A_196, %parallel_loop3A_197] {strides = array<i32>} : memref<112x128xf32, #tpu.memory_space<vmem>>, vector<1x16xf32>,
        %parallel_loop3A_199 = vector.shape_cast %parallel_loop3A_198 : vector<1x16xf32> to vector<16xf32>
        %parallel_loop3A_200 = arith.addf %parallel_loop3A_191, %parallel_loop3A_195 : vector<16xf32>
        %parallel_loop3A_201 = arith.constant 0.000000e+00 : f32
        %parallel_loop3A_202 = vector.broadcast %parallel_loop3A_201 : f32 to vector<16xf32>
        %parallel_loop3A_203 = arith.subf %parallel_loop3A_202, %parallel_loop3A_200 : vector<16xf32>
        %parallel_loop3A_204 = math.exp %parallel_loop3A_203 : vector<16xf32>
        %parallel_loop3A_205 = arith.constant 1.000000e+00 : f32
        %parallel_loop3A_206 = vector.broadcast %parallel_loop3A_205 : f32 to vector<16xf32>
        %parallel_loop3A_207 = arith.addf %parallel_loop3A_206, %parallel_loop3A_204 : vector<16xf32>
        %parallel_loop3A_208 = arith.divf %parallel_loop3A_199, %parallel_loop3A_207 : vector<16xf32>
        %parallel_loop3A_209 = arith.index_cast %parallel_loop3A_135 : i32 to index
        %parallel_loop3A_210 = arith.constant 96 : index
        %parallel_loop3A_211 = tpu.vector_load %arg15[%parallel_loop3A_209, %parallel_loop3A_210] {strides = array<i32>} : memref<112x128xf32, #tpu.memory_space<vmem>>, vector<1x16xf32>,
        %parallel_loop3A_212 = vector.shape_cast %parallel_loop3A_211 : vector<1x16xf32> to vector<16xf32>
        %parallel_loop3A_213 = vector.shape_cast %parallel_loop3A_208 : vector<16xf32> to vector<1x16xf32>
        tpu.vector_store %arg15[%parallel_loop3A_209, %parallel_loop3A_210], %parallel_loop3A_213 {strides = array<i32>} : memref<112x128xf32, #tpu.memory_space<vmem>>, vector<1x16xf32>,
        %parallel_loop3A_214 = arith.index_cast %parallel_loop3A_135 : i32 to index
        %parallel_loop3A_215 = arith.constant 48 : index
        %parallel_loop3A_216 = tpu.vector_load %arg19[%parallel_loop3A_214, %parallel_loop3A_215] {strides = array<i32>} : memref<112x128xf32, #tpu.memory_space<vmem>>, vector<1x16xf32>,
        %parallel_loop3A_217 = vector.shape_cast %parallel_loop3A_216 : vector<1x16xf32> to vector<16xf32>
        %parallel_loop3A_218 = arith.index_cast %parallel_loop3A_135 : i32 to index
        %parallel_loop3A_219 = arith.constant 48 : index
        %parallel_loop3A_220 = tpu.vector_load %arg17[%parallel_loop3A_218, %parallel_loop3A_219] {strides = array<i32>} : memref<112x128xf32, #tpu.memory_space<vmem>>, vector<1x16xf32>,
        %parallel_loop3A_221 = vector.shape_cast %parallel_loop3A_220 : vector<1x16xf32> to vector<16xf32>
        %parallel_loop3A_222 = arith.index_cast %parallel_loop3A_135 : i32 to index
        %parallel_loop3A_223 = arith.constant 112 : index
        %parallel_loop3A_224 = tpu.vector_load %arg15[%parallel_loop3A_222, %parallel_loop3A_223] {strides = array<i32>} : memref<112x128xf32, #tpu.memory_space<vmem>>, vector<1x16xf32>,
        %parallel_loop3A_225 = vector.shape_cast %parallel_loop3A_224 : vector<1x16xf32> to vector<16xf32>
        %parallel_loop3A_226 = arith.addf %parallel_loop3A_217, %parallel_loop3A_221 : vector<16xf32>
        %parallel_loop3A_227 = arith.constant 0.000000e+00 : f32
        %parallel_loop3A_228 = vector.broadcast %parallel_loop3A_227 : f32 to vector<16xf32>
        %parallel_loop3A_229 = arith.subf %parallel_loop3A_228, %parallel_loop3A_226 : vector<16xf32>
        %parallel_loop3A_230 = math.exp %parallel_loop3A_229 : vector<16xf32>
        %parallel_loop3A_231 = arith.constant 1.000000e+00 : f32
        %parallel_loop3A_232 = vector.broadcast %parallel_loop3A_231 : f32 to vector<16xf32>
        %parallel_loop3A_233 = arith.addf %parallel_loop3A_232, %parallel_loop3A_230 : vector<16xf32>
        %parallel_loop3A_234 = arith.divf %parallel_loop3A_225, %parallel_loop3A_233 : vector<16xf32>
        %parallel_loop3A_235 = arith.index_cast %parallel_loop3A_135 : i32 to index
        %parallel_loop3A_236 = arith.constant 112 : index
        %parallel_loop3A_237 = tpu.vector_load %arg15[%parallel_loop3A_235, %parallel_loop3A_236] {strides = array<i32>} : memref<112x128xf32, #tpu.memory_space<vmem>>, vector<1x16xf32>,
        %parallel_loop3A_238 = vector.shape_cast %parallel_loop3A_237 : vector<1x16xf32> to vector<16xf32>
        %parallel_loop3A_239 = vector.shape_cast %parallel_loop3A_234 : vector<16xf32> to vector<1x16xf32>
        tpu.vector_store %arg15[%parallel_loop3A_235, %parallel_loop3A_236], %parallel_loop3A_239 {strides = array<i32>} : memref<112x128xf32, #tpu.memory_space<vmem>>, vector<1x16xf32>,
      } {sc.loop_unroll_factor = 4 : i64, sc.parallel_access}
      %gt3A_119 = arith.constant 0 : i32
      %gt3A_120 = arith.cmpi sgt, %add3A_96, %gt3A_119 : i32
      %convert_element_type3A_121 = arith.extui %gt3A_120 : i1 to i32
      %cond3A_122 = arith.constant 0 : i32
      %cond3A_123 = arith.cmpi ne, %convert_element_type3A_121, %cond3A_122 : i32
      scf.if %cond3A_123 {
        %dma_wait3A_135 = arith.constant 0 : i32
        %dma_wait3A_136 = arith.constant 0 : i32
        %dma_wait3A_137 = tpu.memref_slice %arg20[%dma_wait3A_135, %dma_wait3A_136] : memref<5248x128xf32, #tpu.memory_space<vmem_shared>> -> memref<5248x128xf32, #tpu.memory_space<vmem_shared>>
        tpu.wait_indirect_dma semaphore(%arg25 : memref<!tpu.dma_semaphore, #tpu.memory_space<semaphore_mem>>) src(%arg14 : memref<112x128xf32, #tpu.memory_space<vmem>>) dst(%dma_wait3A_137 : memref<5248x128xf32, #tpu.memory_space<vmem_shared>>)
      } else {
      }
      %add3A_124 = arith.constant 1 : i32
      %add3A_125 = arith.addi %add3A_96, %add3A_124 : i32
      %lt3A_126 = arith.constant 180 : i32
      %lt3A_127 = arith.cmpi slt, %add3A_125, %lt3A_126 : i32
      %convert_element_type3A_128 = arith.extui %lt3A_127 : i1 to i32
      %cond3A_129 = arith.constant 0 : i32
      %cond3A_130 = arith.cmpi ne, %convert_element_type3A_128, %cond3A_129 : i32
      scf.if %cond3A_130 {
        %add3A_135 = arith.constant 1 : i32
        %add3A_136 = arith.addi %add3A_96, %add3A_135 : i32
        %mul3A_137 = arith.constant 112 : i32
        %mul3A_138 = arith.muli %add3A_136, %mul3A_137 : i32
        %add3A_139 = arith.addi %mul3A_2, %mul3A_138 : i32
        %multiple_of3A_140 = tpu.assume_multiple %add3A_139, 8 : i32
        %dma_wait3A_141 = tpu.memref_slice %arg5[%multiple_of3A_140] : memref<322560xi32, #tpu.memory_space<hbm>> -> memref<112xi32, #tpu.memory_space<hbm>>
        %dma_wait3A_142 = tpu.memref_slice %arg5[%multiple_of3A_140] : memref<322560xi32, #tpu.memory_space<hbm>> -> memref<112xi32, #tpu.memory_space<hbm>>
        tpu.wait_dma2 semaphore(%arg21 : memref<!tpu.dma_semaphore, #tpu.memory_space<semaphore_mem>>) src(%dma_wait3A_142 : memref<112xi32, #tpu.memory_space<hbm>>) dst(%arg8 : memref<112xi32, #tpu.memory_space<vmem>>)
        %dma_wait3A_143 = tpu.memref_slice %arg6[%multiple_of3A_140] : memref<322560xi32, #tpu.memory_space<hbm>> -> memref<112xi32, #tpu.memory_space<hbm>>
        %dma_wait3A_144 = tpu.memref_slice %arg6[%multiple_of3A_140] : memref<322560xi32, #tpu.memory_space<hbm>> -> memref<112xi32, #tpu.memory_space<hbm>>
        tpu.wait_dma2 semaphore(%arg21 : memref<!tpu.dma_semaphore, #tpu.memory_space<semaphore_mem>>) src(%dma_wait3A_144 : memref<112xi32, #tpu.memory_space<hbm>>) dst(%arg10 : memref<112xi32, #tpu.memory_space<vmem>>)
        %dma_start3A_145 = arith.constant 0 : i32
        %dma_start3A_146 = arith.constant 0 : i32
        %dma_start3A_147 = tpu.memref_slice %arg2[%dma_start3A_145, %dma_start3A_146] : memref<10016x128xf32, #tpu.memory_space<hbm>> -> memref<10016x128xf32, #tpu.memory_space<hbm>>
        tpu.enqueue_indirect_dma source(%dma_start3A_147 : memref<10016x128xf32, #tpu.memory_space<hbm>>) target(%arg14 : memref<112x128xf32, #tpu.memory_space<vmem>>) offsets(%arg8 : memref<112xi32, #tpu.memory_space<vmem>>) semaphore(%arg23 : memref<!tpu.dma_semaphore, #tpu.memory_space<semaphore_mem>>)
        %dma_start3A_148 = arith.constant 0 : i32
        %dma_start3A_149 = arith.constant 0 : i32
        %dma_start3A_150 = tpu.memref_slice %arg3[%dma_start3A_148, %dma_start3A_149] : memref<10016x128xf32, #tpu.memory_space<hbm>> -> memref<10016x128xf32, #tpu.memory_space<hbm>>
        tpu.enqueue_indirect_dma source(%dma_start3A_150 : memref<10016x128xf32, #tpu.memory_space<hbm>>) target(%arg16 : memref<112x128xf32, #tpu.memory_space<vmem>>) offsets(%arg8 : memref<112xi32, #tpu.memory_space<vmem>>) semaphore(%arg23 : memref<!tpu.dma_semaphore, #tpu.memory_space<semaphore_mem>>)
        %dma_start3A_151 = arith.constant 0 : i32
        %dma_start3A_152 = arith.constant 0 : i32
        %dma_start3A_153 = tpu.memref_slice %arg4[%dma_start3A_151, %dma_start3A_152] : memref<10016x128xf32, #tpu.memory_space<hbm>> -> memref<10016x128xf32, #tpu.memory_space<hbm>>
        tpu.enqueue_indirect_dma source(%dma_start3A_153 : memref<10016x128xf32, #tpu.memory_space<hbm>>) target(%arg18 : memref<112x128xf32, #tpu.memory_space<vmem>>) offsets(%arg10 : memref<112xi32, #tpu.memory_space<vmem>>) semaphore(%arg23 : memref<!tpu.dma_semaphore, #tpu.memory_space<semaphore_mem>>)
      } else {
      }
      %dma_start3A_131 = arith.constant 0 : i32
      %dma_start3A_132 = arith.constant 0 : i32
      %dma_start3A_133 = tpu.memref_slice %arg20[%dma_start3A_131, %dma_start3A_132] : memref<5248x128xf32, #tpu.memory_space<vmem_shared>> -> memref<5248x128xf32, #tpu.memory_space<vmem_shared>>
      tpu.enqueue_indirect_dma source(%arg15 : memref<112x128xf32, #tpu.memory_space<vmem>>) target(%dma_start3A_133 : memref<5248x128xf32, #tpu.memory_space<vmem_shared>>) offsets(%arg13 : memref<112xi32, #tpu.memory_space<vmem>>) semaphore(%arg26 : memref<!tpu.dma_semaphore, #tpu.memory_space<semaphore_mem>>) {add = true}
      %scan3A_134 = arith.constant 0 : i32
      scf.yield %scan3A_134 : i32
    }
    %scan3A_48 = arith.constant 90 : i32
    %dma_wait3A_49 = arith.constant 0 : i32
    %dma_wait3A_50 = arith.constant 0 : i32
    %dma_wait3A_51 = tpu.memref_slice %arg20[%dma_wait3A_49, %dma_wait3A_50] : memref<5248x128xf32, #tpu.memory_space<vmem_shared>> -> memref<5248x128xf32, #tpu.memory_space<vmem_shared>>
    tpu.wait_indirect_dma semaphore(%arg26 : memref<!tpu.dma_semaphore, #tpu.memory_space<semaphore_mem>>) src(%arg15 : memref<112x128xf32, #tpu.memory_space<vmem>>) dst(%dma_wait3A_51 : memref<5248x128xf32, #tpu.memory_space<vmem_shared>>)
    %barrier3A_52 = arith.constant 0 : index
    tpu.barrier barrier_id(%barrier3A_52)
    %mul3A_53 = arith.constant 320 : i32
    %mul3A_54 = arith.muli %arg1, %mul3A_53 : i32
    %add3A_55 = arith.addi %mul3A_0, %mul3A_54 : i32
    %multiple_of3A_56 = tpu.assume_multiple %add3A_55, 8 : i32
    "tpu.region"() ({
      %run_scoped3A = tpu.sem_alloc : memref<!tpu.dma_semaphore, #tpu.memory_space<semaphore_mem>>
      %dma_start3A_57 = arith.constant 0 : i32
      %dma_start3A_58 = tpu.memref_slice %arg7[%multiple_of3A_56, %dma_start3A_57] : memref<10240x128xf32, #tpu.memory_space<hbm>> -> memref<320x128xf32, #tpu.memory_space<hbm>>
      %dma_start3A_59 = arith.constant 0 : i32
      %dma_start3A_60 = tpu.memref_slice %arg20[%mul3A_54, %dma_start3A_59] : memref<5248x128xf32, #tpu.memory_space<vmem_shared>> -> memref<320x128xf32, #tpu.memory_space<vmem_shared>>
      tpu.enqueue_dma source(%dma_start3A_60 : memref<320x128xf32, #tpu.memory_space<vmem_shared>>) target(%dma_start3A_58 : memref<320x128xf32, #tpu.memory_space<hbm>>) target_semaphore(%run_scoped3A : memref<!tpu.dma_semaphore, #tpu.memory_space<semaphore_mem>>)
      %dma_wait3A_61 = arith.constant 0 : i32
      %dma_wait3A_62 = tpu.memref_slice %arg7[%multiple_of3A_56, %dma_wait3A_61] : memref<10240x128xf32, #tpu.memory_space<hbm>> -> memref<320x128xf32, #tpu.memory_space<hbm>>
      %dma_wait3A_63 = arith.constant 0 : i32
      %dma_wait3A_64 = tpu.memref_slice %arg20[%mul3A_54, %dma_wait3A_63] : memref<5248x128xf32, #tpu.memory_space<vmem_shared>> -> memref<320x128xf32, #tpu.memory_space<vmem_shared>>
      tpu.wait_dma2 semaphore(%run_scoped3A : memref<!tpu.dma_semaphore, #tpu.memory_space<semaphore_mem>>) src(%dma_wait3A_64 : memref<320x128xf32, #tpu.memory_space<vmem_shared>>) dst(%dma_wait3A_62 : memref<320x128xf32, #tpu.memory_space<hbm>>)
      tpu.yield
    }) : () -> ()
    return
  }
}

module attributes {stable_mosaic.version = 14 : i64} {
  func.func @_dense1_body(%arg0: memref<10016x128xf32, #tpu.memory_space<vmem>>, %arg1: memref<128x192xf32, #tpu.memory_space<vmem>>, %arg2: memref<1x192xf32, #tpu.memory_space<vmem>>, %arg3: memref<128x64xf32, #tpu.memory_space<vmem>>, %arg4: memref<1x64xf32, #tpu.memory_space<vmem>>, %arg5: memref<64x64xf32, #tpu.memory_space<vmem>>, %arg6: memref<10016x192xf32, #tpu.memory_space<vmem>>, %arg7: memref<10016x128xf32, #tpu.memory_space<vmem>>, %arg8: memref<10016x128xf32, #tpu.memory_space<vmem>>, %arg9: memref<10016x128xf32, #tpu.memory_space<vmem>>) attributes {dimension_semantics = [], scalar_prefetch = 0 : i64, scratch_operands = 0 : i64, tpu.core_type = #tpu.core_type<tc>} {
    %get3A = arith.constant 0 : index
    %get3A_0 = arith.constant 0 : index
    %get3A_1 = vector.load %arg0[%get3A, %get3A_0] : memref<10016x128xf32, #tpu.memory_space<vmem>>, vector<10016x128xf32>
    %get3A_2 = arith.constant 0 : index
    %get3A_3 = arith.constant 0 : index
    %get3A_4 = vector.load %arg1[%get3A_2, %get3A_3] : memref<128x192xf32, #tpu.memory_space<vmem>>, vector<128x192xf32>
    %dot_general3A = arith.constant dense<0.000000e+00> : vector<10016x192xf32>
    %dot_general3A_5 = tpu.matmul %get3A_1, %get3A_4, %dot_general3A {dimension_numbers = #tpu.dot_dimension_numbers<[1], [0], [0], [1], [0, 0, 1, 1], [], []>, transpose_lhs_hint = false} : vector<10016x128xf32>, vector<128x192xf32>, vector<10016x192xf32> -> vector<10016x192xf32>
    %get3A_6 = arith.constant 0 : index
    %get3A_7 = arith.constant 0 : index
    %get3A_8 = vector.load %arg2[%get3A_6, %get3A_7] : memref<1x192xf32, #tpu.memory_space<vmem>>, vector<1x192xf32>
    %add3A = vector.broadcast %get3A_8 : vector<1x192xf32> to vector<10016x192xf32>
    %add3A_9 = arith.addf %dot_general3A_5, %add3A : vector<10016x192xf32>
    %get3A_10 = arith.constant 0 : index
    %get3A_11 = arith.constant 0 : index
    %get3A_12 = vector.load %arg3[%get3A_10, %get3A_11] : memref<128x64xf32, #tpu.memory_space<vmem>>, vector<128x64xf32>
    %dot_general3A_13 = arith.constant dense<0.000000e+00> : vector<10016x64xf32>
    %dot_general3A_14 = tpu.matmul %get3A_1, %get3A_12, %dot_general3A_13 {dimension_numbers = #tpu.dot_dimension_numbers<[1], [0], [0], [1], [0, 0, 1, 1], [], []>, transpose_lhs_hint = false} : vector<10016x128xf32>, vector<128x64xf32>, vector<10016x64xf32> -> vector<10016x64xf32>
    %get3A_15 = arith.constant 0 : index
    %get3A_16 = arith.constant 0 : index
    %get3A_17 = vector.load %arg4[%get3A_15, %get3A_16] : memref<1x64xf32, #tpu.memory_space<vmem>>, vector<1x64xf32>
    %add3A_18 = vector.broadcast %get3A_17 : vector<1x64xf32> to vector<10016x64xf32>
    %add3A_19 = arith.addf %dot_general3A_14, %add3A_18 : vector<10016x64xf32>
    %swap3A = arith.constant 0 : index
    %swap3A_20 = arith.constant 0 : index
    %swap3A_21 = vector.load %arg6[%swap3A, %swap3A_20] : memref<10016x192xf32, #tpu.memory_space<vmem>>, vector<10016x192xf32>
    tpu.vector_store %arg6[%swap3A, %swap3A_20], %add3A_9 {strides = array<i32>} : memref<10016x192xf32, #tpu.memory_space<vmem>>, vector<10016x192xf32>,
    %slice3A = vector.extract_strided_slice %add3A_9 {offsets = [0, 0], sizes = [10016, 64], strides = [1, 1]} : vector<10016x192xf32> to vector<10016x64xf32>
    %neg3A = arith.constant 0.000000e+00 : f32
    %neg3A_22 = vector.broadcast %neg3A : f32 to vector<10016x64xf32>
    %neg3A_23 = arith.subf %neg3A_22, %slice3A : vector<10016x64xf32>
    %exp3A = math.exp %neg3A_23 : vector<10016x64xf32>
    %add3A_24 = arith.constant 1.000000e+00 : f32
    %add3A_25 = vector.broadcast %add3A_24 : f32 to vector<10016x64xf32>
    %add3A_26 = arith.addf %add3A_25, %exp3A : vector<10016x64xf32>
    %div3A = arith.constant 1.000000e+00 : f32
    %div3A_27 = vector.broadcast %div3A : f32 to vector<10016x64xf32>
    %div3A_28 = arith.divf %div3A_27, %add3A_26 : vector<10016x64xf32>
    %slice3A_29 = vector.extract_strided_slice %add3A_9 {offsets = [0, 64], sizes = [10016, 64], strides = [1, 1]} : vector<10016x192xf32> to vector<10016x64xf32>
    %neg3A_30 = arith.constant 0.000000e+00 : f32
    %neg3A_31 = vector.broadcast %neg3A_30 : f32 to vector<10016x64xf32>
    %neg3A_32 = arith.subf %neg3A_31, %slice3A_29 : vector<10016x64xf32>
    %exp3A_33 = math.exp %neg3A_32 : vector<10016x64xf32>
    %add3A_34 = arith.constant 1.000000e+00 : f32
    %add3A_35 = vector.broadcast %add3A_34 : f32 to vector<10016x64xf32>
    %add3A_36 = arith.addf %add3A_35, %exp3A_33 : vector<10016x64xf32>
    %div3A_37 = arith.constant 1.000000e+00 : f32
    %div3A_38 = vector.broadcast %div3A_37 : f32 to vector<10016x64xf32>
    %div3A_39 = arith.divf %div3A_38, %add3A_36 : vector<10016x64xf32>
    %slice3A_40 = vector.extract_strided_slice %add3A_9 {offsets = [0, 128], sizes = [10016, 64], strides = [1, 1]} : vector<10016x192xf32> to vector<10016x64xf32>
    %tanh3A = math.tanh %slice3A_40 : vector<10016x64xf32>
    %mul3A = arith.mulf %div3A_28, %tanh3A : vector<10016x64xf32>
    %tanh3A_41 = math.tanh %mul3A : vector<10016x64xf32>
    %mul3A_42 = arith.mulf %div3A_39, %tanh3A_41 : vector<10016x64xf32>
    %get3A_43 = arith.constant 0 : index
    %get3A_44 = arith.constant 0 : index
    %get3A_45 = vector.load %arg5[%get3A_43, %get3A_44] : memref<64x64xf32, #tpu.memory_space<vmem>>, vector<64x64xf32>
    %dot_general3A_46 = arith.constant dense<0.000000e+00> : vector<10016x64xf32>
    %dot_general3A_47 = tpu.matmul %mul3A_42, %get3A_45, %dot_general3A_46 {dimension_numbers = #tpu.dot_dimension_numbers<[1], [0], [0], [1], [0, 0, 1, 1], [], []>, transpose_lhs_hint = false} : vector<10016x64xf32>, vector<64x64xf32>, vector<10016x64xf32> -> vector<10016x64xf32>
    %broadcast_in_dim3A = arith.constant 0.000000e+00 : f32
    %broadcast_in_dim3A_48 = vector.broadcast %broadcast_in_dim3A : f32 to vector<10016x64xf32>
    %concatenate3A = tpu.concatenate %mul3A_42, %mul3A in 1 : vector<10016x64xf32>, vector<10016x64xf32> -> vector<10016x128xf32>
    %swap3A_49 = arith.constant 0 : index
    %swap3A_50 = arith.constant 0 : index
    %swap3A_51 = vector.load %arg7[%swap3A_49, %swap3A_50] : memref<10016x128xf32, #tpu.memory_space<vmem>>, vector<10016x128xf32>
    tpu.vector_store %arg7[%swap3A_49, %swap3A_50], %concatenate3A {strides = array<i32>} : memref<10016x128xf32, #tpu.memory_space<vmem>>, vector<10016x128xf32>,
    %concatenate3A_52 = tpu.concatenate %dot_general3A_47, %broadcast_in_dim3A_48 in 1 : vector<10016x64xf32>, vector<10016x64xf32> -> vector<10016x128xf32>
    %swap3A_53 = arith.constant 0 : index
    %swap3A_54 = arith.constant 0 : index
    %swap3A_55 = vector.load %arg8[%swap3A_53, %swap3A_54] : memref<10016x128xf32, #tpu.memory_space<vmem>>, vector<10016x128xf32>
    tpu.vector_store %arg8[%swap3A_53, %swap3A_54], %concatenate3A_52 {strides = array<i32>} : memref<10016x128xf32, #tpu.memory_space<vmem>>, vector<10016x128xf32>,
    %concatenate3A_56 = tpu.concatenate %add3A_19, %broadcast_in_dim3A_48 in 1 : vector<10016x64xf32>, vector<10016x64xf32> -> vector<10016x128xf32>
    %swap3A_57 = arith.constant 0 : index
    %swap3A_58 = arith.constant 0 : index
    %swap3A_59 = vector.load %arg9[%swap3A_57, %swap3A_58] : memref<10016x128xf32, #tpu.memory_space<vmem>>, vector<10016x128xf32>
    tpu.vector_store %arg9[%swap3A_57, %swap3A_58], %concatenate3A_56 {strides = array<i32>} : memref<10016x128xf32, #tpu.memory_space<vmem>>, vector<10016x128xf32>,
    return
  }
}

module attributes {stable_mosaic.version = 14 : i64} {
  func.func @_dense2_body(%arg0: memref<10016x192xf32, #tpu.memory_space<vmem>>, %arg1: memref<10016x128xf32, #tpu.memory_space<vmem>>, %arg2: memref<64x192xf32, #tpu.memory_space<vmem>>, %arg3: memref<64x128xf32, #tpu.memory_space<vmem>>, %arg4: memref<1x128xf32, #tpu.memory_space<vmem>>, %arg5: memref<128x5xf32, #tpu.memory_space<vmem>>, %arg6: memref<1x5xf32, #tpu.memory_space<vmem>>, %arg7: memref<10016x5xf32, #tpu.memory_space<vmem>>, %arg8: memref<10016x1xf32, #tpu.memory_space<vmem>>, %arg9: memref<10016x1xi32, #tpu.memory_space<vmem>>) attributes {dimension_semantics = [], scalar_prefetch = 0 : i64, scratch_operands = 0 : i64, tpu.core_type = #tpu.core_type<tc>} {
    %get3A = arith.constant 0 : index
    %get3A_0 = arith.constant 0 : index
    %get3A_1 = vector.load %arg1[%get3A, %get3A_0] : memref<10016x128xf32, #tpu.memory_space<vmem>>, vector<10016x128xf32>
    %slice3A = vector.extract_strided_slice %get3A_1 {offsets = [0, 0], sizes = [10016, 64], strides = [1, 1]} : vector<10016x128xf32> to vector<10016x64xf32>
    %slice3A_2 = vector.extract_strided_slice %get3A_1 {offsets = [0, 64], sizes = [10016, 64], strides = [1, 1]} : vector<10016x128xf32> to vector<10016x64xf32>
    %get3A_3 = arith.constant 0 : index
    %get3A_4 = arith.constant 0 : index
    %get3A_5 = vector.load %arg0[%get3A_3, %get3A_4] : memref<10016x192xf32, #tpu.memory_space<vmem>>, vector<10016x192xf32>
    %get3A_6 = arith.constant 0 : index
    %get3A_7 = arith.constant 0 : index
    %get3A_8 = vector.load %arg2[%get3A_6, %get3A_7] : memref<64x192xf32, #tpu.memory_space<vmem>>, vector<64x192xf32>
    %dot_general3A = arith.constant dense<0.000000e+00> : vector<10016x192xf32>
    %dot_general3A_9 = tpu.matmul %slice3A, %get3A_8, %dot_general3A {dimension_numbers = #tpu.dot_dimension_numbers<[1], [0], [0], [1], [0, 0, 1, 1], [], []>, transpose_lhs_hint = false} : vector<10016x64xf32>, vector<64x192xf32>, vector<10016x192xf32> -> vector<10016x192xf32>
    %add3A = arith.addf %get3A_5, %dot_general3A_9 : vector<10016x192xf32>
    %slice3A_10 = vector.extract_strided_slice %add3A {offsets = [0, 0], sizes = [10016, 64], strides = [1, 1]} : vector<10016x192xf32> to vector<10016x64xf32>
    %neg3A = arith.constant 0.000000e+00 : f32
    %neg3A_11 = vector.broadcast %neg3A : f32 to vector<10016x64xf32>
    %neg3A_12 = arith.subf %neg3A_11, %slice3A_10 : vector<10016x64xf32>
    %exp3A = math.exp %neg3A_12 : vector<10016x64xf32>
    %add3A_13 = arith.constant 1.000000e+00 : f32
    %add3A_14 = vector.broadcast %add3A_13 : f32 to vector<10016x64xf32>
    %add3A_15 = arith.addf %add3A_14, %exp3A : vector<10016x64xf32>
    %div3A = arith.constant 1.000000e+00 : f32
    %div3A_16 = vector.broadcast %div3A : f32 to vector<10016x64xf32>
    %div3A_17 = arith.divf %div3A_16, %add3A_15 : vector<10016x64xf32>
    %slice3A_18 = vector.extract_strided_slice %add3A {offsets = [0, 64], sizes = [10016, 64], strides = [1, 1]} : vector<10016x192xf32> to vector<10016x64xf32>
    %neg3A_19 = arith.constant 0.000000e+00 : f32
    %neg3A_20 = vector.broadcast %neg3A_19 : f32 to vector<10016x64xf32>
    %neg3A_21 = arith.subf %neg3A_20, %slice3A_18 : vector<10016x64xf32>
    %exp3A_22 = math.exp %neg3A_21 : vector<10016x64xf32>
    %add3A_23 = arith.constant 1.000000e+00 : f32
    %add3A_24 = vector.broadcast %add3A_23 : f32 to vector<10016x64xf32>
    %add3A_25 = arith.addf %add3A_24, %exp3A_22 : vector<10016x64xf32>
    %div3A_26 = arith.constant 1.000000e+00 : f32
    %div3A_27 = vector.broadcast %div3A_26 : f32 to vector<10016x64xf32>
    %div3A_28 = arith.divf %div3A_27, %add3A_25 : vector<10016x64xf32>
    %slice3A_29 = vector.extract_strided_slice %add3A {offsets = [0, 128], sizes = [10016, 64], strides = [1, 1]} : vector<10016x192xf32> to vector<10016x64xf32>
    %tanh3A = math.tanh %slice3A_29 : vector<10016x64xf32>
    %mul3A = arith.mulf %div3A_17, %tanh3A : vector<10016x64xf32>
    %add3A_30 = arith.addf %mul3A, %slice3A_2 : vector<10016x64xf32>
    %tanh3A_31 = math.tanh %add3A_30 : vector<10016x64xf32>
    %mul3A_32 = arith.mulf %div3A_28, %tanh3A_31 : vector<10016x64xf32>
    %get3A_33 = arith.constant 0 : index
    %get3A_34 = arith.constant 0 : index
    %get3A_35 = vector.load %arg3[%get3A_33, %get3A_34] : memref<64x128xf32, #tpu.memory_space<vmem>>, vector<64x128xf32>
    %dot_general3A_36 = arith.constant dense<0.000000e+00> : vector<10016x128xf32>
    %dot_general3A_37 = tpu.matmul %mul3A_32, %get3A_35, %dot_general3A_36 {dimension_numbers = #tpu.dot_dimension_numbers<[1], [0], [0], [1], [0, 0, 1, 1], [], []>, transpose_lhs_hint = false} : vector<10016x64xf32>, vector<64x128xf32>, vector<10016x128xf32> -> vector<10016x128xf32>
    %get3A_38 = arith.constant 0 : index
    %get3A_39 = arith.constant 0 : index
    %get3A_40 = vector.load %arg4[%get3A_38, %get3A_39] : memref<1x128xf32, #tpu.memory_space<vmem>>, vector<1x128xf32>
    %add3A_41 = vector.broadcast %get3A_40 : vector<1x128xf32> to vector<10016x128xf32>
    %add3A_42 = arith.addf %dot_general3A_37, %add3A_41 : vector<10016x128xf32>
    %tanh3A_43 = math.tanh %add3A_42 : vector<10016x128xf32>
    %get3A_44 = arith.constant 0 : index
    %get3A_45 = arith.constant 0 : index
    %get3A_46 = vector.load %arg5[%get3A_44, %get3A_45] : memref<128x5xf32, #tpu.memory_space<vmem>>, vector<128x5xf32>
    %dot_general3A_47 = arith.constant dense<0.000000e+00> : vector<10016x5xf32>
    %dot_general3A_48 = tpu.matmul %tanh3A_43, %get3A_46, %dot_general3A_47 {dimension_numbers = #tpu.dot_dimension_numbers<[1], [0], [0], [1], [0, 0, 1, 1], [], []>, transpose_lhs_hint = false} : vector<10016x128xf32>, vector<128x5xf32>, vector<10016x5xf32> -> vector<10016x5xf32>
    %get3A_49 = arith.constant 0 : index
    %get3A_50 = arith.constant 0 : index
    %get3A_51 = vector.load %arg6[%get3A_49, %get3A_50] : memref<1x5xf32, #tpu.memory_space<vmem>>, vector<1x5xf32>
    %add3A_52 = vector.broadcast %get3A_51 : vector<1x5xf32> to vector<10016x5xf32>
    %add3A_53 = arith.addf %dot_general3A_48, %add3A_52 : vector<10016x5xf32>
    %swap3A = arith.constant 0 : index
    %swap3A_54 = arith.constant 0 : index
    %swap3A_55 = vector.load %arg7[%swap3A, %swap3A_54] : memref<10016x5xf32, #tpu.memory_space<vmem>>, vector<10016x5xf32>
    tpu.vector_store %arg7[%swap3A, %swap3A_54], %add3A_53 {strides = array<i32>} : memref<10016x5xf32, #tpu.memory_space<vmem>>, vector<10016x5xf32>,
    %reduce_max3A = arith.constant dense<0xFF800000> : vector<10016xf32>
    %reduce_max3A_56 = vector.multi_reduction <maximumf>, %add3A_53, %reduce_max3A [1] : vector<10016x5xf32> to vector<10016xf32>
    %broadcast_in_dim3A = vector.shape_cast %reduce_max3A_56 : vector<10016xf32> to vector<10016x1xf32>
    %sub3A = vector.broadcast %broadcast_in_dim3A : vector<10016x1xf32> to vector<10016x5xf32>
    %sub3A_57 = arith.subf %add3A_53, %sub3A : vector<10016x5xf32>
    %exp3A_58 = math.exp %sub3A_57 : vector<10016x5xf32>
    %reduce_sum3A = arith.constant dense<0.000000e+00> : vector<10016xf32>
    %reduce_sum3A_59 = vector.multi_reduction <add>, %exp3A_58, %reduce_sum3A [1] : vector<10016x5xf32> to vector<10016xf32>
    %broadcast_in_dim3A_60 = vector.shape_cast %reduce_sum3A_59 : vector<10016xf32> to vector<10016x1xf32>
    %div3A_61 = arith.constant 1.000000e+00 : f32
    %div3A_62 = vector.broadcast %div3A_61 : f32 to vector<10016x1xf32>
    %div3A_63 = arith.divf %div3A_62, %broadcast_in_dim3A_60 : vector<10016x1xf32>
    %swap3A_64 = arith.constant 0 : index
    %swap3A_65 = arith.constant 0 : index
    %swap3A_66 = vector.load %arg8[%swap3A_64, %swap3A_65] : memref<10016x1xf32, #tpu.memory_space<vmem>>, vector<10016x1xf32>
    tpu.vector_store %arg8[%swap3A_64, %swap3A_65], %div3A_63 {strides = array<i32>} : memref<10016x1xf32, #tpu.memory_space<vmem>>, vector<10016x1xf32>,
    %iota3A = tpu.iota {dimensions = array<i32: 1>} : vector<10016x5xi32>
    %eq3A = vector.broadcast %broadcast_in_dim3A : vector<10016x1xf32> to vector<10016x5xf32>
    %eq3A_67 = arith.cmpf oeq, %add3A_53, %eq3A : vector<10016x5xf32>
    %jit3A = arith.constant 5 : i32
    %broadcast_in_dim3A_68 = vector.broadcast %jit3A : i32 to vector<10016x5xi32>
    %select_n3A = arith.select %eq3A_67, %iota3A, %broadcast_in_dim3A_68 : vector<10016x5xi1>, vector<10016x5xi32>
    %reduce_min3A = arith.constant dense<2147483647> : vector<10016xi32>
    %reduce_min3A_69 = vector.multi_reduction <minsi>, %select_n3A, %reduce_min3A [1] : vector<10016x5xi32> to vector<10016xi32>
    %broadcast_in_dim3A_70 = vector.shape_cast %reduce_min3A_69 : vector<10016xi32> to vector<10016x1xi32>
    %swap3A_71 = arith.constant 0 : index
    %swap3A_72 = arith.constant 0 : index
    %swap3A_73 = vector.load %arg9[%swap3A_71, %swap3A_72] : memref<10016x1xi32, #tpu.memory_space<vmem>>, vector<10016x1xi32>
    tpu.vector_store %arg9[%swap3A_71, %swap3A_72], %broadcast_in_dim3A_70 {strides = array<i32>} : memref<10016x1xi32, #tpu.memory_space<vmem>>, vector<10016x1xi32>,
    return
  }
}

</mosaic_0001>

<sc_bundles>
// kernel: kernel.5.cloned.1.call-start
scs
__scs_entry_jumppad:
0x0: {  	(pc) =	sbr.rel $0x88, $3  }
0x1: {  	(tag) =	ssettag $0x0;
	lr =	simm.s32 $0x1  }
0x2: {  	[smem:$0x3F95] =	sst lr;
	_ =	strace $0xD0000000  }
0x3: {  	_ = 	snop  }
0x4: {  	_ = 	snop  }
0x5: {  	_ = 	snop  }
0x6: {  	_ = 	snop  }
0x7: {  	_ = 	snop  }
__scs_overlays_trampoline_lowered:
0x8: {  	[smem:$0x3FA4] =	sst s0  }
0x9: {  	[smem:$0x3FA5] =	sst s1  }
0xa: {  	[smem:$0x3FA6] =	sst s2  }
0xb: {  	[smem:$0x3FA7] =	sst s3  }
0xc: {  	[smem:$0x3FA8] =	sst s4  }
0xd: {  	[smem:$0x3FA9] =	sst s5  }
0xe: {  	[smem:$0x3FAA] =	sst s6  }
0xf: {  	[smem:$0x3FAB] =	sst s7  }
0x10: {  	[smem:$0x3FAC] =	sst s8  }
0x11: {  	[smem:$0x3FAD] =	sst s9;
	s0 =	simm.s32 @!p0 $0x0  }
0x12: {  	s1 =	sld [smem:$0x3F93];
	s0 =	simm.s32 @p0 $0x1  }
0x13: {  	[smem:$0x3FAE] =	sst s0;
	s0 =	simm.s32 @!p1 $0x0  }
0x14: {  	s2 =	sld [smem:$0x3F92];
	s0 =	simm.s32 @p1 $0x1  }
0x15: {  	[smem:$0x3FAF] =	sst s0;
	s0 =	simm.s32 @!p2 $0x0  }
0x16: {  	s3 =	sld [smem:$0x3FDB];
	s0 =	simm.s32 @p2 $0x1  }
0x17: {  	s4 =	simm.s32 $0x1BF5;
	[smem:$0x3FB1] =	sst s0  }
0x18: {  	s0 =	sld [smem:$0x3F94];
	_ =	swait.ge [sflag:s4], $0x0  }
0x19: {  	s7 =	sld [smem:$0x3F95]  }
0x1a: {  	s8 =	sadd.s32 $0xFFFFE003, lr  }
0x1b: {  	s9 =	sadd.s32 $0xFFFFFEF7, lr;
	s5 =	simm.s32 $0xFFFFFFFF;
	p2 =	slt.u32 s8, $0xFFFFF086  }
0x1c: {  	p1 =	slt.u32 s9, $0xF7A;
	s5 =	simm.s32 @!p2 $0x0  }
0x1d: {  	s5 =	simm.s32 @p1 $0x1;
	p0 =	seq.s32 s7, s2  }
0x1e: {  	s7 =	smul.u32 @!p0 $0xF7A, s2;
	p2 =	seq.s32 @!p0 s5, $0x0  }
0x1f: {  	s9 =	smul.u32 $0xF7A, s1;
	s8 =	simm.s32 @!p0 $0x1BF5;
	p2 =	por !p2, p0  }
0x20: {  	[sflag:s8] =	ssyncset.s32 @!p0 $0xFFFFF086;
	s6 =	sadd.s32 @!p0 s3, s7;
	s7 =	simm.s32 @!p0 $0x108  }
0x21: {  	s3 =	sadd.s32 s3, s9;
	s6 =	sadd.s32 @!p0 $0x88, s6;
	s7 =	simm.s32 @p2 $0x1082  }
0x22: {  	[simem:s7], [sflag:s8] =	dma.local @!p0 [hbm:s6], $0xF7A  }
0x23: {  	s9 =	sor.u32 $0xD0000000, s2;
	s6 =	simm.s32 $0x108;
	_ =	swait.ge @!p0 [sflag:s8], $0x0  }
0x24: {  	s3 =	sadd.s32 $0x88, s3;
	s6 =	simm.s32 @!p1 $0x1082;
	[sflag:s4] =	ssyncset.s32 $0xFFFFF086  }
0x25: {  	[simem:s6], [sflag:s4] =	dma.local [hbm:s3], $0xF7A  }
0x26: {  	[smem:$0x3F95] =	sst s1;
	(tag) =	ssettag s2;
	_ =	strace s9  }
0x27: {  	s1 =	sld [smem:$0x3FA5]  }
0x28: {  	s2 =	sld [smem:$0x3FA6]  }
0x29: {  	s4 =	sld [smem:$0x3FA8]  }
0x2a: {  	p0 =	seq.s32 s5, $0x0;
	s5 =	sld [smem:$0x3FA9]  }
0x2b: {  	s6 =	sld [smem:$0x3FAA]  }
0x2c: {  	s7 =	sld [smem:$0x3FAB]  }
0x2d: {  	s3 =	simm.s32 $0x108;
	s8 =	sld [smem:$0x3FAC]  }
0x2e: {  	s3 =	simm.s32 @!p0 $0x1082;
	s9 =	sld [smem:$0x3FAD]  }
0x2f: {  	lr =	sadd.s32 s0, s3;
	s0 =	sld [smem:$0x3FA4]  }
0x30: {  	s3 =	sld [smem:$0x3FA7]  }
0x31: {  	[smem:$0x3FB0] =	sst s10  }
0x32: {  	s10 =	sld [smem:$0x3FAE];
	_ =	sdelay $0x3  }
0x33: {  	p0 =	seq.s32 s10, $0x1;
	s10 =	sld [smem:$0x3FB0];
	_ =	sdelay $0x3  }
0x34: {  	[smem:$0x3FB0] =	sst s10  }
0x35: {  	s10 =	sld [smem:$0x3FAF];
	_ =	sdelay $0x3  }
0x36: {  	p1 =	seq.s32 s10, $0x1;
	s10 =	sld [smem:$0x3FB0];
	_ =	sdelay $0x3  }
0x37: {  	[smem:$0x3FB0] =	sst s10  }
0x38: {  	s10 =	sld [smem:$0x3FB1]  }
0x39: {  	_ = 	snop;
	(pc) =	sbr.ind lr, $3  }
0x3a: {  	_ = 	snop  }
0x3b: {  	_ = 	snop  }
0x3c: {  	p2 =	seq.s32 s10, $0x1;
	s10 =	sld [smem:$0x3FB0]  }
0x3d: {  	_ =	shalt  }
0x3e: {  	_ =	shalt  }
0x3f: {  	_ =	shalt  }
0x40: {  	_ =	shalt  }
0x41: {  	_ =	shalt  }
0x42: {  	_ =	shalt  }
0x43: {  	_ =	shalt  }
0x44: {  	_ =	shalt  }
0x45: {  	_ =	shalt  }
0x46: {  	_ =	shalt  }
0x47: {  	_ =	shalt  }
0x48: {  	_ =	shalt  }
0x49: {  	_ =	shalt  }
0x4a: {  	_ =	shalt  }
0x4b: {  	_ =	shalt  }
0x4c: {  	_ =	shalt  }
0x4d: {  	_ =	shalt  }
0x4e: {  	_ =	shalt  }
0x4f: {  	_ =	shalt  }
0x50: {  	_ =	shalt  }
0x51: {  	_ =	shalt  }
0x52: {  	_ =	shalt  }
0x53: {  	_ =	shalt  }
0x54: {  	_ =	shalt  }
0x55: {  	_ =	shalt  }
0x56: {  	_ =	shalt  }
0x57: {  	_ =	shalt  }
0x58: {  	_ =	shalt  }
0x59: {  	_ =	shalt  }
0x5a: {  	_ =	shalt  }
0x5b: {  	_ =	shalt  }
0x5c: {  	_ =	shalt  }
0x5d: {  	_ =	shalt  }
0x5e: {  	_ =	shalt  }
0x5f: {  	_ =	shalt  }
0x60: {  	_ =	shalt  }
0x61: {  	_ =	shalt  }
0x62: {  	_ =	shalt  }
0x63: {  	_ =	shalt  }
0x64: {  	_ =	shalt  }
0x65: {  	_ =	shalt  }
0x66: {  	_ =	shalt  }
0x67: {  	_ =	shalt  }
0x68: {  	_ =	shalt  }
0x69: {  	_ =	shalt  }
0x6a: {  	_ =	shalt  }
0x6b: {  	_ =	shalt  }
0x6c: {  	_ =	shalt  }
0x6d: {  	_ =	shalt  }
0x6e: {  	_ =	shalt  }
0x6f: {  	_ =	shalt  }
0x70: {  	_ =	shalt  }
0x71: {  	_ =	shalt  }
0x72: {  	_ =	shalt  }
0x73: {  	_ =	shalt  }
0x74: {  	_ =	shalt  }
0x75: {  	_ =	shalt  }
0x76: {  	_ =	shalt  }
0x77: {  	_ =	shalt  }
0x78: {  	_ =	shalt  }
0x79: {  	_ =	shalt  }
0x7a: {  	_ =	shalt  }
0x7b: {  	_ =	shalt  }
0x7c: {  	_ =	shalt  }
0x7d: {  	_ =	shalt  }
0x7e: {  	_ =	shalt  }
0x7f: {  	_ =	shalt  }
0x80: {  	_ =	shalt  }
0x81: {  	_ =	shalt  }
0x82: {  	_ =	shalt  }
0x83: {  	_ =	shalt  }
0x84: {  	_ =	shalt  }
0x85: {  	_ =	shalt  }
0x86: {  	_ =	shalt  }
0x87: {  	_ =	shalt  }
.Lfunc_end0:
.L_simem_size_0:
called_computation_lowered:
.L_overlay_start_0:
0x88: {  	s2 =	sld [smem:$0x3FD9]  }
0x89: {  	s3 =	sld [smem:$0x3FFE];
	_ =	sdelay $0x1  }
0x8a: {  	s1 =	srdreg.scid  }
0x8b: {  	s0 =	sand.u32 $0x1, s1  }
0x8c: {  	s16 =	sshll.u32 s0, $0xA;
	s2 =	sadd.s32 s3, s2  }
0x8d: {  	s2 =	sadd.s32 s2, s16  }
0x8e: {  	[smem:$0x3FBC] =	sst s2  }
0x8f: {  	_ = 	snop  }
0x90: {  	(tm) =	ssettm $0x1  }
0x91: {  	s17 =	sld [smem:$0x3FFB];
	_ =	sdelay $0x3  }
0x92: {  	_ =	strace s17  }
0x93: {  	s2 =	sld [smem:$0x3FFC];
	_ =	sdelay $0x3  }
0x94: {  	_ =	strace s2  }
0x95: {  	s2 =	sld [smem:$0x3FFD];
	_ =	sdelay $0x3  }
0x96: {  	_ =	strace s2  }
0x97: {  	_ =	strace $0x8FFFFFFF  }
0x98: {  	s18 =	sld [smem:$0x3FDB];
	_ =	sdelay $0x1  }
0x99: {  	s19 =	simm.s32 $_scs_section_size  }
0x9a: {  	s4 =	simm.s32 $_size__tile_overlayer_lowered;
	s5 =	simm.s32 $_tile_overlayer_lowered  }
0x9b: {  	s22 =	simm.s32 $0x1BFF;
	s21 =	sshll.u32 s5, $0x1;
	s2 =	sadd.s32 s19, s18  }
0x9c: {  	s6 =	simm.s32 $0x0;
	s20 =	sshll.u32 s4, $0x1;
	s4 =	sadd.s32 s21, s2  }
0x9d: {  	[timem:s6], [sflag:s22] =	dma.local [hbm:s4], s20  }
0x9e: {  	_ =	swait.ge [sflag:s22], s20  }
0x9f: {  	s3 =	ssub.s32 $0x0, s20;
	[sflag:s22] =	ssyncset.done $0x0  }
0xa0: {  	[sflag:s22] =	ssyncadd.s32 s3;
	_ =	sdelay $0x1  }
0xa1: {  	s23 =	simm.s32 $0x1B8B  }
0xa2: {  	_ =	swait.ge [sflag:s23], $0x1  }
0xa3: {  	[sflag:s23] =	ssyncset.done $0x0  }
0xa4: {  	s25 =	simm.s32 $0x1B8E;
	s24 =	sld [smem:$0x3FFE];
	[sflag:s23] =	ssyncadd.s32 $0xFFFFFFFF  }
0xa5: {  	s26 =	simm.s32 $execute0_lowered;
	[smem:$0x3FD2] =	sst s25  }
0xa6: {  	s4 =	sshll.u32 s26, $0x1;
	_ =	strace $0x80000046;
	[dreg:$0x1] =	wrdreg $0xFFFFFFFF  }
0xa7: {  	s28 =	simm.s32 $_size_execute0_lowered;
	s2 =	sadd.s32 s2, s4;
	[dreg:$0x0] =	wrdreg $0x0  }
0xa8: {  	s4 =	sshll.u32 s28, $0x1;
	[dreg:$0x2] =	wrdreg s2  }
0xa9: {  	[dreg:$0x3] =	wrdreg s4  }
0xaa: {  	[dreg:$0x4] =	wrdreg $0xC0  }
0xab: {  	_ =	task [dreg:s6], $0x5FFFF  }
0xac: {  	[dreg:$0x1] =	wrdreg $0xFFFFFFFF  }
0xad: {  	[dreg:$0x0] =	wrdreg $0x60  }
0xae: {  	[dreg:$0x2] =	wrdreg s24  }
0xaf: {  	[dreg:$0x3] =	wrdreg $0x153000  }
0xb0: {  	[dreg:$0x4] =	wrdreg $0x9  }
0xb1: {  	_ =	task.clear_ibuf [dreg:s6], $0x5FFFF;
	_ =	strace $0x90000046  }
0xb2: {  	s29 =	simm.s32 $0x9;
	_ =	strace $0x80000048  }
0xb3: {  	_ =	swait.ge [sflag:s29], $0x1  }
0xb4: {  	[sflag:s29] =	ssyncadd.s32 $0xFFFFFFFF  }
0xb5: {  	_ =	strace $0x90000048  }
0xb6: {  	_ =	sfence  }
0xb7: {  	s30 =	sld [smem:$0x0];
	_ =	sdelay $0x2  }
0xb8: {  	s31 =	sshll.u32 s1, $0xD;
	s1 =	sshrl.u32 s1, $0x2  }
0xb9: {  	s3 =	sand.u32 $0x4000, s31;
	s1 =	sadd.s32 s1, s30  }
0xba: {  	s0 =	sor.u32 s3, s0;
	s1 =	sshll.u32 s1, $0x11  }
0xbb: {  	s0 =	sor.u32 s1, s0  }
0xbc: {  	s0 =	sadd.s32 $0x8F2B, s0  }
0xbd: {  	[sflag:s0] =	ssyncadd.remote.s32 $0x1  }
0xbe: {  	_ =	sfence.sel $0xFFFF  }
0xbf: {  	[dreg:$0x0] =	wrdreg $0xFFFFFFFF;
	(pc) =	sbr.abs _section_cstart, $3  }
0xc0: {  	[dreg:$0x1] =	wrdreg $0xFFFFFFFF  }
0xc1: {  	_ =	task.clear_ibuf [dreg:s6], $0x2FFFF;
	_ =	strace $0x9FFFFFFF  }
0xc2: {  	(tm) =	ssettm $0x7FFFFFFF  }
0xc3: {  	_ =	shalt  }
tec
execute0_lowered:
.L_overlay_start_1:
0x0: {  	(tag) =	ssettag $0x1  }
0x1: {  	s0 =	rddreg [dreg:$0x0]  }
0x2: {  	s28 =	rddreg [dreg:$0x1];
	s3 =	simm.s32 $0x0  }
0x3: {  	s1 =	srdreg.scid;
	s13 =	stileid.u32;
	s29 =	simm.s32 $0x3  }
0x4: {  	s30 =	simm.s32 $0x2;
	s31 =	simm.s32 $0x3B00;
	s8 =	smul.u32 $0x140, s13  }
0x5: {  	[smem:$0x7FF] =	sst s3;
	s1 =	sand.u32 $0x1, s1;
	s10 =	smul.u32 $0x29000, s13  }
0x6: {  	s4 =	sadd.s32 $0x63200, s0;
	s5 =	sadd.s32 $0x8A400, s0;
	s12 =	smul.u32 $0x4EC0, s13  }
0x7: {  	s6 =	sadd.s32 $0xB1600, s0;
	s7 =	sadd.s32 $0x1200, s0;
	s20 =	smul.u32 $0x28000, s13  }
0x8: {  	s2 =	smul.u32 $0x1400, s1;
	_ =	strace $0x80000047;
	s1 =	ssub.s32 $0x2, s1  }
0x9: {  	s11 =	sshrl.u32 s1, $0x1;
	s10 =	sshrl.u32 s10, $0x2;
	s19 =	sshrl.u32 s12, $0x3  }
0xa: {  	s22 =	sadd.s32 $0x70, s12;
	s23 =	sadd.s32 $0xE0, s12;
	s24 =	sshrl.u32 s20, $0x2  }
0xb: {  	s12 =	simm.s32 $0x5;
	s9 =	sadd.s32 s8, s2;
	s8 =	sadd.s32 $0xB000, s0  }
0xc: {  	s1 =	ssub.s32 s1, s11;
	s17 =	sadd.s32 s10, s28;
	[dreg:$0x8] =	wrdreg s22  }
0xd: {  	s21 =	sadd.s32 s7, s19;
	[dreg:$0x9] =	wrdreg s23;
	s10 =	simm.s32 $0x7  }
0xe: {  	s22 =	simm.s32 $0x70;
	s9 =	sshll.u32 s9, $0x4;
	[dreg:$0x3] =	wrdreg s17  }
0xf: {  	s18 =	sadd.s32 $0x3800, s17;
	s11 =	sadd.s32 $0x7000, s17;
	[dreg:$0x6] =	wrdreg s21  }
0x10: {  	s25 =	smax.u32 s1, $0x1;
	s21 =	simm.s32 $0x1;
	[dreg:$0x4] =	wrdreg s18  }
.Ltmp0:
0x11: {  	s1 =	simm.s32 $0x0;
	[dreg:$0x5] =	wrdreg s11;
	(pc) =	sbr.rel .LBB2_1-.Ltmp0, $4  }
0x12: {  	s0 =	sadd.s32 s9, s0;
	s9 =	sadd.s32 s8, s19;
	[dreg:$0xb] =	wrdreg s25  }
0x13: {  	[dreg:$0x7] =	wrdreg s9;
	s9 =	sadd.s32 s24, s28;
	s0 =	sadd.s32 $0xD8800, s0  }
0x14: {  	s18 =	simm.s32 $0x300;
	[dreg:$0xa] =	wrdreg s0;
	s26 =	sshrl.u32 s9, $0x3  }
0x15: {  	v1 =	vimm.f32 $0.0e+00;
	v0 =	vmov s2;
	s11 =	simm.s32 $0x4;
	[dreg:$0xc] =	wrdreg s26;
	s26 =	simm.s32 $0x80  }
.LBB2_14:
0x16: {  	s0 =	simm.s32 $0x280;
	s20 =	simm.s32 $0x6  }
0x17: {  	[spmem:s28] =	stream.indirect.scatter.add.f32 [tilespmem:s31], [sflag:$0x6], $0x80, s0, s22, $0xb8;
	[tilespmem:$0x1F700] =	vst v63  }
0x18: {  	_ =	swait.ge [sflag:s20], $0x3800  }
0x19: {  	[sflag:s20] =	ssyncset.done $0x0  }
0x1a: {  	[sflag:s20] =	ssyncadd.s32 $0xFFFFC800  }
0x1b: {  	s23 =	stileid.u32;
	[bflag:$0x0] =	sbarrier.arrive $0xFFFF  }
0x1c: {  	s0 =	sshll.u32 s23, $0x6;
	s1 =	rddreg [dreg:$0xa]  }
0x1d: {  	s10 =	simm.s32 $0x7;
	s0 =	sor.u32 $0x1C07, s0;
	s2 =	rddreg [dreg:$0xc]  }
0x1e: {  	[hbm:s1], [sflag:s0] =	dma.local [spmem:s2], $0x1400  }
0x1f: {  	_ =	swait.ge [sflag:s10], $0x1400  }
0x20: {  	s24 =	rddreg [dreg:$0xd]  }
0x21: {  	s25 =	rddreg [dreg:$0xb];
	s1 =	sadd.s32 $0x1, s24  }
0x22: {  	p0 =	sne.s32 s1, s25  }
.Ltmp1:
0x23: {  	_ = 	snop;
	(pc) =	sbr.rel @!p0 .LBB2_15-.Ltmp1, $3  }
0x24: {  	_ =	sdelay $0x1  }
0x25: {  	[sflag:s10] =	ssyncset.done $0x0  }
0x26: {  	[sflag:s10] =	ssyncadd.s32 $0xFFFFEC00  }
.LBB2_1:
0x27: {  	[dreg:$0xd] =	wrdreg s1;
	s0 =	simm.s32 $0x0;
	s1 =	simm.s32 $0x200  }
.LBB2_2:
0x28: {  	p0 =	sne.s32 s1, $0xDE00;
	[tilespmem:s0+$0x370] =	vst v1  }
0x29: {  	[tilespmem:s0+$0x300] =	vst v1  }
0x2a: {  	[tilespmem:s0+$0x310] =	vst v1  }
.Ltmp2:
0x2b: {  	[tilespmem:s0+$0x320] =	vst v1;
	(pc) =	sbr.rel @p0 .LBB2_2-.Ltmp2, $4  }
0x2c: {  	[tilespmem:s0+$0x330] =	vst v1  }
0x2d: {  	[tilespmem:s0+$0x340] =	vst v1  }
0x2e: {  	[tilespmem:s0+$0x350] =	vst v1  }
0x2f: {  	[tilespmem:s0+$0x360] =	vst v1;
	s0 =	sshra.s32 s1, $0x2;
	s1 =	sadd.s32 $0x200, s1  }
0x30: {  	[tilespmem:s0+$0x370] =	vst v1  }
0x31: {  	[tilespmem:s0+$0x300] =	vst v1  }
0x32: {  	[tilespmem:s0+$0x310] =	vst v1  }
0x33: {  	[tilespmem:s0+$0x320] =	vst v1  }
0x34: {  	[tilespmem:s0+$0x330] =	vst v1  }
0x35: {  	[tilespmem:s0+$0x340] =	vst v1  }
0x36: {  	[tilespmem:s0+$0x350] =	vst v1  }
0x37: {  	[tilespmem:s0+$0x360] =	vst v1;
	s15 =	rddreg [dreg:$0x3]  }
0x38: {  	[spmem:s15] =	stream.linear.scatter [tilespmem:s18], [sflag:$0x7], $0x3800, $0x38;
	[tilespmem:$0x1F700] =	vst v63  }
0x39: {  	_ =	swait.ge [sflag:s10], $0x3800  }
0x3a: {  	[sflag:s10] =	ssyncset.done $0x0  }
0x3b: {  	s16 =	rddreg [dreg:$0x4];
	[sflag:s10] =	ssyncadd.s32 $0xFFFFC800  }
0x3c: {  	[spmem:s16] =	stream.linear.scatter [tilespmem:s18], [sflag:$0x7], $0x3800, $0x38;
	[tilespmem:$0x1F700] =	vst v63  }
0x3d: {  	_ =	swait.ge [sflag:s10], $0x3800  }
0x3e: {  	[sflag:s10] =	ssyncset.done $0x0  }
0x3f: {  	s17 =	rddreg [dreg:$0x5];
	[sflag:s10] =	ssyncadd.s32 $0xFFFFC800  }
0x40: {  	[spmem:s17] =	stream.linear.scatter [tilespmem:s18], [sflag:$0x7], $0x3400, $0x38;
	[tilespmem:$0x1F700] =	vst v63  }
0x41: {  	_ =	swait.ge [sflag:s10], $0x3400  }
0x42: {  	[sflag:s10] =	ssyncset.done $0x0  }
0x43: {  	s24 =	simm.s32 $0x0;
	s19 =	rddreg [dreg:$0x6];
	[sflag:s10] =	ssyncadd.s32 $0xFFFFCC00  }
0x44: {  	[tilespmem:s24], [sflag:$0x1] =	stream.linear.gather [hbm4b:s19+s24], $0x70, $0x38;
	[tilespmem:$0x1F700] =	vst v63  }
0x45: {  	s1 =	simm.s32 $0x100;
	s20 =	rddreg [dreg:$0x7]  }
0x46: {  	[tilespmem:s1], [sflag:$0x1] =	stream.linear.gather [hbm4b:s20+s24], $0x70, $0x38;
	[tilespmem:$0x1F700] =	vst v63  }
0x47: {  	_ =	swait.ge [sflag:s21], $0x70  }
0x48: {  	[sflag:s21] =	ssyncset.done $0x0  }
0x49: {  	[sflag:s21] =	ssyncadd.s32 $0xFFFFFF90  }
0x4a: {  	_ =	swait.ge [sflag:s21], $0x70  }
0x4b: {  	[sflag:s21] =	ssyncset.done $0x0  }
0x4c: {  	[sflag:s21] =	ssyncadd.s32 $0xFFFFFF90  }
0x4d: {  	[tilespmem:s18], [sflag:$0x3] =	stream.indirect.gather [hbm4b:s4+s22], $0x80, s24, s22, $0xb8;
	[tilespmem:$0x1F700] =	vst v63  }
0x4e: {  	s23 =	simm.s32 $0x7300  }
0x4f: {  	[tilespmem:s23], [sflag:$0x3] =	stream.indirect.gather [hbm4b:s5+s22], $0x80, s24, s22, $0xb8;
	[tilespmem:$0x1F700] =	vst v63  }
0x50: {  	s25 =	simm.s32 $0xE300  }
0x51: {  	[tilespmem:s25], [sflag:$0x3] =	stream.indirect.gather [hbm4b:s6+s22], $0x80, s1, s22, $0xb8;
	[tilespmem:$0x1F700] =	vst v63  }
0x52: {  	[bflag:$0x0] =	sbarrier.arrive $0xFFFF  }
.LBB2_4:
0x53: {  	s9 =	smul.u32 $0xE0, s24  }
0x54: {  	s0 =	rddreg [dreg:$0x8]  }
0x55: {  	s0 =	sadd.s32 s9, s0  }
0x56: {  	s0 =	sshrl.u32 s0, $0x3  }
0x57: {  	s1 =	sadd.s32 s7, s0  }
0x58: {  	[tilespmem:s26], [sflag:$0x2] =	stream.linear.gather [hbm4b:s1+s3], $0x70, $0x38;
	[tilespmem:$0x1F700] =	vst v63  }
0x59: {  	s23 =	simm.s32 $0x180;
	s0 =	sadd.s32 s8, s0  }
0x5a: {  	[tilespmem:s23], [sflag:$0x2] =	stream.linear.gather [hbm4b:s0+s3], $0x70, $0x38;
	[tilespmem:$0x1F700] =	vst v63  }
0x5b: {  	_ =	swait.ge [sflag:s29], $0x3800  }
0x5c: {  	[sflag:s29] =	ssyncset.done $0x0  }
0x5d: {  	[sflag:s29] =	ssyncadd.s32 $0xFFFFC800  }
0x5e: {  	_ =	swait.ge [sflag:s29], $0x3800  }
0x5f: {  	[sflag:s29] =	ssyncset.done $0x0  }
0x60: {  	[sflag:s29] =	ssyncadd.s32 $0xFFFFC800  }
0x61: {  	_ =	swait.ge [sflag:s29], $0x3800  }
0x62: {  	[sflag:s29] =	ssyncset.done $0x0  }
0x63: {  	s25 =	simm.s32 $0x110;
	[sflag:s29] =	ssyncadd.s32 $0xFFFFC800  }
0x64: {  	v2 =	vld [tilespmem:s25+$0xFFFFFFF0]  }
0x65: {  	v4 =	vld [tilespmem:s25+$0x0];
	_ =	sdelay $0x3  }
0x66: {  	s1 =	simm.s32 $0x130;
	v2 =	vsub.s32 v2, v0  }
0x67: {  	s0 =	simm.s32 $0x210;
	v3 =	vld [tilespmem:s1+$0xFFFFFFF0];
	v4 =	vsub.s32 v4, v0;
	v5 =	vmin.u32 v2, $0x1400  }
0x68: {  	s2 =	simm.s32 $0x2;
	v2 =	vld [tilespmem:s1+$0x0];
	v4 =	vmin.u32 v4, $0x1400;
	[tilespmem:s0+$0xFFFFFFF0] =	vst v5  }
.LBB2_5:
0x69: {  	s2 =	sadd.s32 $0x2, s2  }
0x6a: {  	[tilespmem:s0+$0x0] =	vst v4;
	s0 =	sadd.s32 $0x20, s0;
	p0 =	slt.u32 s2, $0x4  }
.Ltmp3:
0x6b: {  	(pc) =	sbr.rel @p0 .LBB2_5-.Ltmp3, $4  }
0x6c: {  	_ = 	snop  }
0x6d: {  	s1 =	sadd.s32 $0x20, s1;
	v4 =	vsub.s32 v3, v0  }
0x6e: {  	v3 =	vld [tilespmem:s1+$0xFFFFFFF0];
	v4 =	vmin.u32 v4, $0x1400;
	v5 =	vsub.s32 v2, v0  }
0x6f: {  	v2 =	vld [tilespmem:s1+$0x0];
	[tilespmem:s0+$0xFFFFFFF0] =	vst v4;
	v4 =	vmin.u32 v5, $0x1400  }
0x70: {  	_ =	sdelay $0x2  }
0x71: {  	v3 =	vsub.s32 v3, v0  }
0x72: {  	[tilespmem:s0+$0x0] =	vst v4;
	s25 =	sadd.s32 $0x20, s0;
	v3 =	vmin.u32 v3, $0x1400;
	v2 =	vsub.s32 v2, v0  }
0x73: {  	[tilespmem:s25+$0xFFFFFFF0] =	vst v3;
	v2 =	vmin.u32 v2, $0x1400  }
0x74: {  	[tilespmem:s25+$0x0] =	vst v2  }
0x75: {  	v2 =	vld [tilespmem:$0x160];
	_ =	sdelay $0x4  }
0x76: {  	v2 =	vsub.s32 v2, v0  }
0x77: {  	v2 =	vmin.u32 v2, $0x1400  }
0x78: {  	s13 =	simm.s32 $0xE400;
	[tilespmem:$0x260] =	vst v2  }
0x79: {  	s1 =	simm.s32 $0x7400;
	v2 =	vld [tilespmem:s13+$0x80]  }
0x7a: {  	v3 =	vld [tilespmem:s1+$0x80];
	_ =	sdelay $0x3  }
0x7b: {  	v5 =	vld [tilespmem:s13+$0xFFFFFF80]  }
0x7c: {  	v6 =	vld [tilespmem:s1+$0xFFFFFF80];
	v2 =	vadd.f32 v3, v2  }
0x7d: {  	v7 =	vld [tilespmem:s1+$0x0]  }
0x7e: {  	v3 =	vld [tilespmem:s13+$0x0];
	v2 =	vsub.f32 $0.0e+00, v2;
	_ =	sdelay $0x1  }
0x7f: {  	v4 =	vld [tilespmem:s1+$0xFFFFFF00];
	v2 =	vmul.f32 $1.442695020e+00, v2  }
0x80: {  	v8 =	vld [tilespmem:s13+$0xFFFFFF00];
	v5 =	vadd.f32 v6, v5  }
0x81: {  	(erf) = vpow2.f32 v2  }
0x82: {  	v2 =	vadd.f32 v7, v3;
	v3 =	vsub.f32 $0.0e+00, v5;
	_ =	sdelay $0x1  }
0x83: {  	v2 =	vsub.f32 $0.0e+00, v2;
	v3 =	vmul.f32 $1.442695020e+00, v3  }
0x84: {  	v4 =	vadd.f32 v4, v8  }
0x85: {  	v2 =	vmul.f32 $1.442695020e+00, v2;
	(erf) = vpow2.f32 v3  }
0x86: {  	v4 =	vsub.f32 $0.0e+00, v4;
	_ =	sdelay $0x1  }
0x87: {  	v3 =	vmul.f32 $1.442695020e+00, v4;
	(erf) = vpow2.f32 v2  }
0x88: {  	v2 =	vpop (erf)  }
0x89: {  	(erf) = vpow2.f32 v3;
	v2 =	vadd.f32 $1.000000000e+00, v2;
	_ =	sdelay $0x3  }
0x8a: {  	(erf) = vrcp.f32 v2;
	v2 =	vpop (erf)  }
0x8b: {  	v2 =	vadd.f32 $1.000000000e+00, v2;
	_ =	sdelay $0x1  }
0x8c: {  	v3 =	vpop (erf);
	(erf) = vrcp.f32 v2;
	_ =	sdelay $0x1  }
0x8d: {  	s16 =	simm.s32 $0x440;
	v3 =	vadd.f32 $1.000000000e+00, v3;
	v4 =	vpop (erf)  }
0x8e: {  	v2 =	vld [tilespmem:s16+$0x80];
	v4 =	vadd.f32 $1.000000000e+00, v4  }
0x8f: {  	(erf) = vrcp.f32 v3  }
0x90: {  	(erf) = vrcp.f32 v4;
	v4 =	vld [tilespmem:s16+$0xFFFFFF80];
	_ =	sdelay $0x1  }
0x91: {  	v3 =	vpop (erf)  }
0x92: {  	v2 =	vmul.f32 v3, v2  }
0x93: {  	v6 =	vld [tilespmem:s16+$0x0];
	v5 =	vpop (erf)  }
0x94: {  	v3 =	vld [tilespmem:s16+$0xFFFFFF00];
	[tilespmem:s16+$0x80] =	vst v2;
	v4 =	vmul.f32 v5, v4  }
0x95: {  	v2 =	vld [tilespmem:s13+$0x90]  }
0x96: {  	v7 =	vld [tilespmem:s1+$0x90]  }
0x97: {  	v8 =	vpop (erf)  }
0x98: {  	s23 =	simm.s32 $0xE600;
	v6 =	vmul.f32 v8, v6;
	[tilespmem:s16+$0xFFFFFF80] =	vst v4;
	v4 =	vpop (erf)  }
0x99: {  	v10 =	vld [tilespmem:s23+$0x80];
	v3 =	vmul.f32 v4, v3  }
0x9a: {  	[tilespmem:s16+$0x0] =	vst v6;
	v6 =	vld [tilespmem:s1+$0xFFFFFF90]  }
0x9b: {  	v2 =	vadd.f32 v7, v2;
	v4 =	vld [tilespmem:s13+$0xFFFFFF90];
	[tilespmem:s16+$0xFFFFFF00] =	vst v3  }
0x9c: {  	v7 =	vld [tilespmem:s13+$0xFFFFFF10]  }
0x9d: {  	v2 =	vsub.f32 $0.0e+00, v2;
	v8 =	vld [tilespmem:s1+$0xFFFFFF10]  }
0x9e: {  	v9 =	vld [tilespmem:s1+$0x10]  }
0x9f: {  	s17 =	simm.s32 $0x7600;
	v3 =	vld [tilespmem:s13+$0x10];
	v2 =	vmul.f32 $1.442695020e+00, v2  }
0xa0: {  	v4 =	vadd.f32 v6, v4;
	v6 =	vld [tilespmem:s17+$0x80]  }
0xa1: {  	(erf) = vpow2.f32 v2  }
0xa2: {  	v2 =	vsub.f32 $0.0e+00, v4;
	v7 =	vadd.f32 v8, v7  }
0xa3: {  	v4 =	vld [tilespmem:s23+$0xFFFFFF80]  }
0xa4: {  	v3 =	vadd.f32 v9, v3;
	v9 =	vld [tilespmem:s23+$0x0];
	v2 =	vmul.f32 $1.442695020e+00, v2;
	v7 =	vsub.f32 $0.0e+00, v7  }
0xa5: {  	v8 =	vld [tilespmem:s17+$0xFFFFFF80];
	v6 =	vadd.f32 v6, v10  }
0xa6: {  	v3 =	vsub.f32 $0.0e+00, v3;
	(erf) = vpow2.f32 v2;
	v2 =	vld [tilespmem:s17+$0x0];
	v7 =	vmul.f32 $1.442695020e+00, v7  }
0xa7: {  	v12 =	vld [tilespmem:s23+$0xFFFFFF00];
	v6 =	vsub.f32 $0.0e+00, v6  }
0xa8: {  	v10 =	vld [tilespmem:s17+$0xFFFFFF00];
	v3 =	vmul.f32 $1.442695020e+00, v3  }
0xa9: {  	(erf) = vpow2.f32 v7;
	v6 =	vmul.f32 $1.442695020e+00, v6  }
0xaa: {  	v4 =	vadd.f32 v8, v4;
	(erf) = vpow2.f32 v3;
	v7 =	vpop (erf)  }
0xab: {  	v2 =	vadd.f32 v2, v9;
	(erf) = vpow2.f32 v6;
	v3 =	vadd.f32 $1.000000000e+00, v7  }
0xac: {  	v4 =	vsub.f32 $0.0e+00, v4  }
0xad: {  	v2 =	vsub.f32 $0.0e+00, v2;
	(erf) = vrcp.f32 v3;
	v3 =	vadd.f32 v10, v12  }
0xae: {  	v4 =	vmul.f32 $1.442695020e+00, v4  }
0xaf: {  	v6 =	vpop (erf);
	v2 =	vmul.f32 $1.442695020e+00, v2;
	v3 =	vsub.f32 $0.0e+00, v3  }
0xb0: {  	(erf) = vpow2.f32 v4;
	v6 =	vadd.f32 $1.000000000e+00, v6  }
0xb1: {  	(erf) = vpow2.f32 v2;
	v3 =	vmul.f32 $1.442695020e+00, v3  }
0xb2: {  	v2 =	vld [tilespmem:s16+$0x90];
	v4 =	vpop (erf);
	(erf) = vrcp.f32 v6  }
0xb3: {  	(erf) = vpow2.f32 v3;
	v3 =	vadd.f32 $1.000000000e+00, v4;
	v4 =	vpop (erf)  }
0xb4: {  	v4 =	vadd.f32 $1.000000000e+00, v4;
	v6 =	vpop (erf)  }
0xb5: {  	(erf) = vrcp.f32 v3;
	v3 =	vadd.f32 $1.000000000e+00, v6  }
0xb6: {  	v6 =	vpop (erf);
	(erf) = vrcp.f32 v4  }
0xb7: {  	v4 =	vmul.f32 v6, v2;
	(erf) = vrcp.f32 v3;
	_ =	sdelay $0x1  }
0xb8: {  	[tilespmem:s16+$0x90] =	vst v4;
	v3 =	vpop (erf)  }
0xb9: {  	v6 =	vld [tilespmem:s13+$0xA0];
	v3 =	vadd.f32 $1.000000000e+00, v3  }
0xba: {  	s19 =	simm.s32 $0x640;
	v7 =	vpop (erf);
	v12 =	vld [tilespmem:s1+$0xA0]  }
0xbb: {  	v16 =	vld [tilespmem:s19+$0x80];
	v15 =	vpop (erf);
	v7 =	vadd.f32 $1.000000000e+00, v7;
	(erf) = vrcp.f32 v3  }
0xbc: {  	v11 =	vld [tilespmem:s16+$0xFFFFFF10];
	v13 =	vpop (erf)  }
0xbd: {  	v14 =	vld [tilespmem:s16+$0xFFFFFF90];
	(erf) = vrcp.f32 v7;
	v17 =	vpop (erf)  }
0xbe: {  	v13 =	vadd.f32 $1.000000000e+00, v13;
	v19 =	vpop (erf)  }
0xbf: {  	v6 =	vadd.f32 v12, v6;
	v12 =	vpop (erf)  }
0xc0: {  	v18 =	vld [tilespmem:s19+$0xFFFFFF80];
	(erf) = vrcp.f32 v13;
	v16 =	vmul.f32 v12, v16  }
0xc1: {  	v20 =	vld [tilespmem:s19+$0x0];
	v6 =	vsub.f32 $0.0e+00, v6  }
0xc2: {  	v14 =	vmul.f32 v15, v14;
	v7 =	vld [tilespmem:s19+$0xFFFFFF00];
	v17 =	vmul.f32 v17, v11;
	[tilespmem:s19+$0x80] =	vst v16  }
0xc3: {  	v6 =	vmul.f32 $1.442695020e+00, v6;
	v16 =	vld [tilespmem:s23+$0x90]  }
0xc4: {  	[tilespmem:s16+$0xFFFFFF10] =	vst v17;
	v17 =	vld [tilespmem:s17+$0x90];
	v15 =	vpop (erf)  }
0xc5: {  	(erf) = vpow2.f32 v6;
	v6 =	vld [tilespmem:s13+$0xFFFFFF20];
	v15 =	vmul.f32 v15, v18  }
0xc6: {  	[tilespmem:s16+$0xFFFFFF90] =	vst v14;
	v14 =	vpop (erf);
	v18 =	vld [tilespmem:s1+$0xFFFFFF20]  }
0xc7: {  	v14 =	vmul.f32 v14, v20  }
0xc8: {  	v5 =	vld [tilespmem:s16+$0x10];
	[tilespmem:s19+$0xFFFFFF80] =	vst v15  }
0xc9: {  	[tilespmem:s19+$0x0] =	vst v14;
	v14 =	vld [tilespmem:s17+$0xFFFFFF90];
	v15 =	vpop (erf)  }
0xca: {  	v7 =	vmul.f32 v15, v7;
	v15 =	vld [tilespmem:s23+$0xFFFFFF90]  }
0xcb: {  	v16 =	vadd.f32 v17, v16;
	v6 =	vadd.f32 v18, v6;
	v18 =	vld [tilespmem:s17+$0x10]  }
0xcc: {  	[tilespmem:s19+$0xFFFFFF00] =	vst v7;
	v7 =	vld [tilespmem:s23+$0x10]  }
0xcd: {  	v16 =	vsub.f32 $0.0e+00, v16;
	v17 =	vld [tilespmem:s23+$0xFFFFFF10]  }
0xce: {  	v21 =	vld [tilespmem:s17+$0xFFFFFF10]  }
0xcf: {  	s25 =	simm.s32 $0x7800;
	v16 =	vmul.f32 $1.442695020e+00, v16;
	v6 =	vsub.f32 $0.0e+00, v6;
	v22 =	vpop (erf)  }
0xd0: {  	s0 =	simm.s32 $0xE800;
	v23 =	vld [tilespmem:s25+$0x80];
	v5 =	vmul.f32 v19, v5;
	v22 =	vadd.f32 $1.000000000e+00, v22;
	v14 =	vadd.f32 v14, v15  }
0xd1: {  	v19 =	vld [tilespmem:s0+$0xFFFFFF00];
	(erf) = vpow2.f32 v16;
	v6 =	vmul.f32 $1.442695020e+00, v6  }
0xd2: {  	v15 =	vld [tilespmem:s0+$0x80];
	(erf) = vrcp.f32 v22;
	v14 =	vsub.f32 $0.0e+00, v14;
	v7 =	vadd.f32 v18, v7  }
0xd3: {  	v22 =	vld [tilespmem:s0+$0xFFFFFF80];
	v17 =	vadd.f32 v21, v17  }
0xd4: {  	(erf) = vpow2.f32 v6;
	v6 =	vld [tilespmem:s0+$0x0];
	v14 =	vmul.f32 $1.442695020e+00, v14;
	v7 =	vsub.f32 $0.0e+00, v7  }
0xd5: {  	v21 =	vld [tilespmem:s25+$0xFFFFFF80];
	v17 =	vsub.f32 $0.0e+00, v17  }
0xd6: {  	(erf) = vpow2.f32 v14;
	v14 =	vld [tilespmem:s25+$0x0];
	v7 =	vmul.f32 $1.442695020e+00, v7  }
0xd7: {  	v18 =	vld [tilespmem:s16+$0xA0];
	v17 =	vmul.f32 $1.442695020e+00, v17  }
0xd8: {  	v20 =	vld [tilespmem:s13+$0xFFFFFFA0];
	v15 =	vadd.f32 v23, v15  }
0xd9: {  	[tilespmem:s16+$0x10] =	vst v5;
	v16 =	vld [tilespmem:s25+$0xFFFFFF00];
	(erf) = vpow2.f32 v17  }
0xda: {  	v15 =	vsub.f32 $0.0e+00, v15;
	v5 =	vadd.f32 v21, v22;
	v21 =	vld [tilespmem:s13+$0x20];
	(erf) = vpow2.f32 v7;
	v7 =	vpop (erf)  }
0xdb: {  	v17 =	vld [tilespmem:s1+$0xFFFFFFA0];
	v6 =	vadd.f32 v14, v6;
	v7 =	vadd.f32 $1.000000000e+00, v7;
	v14 =	vpop (erf)  }
0xdc: {  	v22 =	vld [tilespmem:s1+$0x20];
	v15 =	vmul.f32 $1.442695020e+00, v15;
	v14 =	vmul.f32 v14, v18  }
0xdd: {  	v5 =	vsub.f32 $0.0e+00, v5  }
0xde: {  	(erf) = vpow2.f32 v15;
	v15 =	vadd.f32 v16, v19;
	v6 =	vsub.f32 $0.0e+00, v6  }
0xdf: {  	v5 =	vmul.f32 $1.442695020e+00, v5;
	(erf) = vrcp.f32 v7;
	v7 =	vpop (erf)  }
0xe0: {  	v15 =	vsub.f32 $0.0e+00, v15;
	v16 =	vadd.f32 v17, v20;
	[tilespmem:s16+$0xA0] =	vst v14;
	v6 =	vmul.f32 $1.442695020e+00, v6;
	v14 =	vpop (erf)  }
0xe1: {  	(erf) = vpow2.f32 v5;
	v17 =	vadd.f32 v22, v21;
	v18 =	vld [tilespmem:s13+$0xB0];
	v14 =	vadd.f32 $1.000000000e+00, v14  }
0xe2: {  	v5 =	vsub.f32 $0.0e+00, v16;
	v16 =	vld [tilespmem:s1+$0xB0];
	(erf) = vpow2.f32 v6  }
0xe3: {  	v15 =	vmul.f32 $1.442695020e+00, v15;
	(erf) = vrcp.f32 v14;
	v14 =	vsub.f32 $0.0e+00, v17  }
0xe4: {  	v19 =	vpop (erf);
	v5 =	vmul.f32 $1.442695020e+00, v5  }
0xe5: {  	(erf) = vpow2.f32 v15;
	v15 =	vadd.f32 $1.000000000e+00, v19  }
0xe6: {  	v17 =	vpop (erf);
	(erf) = vpow2.f32 v5  }
0xe7: {  	v6 =	vld [tilespmem:s19+$0x90];
	v5 =	vmul.f32 $1.442695020e+00, v14;
	(erf) = vrcp.f32 v15;
	v15 =	vadd.f32 v16, v18;
	v14 =	vpop (erf)  }
0xe8: {  	s2 =	simm.s32 $0x840;
	v20 =	vadd.f32 $1.000000000e+00, v17;
	v14 =	vadd.f32 $1.000000000e+00, v14  }
0xe9: {  	v24 =	vld [tilespmem:s2+$0xFFFFFF00];
	v15 =	vsub.f32 $0.0e+00, v15  }
0xea: {  	v25 =	vld [tilespmem:s2+$0xFFFFFF80];
	(erf) = vrcp.f32 v20  }
0xeb: {  	s10 =	simm.s32 $0xEA00;
	v26 =	vld [tilespmem:s2+$0x0];
	v7 =	vadd.f32 $1.000000000e+00, v7;
	v16 =	vpop (erf);
	(erf) = vpow2.f32 v5;
	v15 =	vmul.f32 $1.442695020e+00, v15  }
0xec: {  	v32 =	vld [tilespmem:s10+$0x80];
	v16 =	vmul.f32 v16, v6;
	(erf) = vrcp.f32 v14;
	v14 =	vpop (erf)  }
0xed: {  	v8 =	vld [tilespmem:s16+$0xFFFFFF20];
	(erf) = vrcp.f32 v7;
	v7 =	vadd.f32 $1.000000000e+00, v14;
	v14 =	vpop (erf)  }
0xee: {  	v9 =	vld [tilespmem:s16+$0xFFFFFFA0];
	[tilespmem:s19+$0x90] =	vst v16;
	v22 =	vpop (erf)  }
0xef: {  	v16 =	vld [tilespmem:s23+$0xA0];
	(erf) = vpow2.f32 v15;
	v14 =	vadd.f32 $1.000000000e+00, v14;
	v15 =	vpop (erf)  }
0xf0: {  	v20 =	vld [tilespmem:s17+$0xA0];
	(erf) = vrcp.f32 v7;
	v15 =	vadd.f32 $1.000000000e+00, v15  }
0xf1: {  	v10 =	vld [tilespmem:s16+$0x20]  }
0xf2: {  	v23 =	vld [tilespmem:s2+$0x80];
	v21 =	vpop (erf)  }
0xf3: {  	v13 =	vld [tilespmem:s19+$0xFFFFFF10];
	(erf) = vrcp.f32 v14;
	v14 =	vpop (erf)  }
0xf4: {  	v12 =	vld [tilespmem:s19+$0xFFFFFF90];
	v28 =	vadd.f32 $1.000000000e+00, v21;
	(erf) = vrcp.f32 v15;
	v15 =	vpop (erf)  }
0xf5: {  	v2 =	vld [tilespmem:s16+$0xFFFFFF30];
	v16 =	vadd.f32 v20, v16;
	v20 =	vpop (erf)  }
0xf6: {  	v4 =	vld [tilespmem:s16+$0xFFFFFFB0];
	v27 =	vpop (erf)  }
0xf7: {  	v3 =	vld [tilespmem:s16+$0x30];
	v23 =	vmul.f32 v27, v23;
	v27 =	vpop (erf)  }
0xf8: {  	v11 =	vld [tilespmem:s19+$0x10];
	v13 =	vmul.f32 v14, v13;
	(erf) = vrcp.f32 v28;
	v28 =	vpop (erf)  }
0xf9: {  	v17 =	vld [tilespmem:s19+$0xFFFFFF20];
	v12 =	vmul.f32 v22, v12;
	v16 =	vsub.f32 $0.0e+00, v16;
	v22 =	vpop (erf)  }
0xfa: {  	v19 =	vld [tilespmem:s19+$0xFFFFFFA0];
	[tilespmem:s19+$0xFFFFFF10] =	vst v13;
	v13 =	vadd.f32 $1.000000000e+00, v20;
	v22 =	vmul.f32 v22, v25  }
0xfb: {  	v18 =	vld [tilespmem:s19+$0x20];
	v16 =	vmul.f32 $1.442695020e+00, v16;
	[tilespmem:s2+$0x80] =	vst v23  }
0xfc: {  	(erf) = vrcp.f32 v13;
	v13 =	vld [tilespmem:s0+$0x90]  }
0xfd: {  	[tilespmem:s19+$0xFFFFFF90] =	vst v12;
	(erf) = vpow2.f32 v16;
	v25 =	vld [tilespmem:s25+$0x90];
	v12 =	vpop (erf)  }
0xfe: {  	v23 =	vld [tilespmem:s23+$0xFFFFFF20];
	v12 =	vmul.f32 v12, v26;
	[tilespmem:s2+$0xFFFFFF80] =	vst v22;
	v22 =	vpop (erf)  }
0xff: {  	v16 =	vld [tilespmem:s17+$0xFFFFFF20];
	v22 =	vmul.f32 v22, v24  }
0x100: {  	[tilespmem:s2+$0x0] =	vst v12;
	v12 =	vld [tilespmem:s25+$0xFFFFFF90]  }
0x101: {  	v24 =	vld [tilespmem:s0+$0xFFFFFF90];
	[tilespmem:s2+$0xFFFFFF00] =	vst v22  }
0x102: {  	v13 =	vadd.f32 v25, v13;
	v25 =	vld [tilespmem:s0+$0xFFFFFF10]  }
0x103: {  	v30 =	vld [tilespmem:s25+$0xFFFFFF10]  }
0x104: {  	v16 =	vadd.f32 v16, v23;
	v23 =	vld [tilespmem:s25+$0x10];
	v29 =	vpop (erf);
	v13 =	vsub.f32 $0.0e+00, v13  }
0x105: {  	v28 =	vadd.f32 $1.000000000e+00, v28;
	v22 =	vld [tilespmem:s0+$0x10];
	v31 =	vpop (erf)  }
0x106: {  	s20 =	simm.s32 $0x7A00;
	v11 =	vmul.f32 v15, v11;
	v15 =	vld [tilespmem:s10+$0xFFFFFF00];
	v13 =	vmul.f32 $1.442695020e+00, v13;
	v12 =	vadd.f32 v12, v24;
	v24 =	vpop (erf)  }
0x107: {  	(erf) = vrcp.f32 v28;
	v28 =	vld [tilespmem:s20+$0x80];
	v16 =	vsub.f32 $0.0e+00, v16;
	v24 =	vadd.f32 $1.000000000e+00, v24  }
0x108: {  	(erf) = vpow2.f32 v13;
	v13 =	vld [tilespmem:s20+$0xFFFFFF00];
	v12 =	vsub.f32 $0.0e+00, v12;
	v25 =	vadd.f32 v30, v25  }
0x109: {  	v16 =	vmul.f32 $1.442695020e+00, v16;
	(erf) = vrcp.f32 v24;
	v24 =	vld [tilespmem:s10+$0xFFFFFF80]  }
0x10a: {  	v22 =	vadd.f32 v23, v22;
	v30 =	vld [tilespmem:s20+$0xFFFFFF80];
	v12 =	vmul.f32 $1.442695020e+00, v12;
	v23 =	vsub.f32 $0.0e+00, v25  }
0x10b: {  	(erf) = vpow2.f32 v16;
	v16 =	vld [tilespmem:s10+$0x0]  }
0x10c: {  	v22 =	vsub.f32 $0.0e+00, v22;
	(erf) = vpow2.f32 v12;
	v12 =	vld [tilespmem:s20+$0x0];
	v23 =	vmul.f32 $1.442695020e+00, v23  }
0x10d: {  	v5 =	vld [tilespmem:s19+$0xFFFFFFB0];
	v25 =	vadd.f32 v28, v32  }
0x10e: {  	v28 =	vld [tilespmem:s19+$0xA0];
	v59 =	vmul.f32 $1.442695020e+00, v22  }
0x10f: {  	v6 =	vld [tilespmem:s19+$0xFFFFFF30];
	v25 =	vsub.f32 $0.0e+00, v25;
	(erf) = vpow2.f32 v23  }
0x110: {  	v33 =	vld [tilespmem:s17+$0xFFFFFFA0];
	[tilespmem:s19+$0x10] =	vst v11;
	v13 =	vadd.f32 v13, v15;
	v11 =	vadd.f32 v30, v24;
	(erf) = vpow2.f32 v59;
	v23 =	vpop (erf)  }
0x111: {  	v26 =	vld [tilespmem:s23+$0xFFFFFFA0];
	v24 =	vmul.f32 $1.442695020e+00, v25;
	v25 =	vmul.f32 v27, v8;
	v12 =	vadd.f32 v12, v16;
	v8 =	vpop (erf)  }
0x112: {  	v30 =	vld [tilespmem:s17+$0x20];
	v60 =	vsub.f32 $0.0e+00, v11;
	v16 =	vadd.f32 $1.000000000e+00, v8;
	v8 =	vpop (erf)  }
0x113: {  	v27 =	vld [tilespmem:s23+$0x20];
	(erf) = vpow2.f32 v24;
	v12 =	vsub.f32 $0.0e+00, v12;
	v24 =	vmul.f32 v8, v28  }
0x114: {  	v7 =	vld [tilespmem:s19+$0x30];
	v15 =	vpop (erf);
	(erf) = vrcp.f32 v16;
	v16 =	vmul.f32 $1.442695020e+00, v60  }
0x115: {  	v21 =	vld [tilespmem:s2+$0xFFFFFF90];
	v13 =	vsub.f32 $0.0e+00, v13;
	v28 =	vmul.f32 v29, v9;
	v29 =	vpop (erf);
	v12 =	vmul.f32 $1.442695020e+00, v12  }
0x116: {  	v14 =	vld [tilespmem:s2+$0xFFFFFF10];
	v26 =	vadd.f32 v33, v26;
	[tilespmem:s19+$0xA0] =	vst v24;
	v24 =	vadd.f32 $1.000000000e+00, v29;
	(erf) = vpow2.f32 v16  }
0x117: {  	v13 =	vmul.f32 $1.442695020e+00, v13;
	v29 =	vld [tilespmem:s23+$0xB0];
	(erf) = vpow2.f32 v12  }
0x118: {  	[tilespmem:s16+$0xFFFFFF20] =	vst v25;
	v25 =	vadd.f32 v30, v27;
	v16 =	vsub.f32 $0.0e+00, v26;
	v26 =	vld [tilespmem:s17+$0xB0];
	v27 =	vpop (erf);
	(erf) = vrcp.f32 v24  }
0x119: {  	v20 =	vld [tilespmem:s2+$0x10];
	(erf) = vpow2.f32 v13;
	v13 =	vadd.f32 $1.000000000e+00, v27;
	v27 =	vpop (erf)  }
0x11a: {  	v16 =	vmul.f32 $1.442695020e+00, v16;
	v24 =	vld [tilespmem:s2+$0x90];
	v27 =	vadd.f32 $1.000000000e+00, v27  }
0x11b: {  	v10 =	vmul.f32 v31, v10;
	v22 =	vld [tilespmem:s16+$0xB0];
	v25 =	vsub.f32 $0.0e+00, v25  }
0x11c: {  	v11 =	vld [tilespmem:s2+$0xFFFFFF20];
	(erf) = vpow2.f32 v16  }
0x11d: {  	[tilespmem:s16+$0x20] =	vst v10;
	v8 =	vld [tilespmem:s2+$0xFFFFFFA0];
	v16 =	vmul.f32 $1.442695020e+00, v25;
	v30 =	vpop (erf);
	(erf) = vrcp.f32 v13;
	v10 =	vadd.f32 v26, v29  }
0x11e: {  	[tilespmem:s16+$0xFFFFFFA0] =	vst v28;
	v28 =	vld [tilespmem:s1+$0xFFFFFF30];
	(erf) = vrcp.f32 v27;
	v27 =	vpop (erf)  }
0x11f: {  	v12 =	vld [tilespmem:s13+$0xFFFFFF30];
	(erf) = vpow2.f32 v16;
	v16 =	vmul.f32 v27, v24;
	v24 =	vsub.f32 $0.0e+00, v10  }
0x120: {  	v25 =	vld [tilespmem:s13+$0xFFFFFFB0];
	v13 =	vadd.f32 $1.000000000e+00, v30  }
0x121: {  	v26 =	vld [tilespmem:s1+$0xFFFFFFB0];
	[tilespmem:s2+$0x90] =	vst v16;
	v16 =	vmul.f32 $1.442695020e+00, v24  }
0x122: {  	v15 =	vadd.f32 $1.000000000e+00, v15;
	v29 =	vld [tilespmem:s13+$0x30];
	(erf) = vrcp.f32 v13;
	v30 =	vpop (erf)  }
0x123: {  	v27 =	vld [tilespmem:s1+$0x30];
	v24 =	vpop (erf)  }
0x124: {  	v12 =	vadd.f32 v28, v12;
	(erf) = vrcp.f32 v15;
	v15 =	vadd.f32 $1.000000000e+00, v30;
	v30 =	vld [tilespmem:s0+$0xA0];
	v31 =	vpop (erf)  }
0x125: {  	v28 =	vld [tilespmem:s25+$0xA0];
	(erf) = vpow2.f32 v16;
	v16 =	vpop (erf)  }
0x126: {  	v9 =	vld [tilespmem:s2+$0x20];
	s13 =	simm.s32 $0xA40;
	v61 =	vsub.f32 $0.0e+00, v12;
	v16 =	vadd.f32 $1.000000000e+00, v16  }
0x127: {  	v25 =	vadd.f32 v26, v25;
	v24 =	vadd.f32 $1.000000000e+00, v24;
	(erf) = vrcp.f32 v15;
	v15 =	vld [tilespmem:s13+$0x80];
	v26 =	vpop (erf)  }
0x128: {  	v34 =	vld [tilespmem:s13+$0xFFFFFF80];
	v32 =	vmul.f32 $1.442695020e+00, v61;
	v62 =	vpop (erf)  }
0x129: {  	v13 =	vld [tilespmem:s2+$0xFFFFFF30];
	v27 =	vadd.f32 v27, v29;
	(erf) = vrcp.f32 v24;
	v26 =	vadd.f32 $1.000000000e+00, v26;
	v29 =	vpop (erf)  }
0x12a: {  	v12 =	vld [tilespmem:s2+$0x30];
	v25 =	vsub.f32 $0.0e+00, v25;
	v28 =	vadd.f32 v28, v30;
	(erf) = vrcp.f32 v16;
	v16 =	vpop (erf)  }
0x12b: {  	v10 =	vld [tilespmem:s2+$0xFFFFFFB0];
	v33 =	vmul.f32 v62, v14;
	(erf) = vrcp.f32 v26;
	v26 =	vsub.f32 $0.0e+00, v27;
	v14 =	vpop (erf)  }
0x12c: {  	v25 =	vmul.f32 $1.442695020e+00, v25;
	v24 =	vld [tilespmem:s13+$0xFFFFFF00];
	v27 =	vmul.f32 v14, v15;
	v15 =	vadd.f32 $1.000000000e+00, v16  }
0x12d: {  	v30 =	vld [tilespmem:s13+$0x0];
	v28 =	vsub.f32 $0.0e+00, v28;
	[tilespmem:s2+$0xFFFFFF10] =	vst v33;
	(erf) = vpow2.f32 v32;
	v26 =	vmul.f32 $1.442695020e+00, v26  }
0x12e: {  	v22 =	vmul.f32 v23, v22;
	v23 =	vld [tilespmem:s25+$0xFFFFFF20];
	v63 =	vpop (erf);
	(erf) = vrcp.f32 v15  }
0x12f: {  	v28 =	vmul.f32 $1.442695020e+00, v28;
	v14 =	vld [tilespmem:s13+$0xFFFFFF10];
	[tilespmem:s13+$0x80] =	vst v27;
	(erf) = vpow2.f32 v25  }
0x130: {  	v21 =	vmul.f32 v31, v21;
	v25 =	vpop (erf);
	v31 =	vld [tilespmem:s10+$0x90];
	(erf) = vpow2.f32 v26  }
0x131: {  	v26 =	vpop (erf);
	(erf) = vpow2.f32 v28;
	v28 =	vld [tilespmem:s20+$0x90]  }
0x132: {  	v16 =	vld [tilespmem:s13+$0xFFFFFF90];
	v25 =	vadd.f32 $1.000000000e+00, v25  }
0x133: {  	v15 =	vld [tilespmem:s13+$0x10];
	v26 =	vmul.f32 v26, v34  }
0x134: {  	[tilespmem:s2+$0xFFFFFF90] =	vst v21;
	v27 =	vld [tilespmem:s0+$0xFFFFFF20];
	v21 =	vpop (erf);
	(erf) = vrcp.f32 v25  }
0x135: {  	v30 =	vmul.f32 v21, v30;
	v21 =	vld [tilespmem:s0+$0xFFFFFFA0];
	[tilespmem:s13+$0xFFFFFF80] =	vst v26  }
0x136: {  	[tilespmem:s16+$0xB0] =	vst v22;
	v20 =	vmul.f32 v29, v20;
	v22 =	vpop (erf);
	v26 =	vld [tilespmem:s10+$0xFFFFFF90];
	v28 =	vadd.f32 v28, v31  }
0x137: {  	v22 =	vmul.f32 v22, v24;
	v24 =	vpop (erf);
	[tilespmem:s13+$0x0] =	vst v30;
	v29 =	vld [tilespmem:s20+$0xFFFFFF90];
	v30 =	vmul.f32 v63, v17  }
0x138: {  	[tilespmem:s2+$0x10] =	vst v20;
	v17 =	vld [tilespmem:s19+$0xB0];
	v31 =	vpop (erf);
	v28 =	vsub.f32 $0.0e+00, v28  }
0x139: {  	v24 =	vmul.f32 v24, v19;
	v20 =	vld [tilespmem:s10+$0x10];
	[tilespmem:s13+$0xFFFFFF00] =	vst v22;
	v22 =	vadd.f32 v23, v27;
	v23 =	vpop (erf);
	v27 =	vadd.f32 $1.000000000e+00, v31  }
0x13a: {  	[tilespmem:s19+$0xFFFFFF20] =	vst v30;
	v19 =	vld [tilespmem:s10+$0xFFFFFF10];
	v23 =	vmul.f32 v23, v18;
	v25 =	vpop (erf)  }
0x13b: {  	s14 =	simm.s32 $0xC;
	[tilespmem:s19+$0xFFFFFFA0] =	vst v24;
	v24 =	vsub.f32 $0.0e+00, v22;
	v18 =	vld [tilespmem:s20+$0xFFFFFF10];
	v25 =	vadd.f32 $1.000000000e+00, v25;
	(erf) = vrcp.f32 v27;
	v30 =	vpop (erf)  }
0x13c: {  	s15 =	simm.s32 $0xEC00;
	s1 =	simm.s32 $0x7A00;
	v22 =	vld [tilespmem:s20+$0x10];
	v26 =	vadd.f32 v29, v26;
	v27 =	vmul.f32 $1.442695020e+00, v28;
	[tilespmem:s19+$0x20] =	vst v23;
	v23 =	vadd.f32 $1.000000000e+00, v30;
	v28 =	vpop (erf)  }
.LBB2_7:
0x13d: {  	v29 =	vld [tilespmem:s15+$0x80];
	s20 =	sadd.s32 $0x200, s20;
	v24 =	vmul.f32 $1.442695020e+00, v24;
	v28 =	vadd.f32 $1.000000000e+00, v28;
	v30 =	vpop (erf);
	(erf) = vrcp.f32 v25  }
0x13e: {  	v25 =	vld [tilespmem:s20+$0x80];
	v26 =	vsub.f32 $0.0e+00, v26;
	(erf) = vpow2.f32 v27;
	v17 =	vmul.f32 v30, v17  }
0x13f: {  	v27 =	vld [tilespmem:s20+$0xFFFFFF00];
	(erf) = vrcp.f32 v28  }
0x140: {  	v28 =	vld [tilespmem:s15+$0xFFFFFF80];
	v18 =	vadd.f32 v18, v19;
	v19 =	vmul.f32 $1.442695020e+00, v26;
	(erf) = vpow2.f32 v24;
	[tilespmem:s19+$0xB0] =	vst v17  }
0x141: {  	s14 =	sadd.s32 $0x4, s14;
	v17 =	vld [tilespmem:s20+$0xFFFFFF80];
	v20 =	vadd.f32 v22, v20;
	(erf) = vrcp.f32 v23  }
0x142: {  	p0 =	slt.u32 s14, $0x6C;
	v22 =	vld [tilespmem:s15+$0x0];
	v18 =	vsub.f32 $0.0e+00, v18;
	(erf) = vpow2.f32 v19  }
0x143: {  	v19 =	vld [tilespmem:s20+$0x0];
	v23 =	vadd.f32 v25, v29;
	v20 =	vsub.f32 $0.0e+00, v20  }
0x144: {  	v18 =	vmul.f32 $1.442695020e+00, v18;
	v24 =	vld [tilespmem:s2+$0xA0];
	v25 =	vpop (erf)  }
0x145: {  	v26 =	vld [tilespmem:s15+$0xFFFFFF00];
	v23 =	vsub.f32 $0.0e+00, v23;
	v31 =	vmul.f32 $1.442695020e+00, v20;
	v25 =	vmul.f32 v25, v2;
	v2 =	vmovc v6;
	v6 =	vmovc v13  }
0x146: {  	v13 =	vadd.f32 v17, v28;
	(erf) = vpow2.f32 v18;
	v28 =	vld [tilespmem:s25+$0xFFFFFFA0];
	v17 =	vpop (erf)  }
0x147: {  	v18 =	vmul.f32 $1.442695020e+00, v23;
	(erf) = vpow2.f32 v31;
	v20 =	vpop (erf);
	v23 =	vld [tilespmem:s0+$0x20];
	[tilespmem:s16+$0xFFFFFF30] =	vst v25  }
0x148: {  	v31 =	vmul.f32 v17, v4;
	v22 =	vadd.f32 v19, v22;
	v30 =	vadd.f32 $1.000000000e+00, v20;
	v25 =	vld [tilespmem:s25+$0x20];
	v29 =	vpop (erf)  }
0x149: {  	v13 =	vsub.f32 $0.0e+00, v13;
	(erf) = vpow2.f32 v18;
	v19 =	vld [tilespmem:s13+$0xFFFFFF20];
	v24 =	vmul.f32 v29, v24;
	v29 =	vpop (erf)  }
0x14a: {  	v26 =	vadd.f32 v27, v26;
	v22 =	vsub.f32 $0.0e+00, v22;
	v17 =	vld [tilespmem:s13+$0xFFFFFFA0];
	(erf) = vrcp.f32 v30;
	[tilespmem:s16+$0xFFFFFFB0] =	vst v31;
	v20 =	vpop (erf)  }
0x14b: {  	v13 =	vmul.f32 $1.442695020e+00, v13;
	v27 =	vadd.f32 $1.000000000e+00, v29;
	v18 =	vld [tilespmem:s13+$0x20];
	v4 =	vpop (erf);
	v21 =	vadd.f32 v28, v21;
	[tilespmem:s2+$0xA0] =	vst v24  }
0x14c: {  	v24 =	vsub.f32 $0.0e+00, v26;
	v22 =	vmul.f32 $1.442695020e+00, v22;
	v26 =	vadd.f32 $1.000000000e+00, v4;
	v28 =	vld [tilespmem:s0+$0xB0];
	v4 =	vmovc v5;
	v5 =	vmovc v10  }
0x14d: {  	(erf) = vpow2.f32 v13;
	v10 =	vsub.f32 $0.0e+00, v21;
	v13 =	vadd.f32 v25, v23;
	v21 =	vld [tilespmem:s25+$0xB0]  }
0x14e: {  	v23 =	vmul.f32 $1.442695020e+00, v24;
	(erf) = vpow2.f32 v22;
	v22 =	vld [tilespmem:s23+$0xFFFFFF30]  }
0x14f: {  	v24 =	vld [tilespmem:s13+$0x90];
	v25 =	vpop (erf);
	(erf) = vrcp.f32 v26;
	v30 =	vmul.f32 $1.442695020e+00, v10;
	v13 =	vsub.f32 $0.0e+00, v13  }
0x150: {  	v31 =	vmul.f32 v20, v3;
	(erf) = vpow2.f32 v23;
	v23 =	vadd.f32 $1.000000000e+00, v25;
	v25 =	vpop (erf);
	v26 =	vld [tilespmem:s17+$0xFFFFFF30]  }
0x151: {  	v3 =	vmovc v7;
	v7 =	vmovc v12;
	v25 =	vadd.f32 $1.000000000e+00, v25;
	v13 =	vmul.f32 $1.442695020e+00, v13;
	(erf) = vpow2.f32 v30;
	v29 =	vld [tilespmem:s23+$0xFFFFFFB0]  }
0x152: {  	v10 =	vpop (erf);
	(erf) = vrcp.f32 v23;
	v12 =	vadd.f32 v21, v28;
	v21 =	vld [tilespmem:s17+$0xFFFFFFB0];
	[tilespmem:s16+$0x30] =	vst v31;
	s16 =	smov.u32 s19;
	s19 =	smov.u32 s2;
	s2 =	smov.u32 s13  }
0x153: {  	v10 =	vadd.f32 $1.000000000e+00, v10;
	(erf) = vrcp.f32 v25;
	v20 =	vpop (erf);
	v23 =	vld [tilespmem:s23+$0x30];
	s23 =	smov.u32 s0;
	s0 =	smov.u32 s10;
	s10 =	smov.u32 s15  }
0x154: {  	v20 =	vmul.f32 v20, v24;
	v12 =	vsub.f32 $0.0e+00, v12;
	(erf) = vpow2.f32 v13;
	v24 =	vld [tilespmem:s17+$0x30];
	s17 =	smov.u32 s25;
	s25 =	smov.u32 s1;
	s1 =	smov.u32 s20  }
0x155: {  	(erf) = vrcp.f32 v10;
	v13 =	vld [tilespmem:s13+$0xFFFFFF30];
	v22 =	vadd.f32 v26, v22  }
0x156: {  	v25 =	vpop (erf);
	v10 =	vld [tilespmem:s13+$0xFFFFFFB0];
	[tilespmem:s13+$0x90] =	vst v20;
	v12 =	vmul.f32 $1.442695020e+00, v12;
	(erf) = vrcp.f32 v27  }
0x157: {  	v20 =	vadd.f32 $1.000000000e+00, v25;
	v25 =	vpop (erf);
	v26 =	vld [tilespmem:s0+$0xA0];
	v21 =	vadd.f32 v21, v29  }
0x158: {  	v22 =	vsub.f32 $0.0e+00, v22;
	v30 =	vadd.f32 $1.000000000e+00, v25;
	v27 =	vld [tilespmem:s25+$0xA0];
	v28 =	vpop (erf);
	(erf) = vpow2.f32 v12  }
0x159: {  	s13 =	sadd.s32 $0x200, s13;
	v29 =	vpop (erf);
	(erf) = vrcp.f32 v20;
	v31 =	vmul.f32 v28, v16;
	v12 =	vld [tilespmem:s2+$0x30];
	v20 =	vadd.f32 v24, v23  }
0x15a: {  	v21 =	vsub.f32 $0.0e+00, v21;
	v23 =	vadd.f32 $1.000000000e+00, v29;
	v24 =	vld [tilespmem:s13+$0x80];
	(erf) = vrcp.f32 v30;
	v25 =	vpop (erf)  }
0x15b: {  	v22 =	vmul.f32 $1.442695020e+00, v22;
	v28 =	vld [tilespmem:s13+$0xFFFFFF00];
	[tilespmem:s2+$0xFFFFFF90] =	vst v31;
	v16 =	vpop (erf);
	v30 =	vadd.f32 $1.000000000e+00, v25;
	v20 =	vsub.f32 $0.0e+00, v20  }
0x15c: {  	v29 =	vld [tilespmem:s13+$0xFFFFFF80];
	(erf) = vrcp.f32 v23;
	v16 =	vmul.f32 v16, v14;
	v14 =	vpop (erf)  }
0x15d: {  	v23 =	vld [tilespmem:s13+$0x0];
	v15 =	vmul.f32 v14, v15;
	v26 =	vadd.f32 v27, v26;
	(erf) = vrcp.f32 v30;
	v25 =	vpop (erf)  }
0x15e: {  	v21 =	vmul.f32 $1.442695020e+00, v21;
	v20 =	vmul.f32 $1.442695020e+00, v20;
	v14 =	vld [tilespmem:s13+$0xFFFFFF10];
	v27 =	vpop (erf);
	[tilespmem:s2+$0xFFFFFF10] =	vst v16;
	v30 =	vadd.f32 $1.000000000e+00, v25  }
0x15f: {  	v16 =	vld [tilespmem:s13+$0xFFFFFF90];
	v24 =	vmul.f32 v27, v24;
	[tilespmem:s2+$0x10] =	vst v15;
	v26 =	vsub.f32 $0.0e+00, v26;
	v27 =	vpop (erf);
	(erf) = vpow2.f32 v22  }
0x160: {  	v15 =	vld [tilespmem:s13+$0x10];
	v22 =	vmul.f32 v27, v11;
	(erf) = vrcp.f32 v30;
	v11 =	vmov v19  }
0x161: {  	[tilespmem:s13+$0x80] =	vst v24;
	v19 =	vld [tilespmem:s0+$0xFFFFFF20];
	v24 =	vmul.f32 $1.442695020e+00, v26;
	v25 =	vpop (erf);
	(erf) = vpow2.f32 v21  }
0x162: {  	v26 =	vld [tilespmem:s15+$0x90];
	v21 =	vpop (erf);
	[tilespmem:s19+$0xFFFFFF20] =	vst v22;
	v22 =	vadd.f32 $1.000000000e+00, v25;
	(erf) = vpow2.f32 v20  }
0x163: {  	v27 =	vmul.f32 v21, v29;
	v25 =	vld [tilespmem:s20+$0x90];
	v21 =	vpop (erf);
	(erf) = vpow2.f32 v24  }
0x164: {  	v29 =	vmul.f32 v21, v23;
	v24 =	vld [tilespmem:s25+$0xFFFFFF20];
	(erf) = vrcp.f32 v22  }
0x165: {  	[tilespmem:s13+$0xFFFFFF80] =	vst v27;
	v20 =	vpop (erf);
	v21 =	vld [tilespmem:s0+$0xFFFFFFA0]  }
0x166: {  	v20 =	vmul.f32 v20, v28;
	v22 =	vld [tilespmem:s15+$0xFFFFFF90];
	[tilespmem:s13+$0x0] =	vst v29;
	v23 =	vpop (erf)  }
0x167: {  	v27 =	vld [tilespmem:s20+$0xFFFFFF90];
	v28 =	vmul.f32 v23, v8;
	v8 =	vmov v17  }
.Ltmp4:
0x168: {  	[tilespmem:s13+$0xFFFFFF00] =	vst v20;
	v20 =	vld [tilespmem:s15+$0x10];
	v31 =	vadd.f32 v25, v26;
	v26 =	vpop (erf);
	(pc) =	sbr.rel @p0 .LBB2_7-.Ltmp4, $4  }
0x169: {  	v24 =	vadd.f32 v24, v19;
	[tilespmem:s19+$0xFFFFFFA0] =	vst v28;
	v17 =	vld [tilespmem:s19+$0xB0];
	v23 =	vpop (erf);
	v26 =	vadd.f32 $1.000000000e+00, v26  }
0x16a: {  	v19 =	vld [tilespmem:s15+$0xFFFFFF10];
	v30 =	vsub.f32 $0.0e+00, v31;
	v23 =	vmul.f32 v23, v9;
	v25 =	vpop (erf);
	v9 =	vmov v18  }
0x16b: {  	v18 =	vld [tilespmem:s20+$0xFFFFFF10];
	v24 =	vsub.f32 $0.0e+00, v24;
	v25 =	vadd.f32 $1.000000000e+00, v25;
	(erf) = vrcp.f32 v26;
	v29 =	vpop (erf)  }
0x16c: {  	s15 =	sadd.s32 $0x200, s15;
	v26 =	vadd.f32 v27, v22;
	v22 =	vld [tilespmem:s20+$0x10];
	v27 =	vmul.f32 $1.442695020e+00, v30;
	v28 =	vpop (erf);
	[tilespmem:s19+$0x20] =	vst v23;
	v23 =	vadd.f32 $1.000000000e+00, v29  }
0x16d: {  	(erf) = vrcp.f32 v25  }
0x16e: {  	(erf) = vpow2.f32 v27  }
0x16f: {  	v56 =	vadd.f32 $1.000000000e+00, v28  }
0x170: {  	v24 =	vmul.f32 $1.442695020e+00, v24;
	v26 =	vsub.f32 $0.0e+00, v26;
	v18 =	vadd.f32 v18, v19  }
0x171: {  	(erf) = vrcp.f32 v56;
	v57 =	vadd.f32 v22, v20  }
0x172: {  	v58 =	vmul.f32 $1.442695020e+00, v26;
	(erf) = vpow2.f32 v24;
	v59 =	vsub.f32 $0.0e+00, v18  }
0x173: {  	(erf) = vrcp.f32 v23;
	v60 =	vsub.f32 $0.0e+00, v57  }
0x174: {  	v18 =	vpop (erf);
	(erf) = vpow2.f32 v58;
	v61 =	vmul.f32 $1.442695020e+00, v59  }
0x175: {  	v19 =	vpop (erf);
	v23 =	vmul.f32 $1.442695020e+00, v60  }
0x176: {  	v63 =	vld [tilespmem:s25+$0xFFFFFFA0];
	(erf) = vpow2.f32 v61;
	v20 =	vpop (erf)  }
0x177: {  	v62 =	vld [tilespmem:s2+$0xA0];
	(erf) = vpow2.f32 v23;
	v29 =	vpop (erf)  }
0x178: {  	v30 =	vld [tilespmem:s0+$0x20];
	v23 =	vadd.f32 $1.000000000e+00, v29  }
0x179: {  	v31 =	vld [tilespmem:s25+$0x20]  }
0x17a: {  	v32 =	vpop (erf);
	(erf) = vrcp.f32 v23  }
0x17b: {  	v24 =	vadd.f32 v63, v21;
	v33 =	vpop (erf)  }
0x17c: {  	v21 =	vpop (erf)  }
0x17d: {  	v35 =	vsub.f32 $0.0e+00, v24;
	v22 =	vmul.f32 v32, v62;
	v34 =	vpop (erf)  }
0x17e: {  	v38 =	vld [tilespmem:s13+$0x90];
	v25 =	vadd.f32 v31, v30;
	v36 =	vadd.f32 $1.000000000e+00, v34  }
0x17f: {  	v44 =	vld [tilespmem:s23+$0xFFFFFFB0];
	[tilespmem:s2+$0xA0] =	vst v22;
	v22 =	vmul.f32 $1.442695020e+00, v35;
	v39 =	vpop (erf)  }
0x180: {  	v45 =	vld [tilespmem:s23+$0x30];
	v40 =	vsub.f32 $0.0e+00, v25;
	(erf) = vrcp.f32 v36;
	v41 =	vadd.f32 $1.000000000e+00, v39;
	v42 =	vpop (erf)  }
0x181: {  	v37 =	vld [tilespmem:s0+$0xB0];
	v28 =	vadd.f32 $1.000000000e+00, v42;
	(erf) = vpow2.f32 v22  }
0x182: {  	v43 =	vmul.f32 $1.442695020e+00, v40;
	v29 =	vld [tilespmem:s25+$0xB0];
	(erf) = vrcp.f32 v41  }
0x183: {  	v30 =	vld [tilespmem:s23+$0xFFFFFF30];
	(erf) = vrcp.f32 v28;
	v46 =	vpop (erf)  }
0x184: {  	v31 =	vld [tilespmem:s17+$0xFFFFFF30];
	v26 =	vmul.f32 v46, v38;
	(erf) = vpow2.f32 v43  }
0x185: {  	v47 =	vld [tilespmem:s17+$0xFFFFFFB0]  }
0x186: {  	v48 =	vld [tilespmem:s17+$0x30];
	[tilespmem:s13+$0x90] =	vst v26  }
0x187: {  	v27 =	vadd.f32 v29, v37;
	v26 =	vld [tilespmem:s10+$0xA0]  }
0x188: {  	v49 =	vld [tilespmem:s1+$0xA0]  }
0x189: {  	v30 =	vadd.f32 v31, v30;
	v27 =	vsub.f32 $0.0e+00, v27;
	v50 =	vpop (erf)  }
0x18a: {  	v23 =	vadd.f32 $1.000000000e+00, v33;
	v22 =	vadd.f32 v47, v44;
	v32 =	vpop (erf)  }
0x18b: {  	v25 =	vadd.f32 v48, v45;
	v51 =	vsub.f32 $0.0e+00, v30;
	v27 =	vmul.f32 $1.442695020e+00, v27;
	v52 =	vpop (erf)  }
0x18c: {  	v22 =	vsub.f32 $0.0e+00, v22;
	(erf) = vrcp.f32 v23;
	v53 =	vadd.f32 $1.000000000e+00, v32;
	v54 =	vpop (erf)  }
0x18d: {  	v23 =	vmul.f32 $1.442695020e+00, v51;
	(erf) = vpow2.f32 v27;
	v26 =	vadd.f32 v49, v26;
	v55 =	vpop (erf)  }
0x18e: {  	v25 =	vsub.f32 $0.0e+00, v25;
	(erf) = vrcp.f32 v53;
	v56 =	vadd.f32 $1.000000000e+00, v55  }
0x18f: {  	v22 =	vmul.f32 $1.442695020e+00, v22;
	v26 =	vsub.f32 $0.0e+00, v26;
	(erf) = vpow2.f32 v23  }
0x190: {  	v57 =	vmul.f32 $1.442695020e+00, v25;
	(erf) = vrcp.f32 v56  }
0x191: {  	v58 =	vmul.f32 $1.442695020e+00, v26;
	(erf) = vpow2.f32 v22  }
0x192: {  	(erf) = vpow2.f32 v57  }
0x193: {  	(erf) = vpow2.f32 v58;
	_ =	sdelay $0x1  }
0x194: {  	v59 =	vpop (erf)  }
0x195: {  	v60 =	vpop (erf)  }
0x196: {  	v61 =	vpop (erf)  }
0x197: {  	v62 =	vpop (erf)  }
0x198: {  	v63 =	vpop (erf)  }
0x199: {  	v38 =	vadd.f32 $1.000000000e+00, v60;
	v33 =	vpop (erf)  }
0x19a: {  	v31 =	vmul.f32 v50, v16;
	v26 =	vadd.f32 $1.000000000e+00, v62;
	v35 =	vpop (erf)  }
0x19b: {  	v24 =	vmul.f32 v52, v14;
	(erf) = vrcp.f32 v38;
	v39 =	vadd.f32 $1.000000000e+00, v33;
	v40 =	vpop (erf)  }
0x19c: {  	[tilespmem:s13+$0xFFFFFF90] =	vst v31;
	(erf) = vrcp.f32 v26;
	v41 =	vadd.f32 $1.000000000e+00, v40  }
0x19d: {  	v43 =	vld [tilespmem:s10+$0xFFFFFFA0];
	[tilespmem:s13+$0xFFFFFF10] =	vst v24;
	(erf) = vrcp.f32 v39  }
0x19e: {  	v24 =	vld [tilespmem:s10+$0xFFFFFF20];
	(erf) = vrcp.f32 v41  }
0x19f: {  	v15 =	vmul.f32 v54, v15;
	v42 =	vld [tilespmem:s1+$0xFFFFFF20]  }
0x1a0: {  	v45 =	vld [tilespmem:s1+$0xFFFFFFA0]  }
0x1a1: {  	v44 =	vld [tilespmem:s13+$0xA0];
	[tilespmem:s13+$0x10] =	vst v15  }
0x1a2: {  	v46 =	vld [tilespmem:s10+$0x20]  }
0x1a3: {  	v36 =	vld [tilespmem:s1+$0x20]  }
0x1a4: {  	v24 =	vadd.f32 v42, v24;
	v33 =	vpop (erf)  }
0x1a5: {  	v15 =	vadd.f32 v45, v43;
	v26 =	vpop (erf)  }
0x1a6: {  	v24 =	vsub.f32 $0.0e+00, v24;
	v37 =	vpop (erf)  }
0x1a7: {  	v15 =	vsub.f32 $0.0e+00, v15;
	v47 =	vpop (erf)  }
0x1a8: {  	v48 =	vadd.f32 v36, v46;
	v24 =	vmul.f32 $1.442695020e+00, v24;
	v28 =	vmul.f32 v47, v44  }
0x1a9: {  	v11 =	vmul.f32 v59, v11;
	v49 =	vadd.f32 $1.000000000e+00, v35  }
0x1aa: {  	v15 =	vmul.f32 $1.442695020e+00, v15;
	v50 =	vsub.f32 $0.0e+00, v48;
	(erf) = vpow2.f32 v24;
	[tilespmem:s13+$0xA0] =	vst v28  }
0x1ab: {  	(erf) = vrcp.f32 v49;
	v51 =	vld [tilespmem:s10+$0xB0]  }
0x1ac: {  	[tilespmem:s2+$0xFFFFFF20] =	vst v11;
	v24 =	vmul.f32 $1.442695020e+00, v50;
	(erf) = vpow2.f32 v15;
	v52 =	vld [tilespmem:s1+$0xB0]  }
0x1ad: {  	v53 =	vld [tilespmem:s0+$0xFFFFFF30]  }
0x1ae: {  	v54 =	vld [tilespmem:s25+$0xFFFFFF30];
	(erf) = vpow2.f32 v24;
	_ =	sdelay $0x1  }
0x1af: {  	v8 =	vmul.f32 v61, v8  }
0x1b0: {  	v11 =	vadd.f32 v52, v51;
	_ =	sdelay $0x1  }
0x1b1: {  	v15 =	vadd.f32 v54, v53;
	v55 =	vpop (erf);
	v11 =	vsub.f32 $0.0e+00, v11  }
0x1b2: {  	[tilespmem:s2+$0xFFFFFFA0] =	vst v8;
	v9 =	vmul.f32 v63, v9;
	v23 =	vadd.f32 $1.000000000e+00, v55;
	v8 =	vpop (erf)  }
0x1b3: {  	v56 =	vld [tilespmem:s0+$0xFFFFFFB0];
	v15 =	vsub.f32 $0.0e+00, v15;
	v57 =	vpop (erf);
	v11 =	vmul.f32 $1.442695020e+00, v11  }
0x1b4: {  	v60 =	vld [tilespmem:s25+$0xFFFFFFB0];
	[tilespmem:s2+$0x20] =	vst v9;
	(erf) = vrcp.f32 v23;
	v59 =	vadd.f32 $1.000000000e+00, v57  }
0x1b5: {  	v58 =	vld [tilespmem:s0+$0x30];
	v61 =	vmul.f32 $1.442695020e+00, v15;
	v62 =	vpop (erf);
	(erf) = vpow2.f32 v11  }
0x1b6: {  	v63 =	vld [tilespmem:s25+$0x30];
	v15 =	vadd.f32 $1.000000000e+00, v62;
	(erf) = vrcp.f32 v59  }
0x1b7: {  	(erf) = vpow2.f32 v61  }
0x1b8: {  	(erf) = vrcp.f32 v15  }
0x1b9: {  	v27 =	vld [tilespmem:s13+$0xFFFFFF20]  }
0x1ba: {  	v9 =	vadd.f32 v60, v56  }
0x1bb: {  	v30 =	vld [tilespmem:s13+$0xFFFFFFA0];
	v31 =	vadd.f32 v63, v58  }
0x1bc: {  	v9 =	vsub.f32 $0.0e+00, v9  }
0x1bd: {  	v34 =	vld [tilespmem:s13+$0x20];
	v32 =	vpop (erf);
	v11 =	vsub.f32 $0.0e+00, v31  }
0x1be: {  	v9 =	vmul.f32 $1.442695020e+00, v9;
	v15 =	vmul.f32 v32, v27;
	v35 =	vpop (erf)  }
0x1bf: {  	v11 =	vmul.f32 $1.442695020e+00, v11;
	v36 =	vpop (erf)  }
0x1c0: {  	(erf) = vpow2.f32 v9;
	[tilespmem:s13+$0xFFFFFF20] =	vst v15;
	v38 =	vmul.f32 v36, v30;
	v39 =	vpop (erf)  }
0x1c1: {  	v41 =	vld [tilespmem:s10+$0xFFFFFF30];
	v40 =	vpop (erf)  }
0x1c2: {  	v43 =	vld [tilespmem:s1+$0xFFFFFF30];
	(erf) = vpow2.f32 v11;
	[tilespmem:s13+$0xFFFFFFA0] =	vst v38;
	v42 =	vmul.f32 v40, v34  }
0x1c3: {  	v44 =	vld [tilespmem:s10+$0xFFFFFFB0]  }
0x1c4: {  	v45 =	vld [tilespmem:s1+$0xFFFFFFB0];
	[tilespmem:s13+$0x20] =	vst v42  }
0x1c5: {  	v46 =	vld [tilespmem:s10+$0x30]  }
0x1c6: {  	v47 =	vld [tilespmem:s1+$0x30];
	_ =	sdelay $0x1  }
0x1c7: {  	v23 =	vadd.f32 $1.000000000e+00, v35  }
0x1c8: {  	v11 =	vadd.f32 v43, v41;
	v15 =	vadd.f32 $1.000000000e+00, v39;
	v48 =	vpop (erf)  }
0x1c9: {  	v24 =	vadd.f32 $1.000000000e+00, v48;
	v9 =	vadd.f32 v45, v44  }
0x1ca: {  	(erf) = vrcp.f32 v23;
	v11 =	vsub.f32 $0.0e+00, v11;
	v49 =	vpop (erf);
	v50 =	vadd.f32 v47, v46  }
0x1cb: {  	(erf) = vrcp.f32 v15;
	v9 =	vsub.f32 $0.0e+00, v9;
	v51 =	vadd.f32 $1.000000000e+00, v49  }
0x1cc: {  	(erf) = vrcp.f32 v24;
	v11 =	vmul.f32 $1.442695020e+00, v11;
	v52 =	vsub.f32 $0.0e+00, v50  }
0x1cd: {  	v9 =	vmul.f32 $1.442695020e+00, v9;
	(erf) = vrcp.f32 v51  }
0x1ce: {  	v53 =	vmul.f32 $1.442695020e+00, v52;
	(erf) = vpow2.f32 v11  }
0x1cf: {  	(erf) = vpow2.f32 v9  }
0x1d0: {  	(erf) = vpow2.f32 v53;
	_ =	sdelay $0x2  }
0x1d1: {  	v54 =	vpop (erf)  }
0x1d2: {  	v55 =	vpop (erf)  }
0x1d3: {  	v56 =	vpop (erf)  }
0x1d4: {  	v2 =	vmul.f32 v19, v2;
	v57 =	vpop (erf)  }
0x1d5: {  	v58 =	vpop (erf)  }
0x1d6: {  	[tilespmem:s16+$0xFFFFFF30] =	vst v2;
	v2 =	vmul.f32 v21, v3;
	v3 =	vld [tilespmem:s2+$0xB0];
	v59 =	vadd.f32 $1.000000000e+00, v58;
	v60 =	vpop (erf)  }
0x1d7: {  	v4 =	vmul.f32 v20, v4;
	v61 =	vadd.f32 $1.000000000e+00, v60;
	v62 =	vpop (erf)  }
0x1d8: {  	(erf) = vrcp.f32 v59;
	v63 =	vadd.f32 $1.000000000e+00, v62  }
0x1d9: {  	v17 =	vmul.f32 v18, v17;
	[tilespmem:s16+$0xFFFFFFB0] =	vst v4;
	v4 =	vld [tilespmem:s13+$0xB0];
	(erf) = vrcp.f32 v61  }
0x1da: {  	[tilespmem:s16+$0x30] =	vst v2;
	v2 =	vmul.f32 v26, v6;
	(erf) = vrcp.f32 v63  }
0x1db: {  	[tilespmem:s19+$0xB0] =	vst v17;
	v3 =	vmul.f32 v33, v3  }
0x1dc: {  	[tilespmem:s19+$0xFFFFFF30] =	vst v2;
	v2 =	vmul.f32 v8, v7  }
0x1dd: {  	v22 =	vld [tilespmem:s13+$0xFFFFFF30];
	[tilespmem:s2+$0xB0] =	vst v3;
	v5 =	vmul.f32 v37, v5  }
0x1de: {  	v14 =	vld [tilespmem:s13+$0xFFFFFFB0];
	[tilespmem:s19+$0x30] =	vst v2;
	v2 =	vmul.f32 v54, v4  }
0x1df: {  	v16 =	vld [tilespmem:s13+$0x30];
	[tilespmem:s19+$0xFFFFFFB0] =	vst v5;
	v3 =	vmul.f32 v55, v13  }
0x1e0: {  	[tilespmem:s13+$0xB0] =	vst v2;
	v2 =	vmul.f32 v56, v10  }
0x1e1: {  	[tilespmem:s2+$0xFFFFFF30] =	vst v3;
	v3 =	vmul.f32 v57, v12;
	v4 =	vpop (erf)  }
0x1e2: {  	[tilespmem:s2+$0xFFFFFFB0] =	vst v2;
	v2 =	vmul.f32 v4, v22;
	v4 =	vpop (erf)  }
0x1e3: {  	[tilespmem:s2+$0x30] =	vst v3;
	v3 =	vmul.f32 v4, v14;
	v4 =	vpop (erf)  }
0x1e4: {  	[tilespmem:s13+$0xFFFFFF30] =	vst v2;
	v2 =	vmul.f32 v4, v16  }
0x1e5: {  	p0 =	seq.s32 s24, $0x0;
	[tilespmem:s13+$0xFFFFFFB0] =	vst v3  }
0x1e6: {  	s0 =	simm.s32 @!p0 $0x6;
	[tilespmem:s13+$0x30] =	vst v2  }
0x1e7: {  	_ =	swait.ge @!p0 [sflag:s0], $0x3800  }
0x1e8: {  	[sflag:s0] =	ssyncset.done @!p0 $0x0  }
0x1e9: {  	[sflag:s0] =	ssyncadd.s32 @!p0 $0xFFFFC800  }
0x1ea: {  	_ =	swait.ge [sflag:s30], $0x70  }
0x1eb: {  	[sflag:s30] =	ssyncset.done $0x0  }
0x1ec: {  	[sflag:s30] =	ssyncadd.s32 $0xFFFFFF90  }
0x1ed: {  	_ =	swait.ge [sflag:s30], $0x70  }
0x1ee: {  	[sflag:s30] =	ssyncset.done $0x0  }
0x1ef: {  	[sflag:s30] =	ssyncadd.s32 $0xFFFFFF90  }
0x1f0: {  	[tilespmem:s31], [sflag:$0x4] =	stream.indirect.gather [hbm4b:s4+s22], $0x80, s26, s22, $0xb8;
	[tilespmem:$0x1F700] =	vst v63  }
0x1f1: {  	s17 =	simm.s32 $0xAB00;
	p0 =	seq.s32 s24, $0x59;
	s0 =	rddreg [dreg:$0x9]  }
0x1f2: {  	[tilespmem:s17], [sflag:$0x4] =	stream.indirect.gather [hbm4b:s5+s22], $0x80, s26, s22, $0xb8;
	[tilespmem:$0x1F700] =	vst v63  }
0x1f3: {  	s20 =	simm.s32 $0x11B00;
	s19 =	simm.s32 $0x180;
	s0 =	sadd.s32 @!p0 s9, s0  }
0x1f4: {  	[tilespmem:s20], [sflag:$0x4] =	stream.indirect.gather [hbm4b:s6+s22], $0x80, s19, s22, $0xb8;
	[tilespmem:$0x1F700] =	vst v63  }
0x1f5: {  	s23 =	simm.s32 $0x200;
	s0 =	sshrl.u32 @!p0 s0, $0x3  }
0x1f6: {  	[spmem:s28] =	stream.indirect.scatter.add.f32 [tilespmem:s18], [sflag:$0x5], $0x80, s23, s22, $0xb8;
	[tilespmem:$0x1F700] =	vst v63  }
0x1f7: {  	s2 =	simm.s32 @!p0 $0x0;
	s1 =	sadd.s32 @!p0 s7, s0  }
0x1f8: {  	[tilespmem:s2], [sflag:$0x1] =	stream.linear.gather @!p0 [hbm4b:s1+s2], $0x70, $0x38;
	[tilespmem:$0x1F700] =	vst v63  }
0x1f9: {  	s0 =	sadd.s32 @!p0 s8, s0;
	s1 =	simm.s32 @!p0 $0x100  }
0x1fa: {  	[tilespmem:s1], [sflag:$0x1] =	stream.linear.gather @!p0 [hbm4b:s0+s2], $0x70, $0x38;
	[tilespmem:$0x1F700] =	vst v63  }
0x1fb: {  	_ =	swait.ge [sflag:s11], $0x3800  }
0x1fc: {  	[sflag:s11] =	ssyncset.done $0x0  }
0x1fd: {  	[sflag:s11] =	ssyncadd.s32 $0xFFFFC800  }
0x1fe: {  	_ =	swait.ge [sflag:s11], $0x3800  }
0x1ff: {  	[sflag:s11] =	ssyncset.done $0x0  }
0x200: {  	[sflag:s11] =	ssyncadd.s32 $0xFFFFC800  }
0x201: {  	_ =	swait.ge [sflag:s11], $0x3800  }
0x202: {  	[sflag:s11] =	ssyncset.done $0x0  }
0x203: {  	s25 =	simm.s32 $0x190;
	[sflag:s11] =	ssyncadd.s32 $0xFFFFC800  }
0x204: {  	v2 =	vld [tilespmem:s25+$0xFFFFFFF0]  }
0x205: {  	v4 =	vld [tilespmem:s25+$0x0];
	_ =	sdelay $0x3  }
0x206: {  	s1 =	simm.s32 $0x1B0;
	v2 =	vsub.s32 v2, v0  }
0x207: {  	s0 =	simm.s32 $0x290;
	v3 =	vld [tilespmem:s1+$0xFFFFFFF0];
	v4 =	vsub.s32 v4, v0;
	v5 =	vmin.u32 v2, $0x1400  }
0x208: {  	s2 =	simm.s32 $0x2;
	v2 =	vld [tilespmem:s1+$0x0];
	v4 =	vmin.u32 v4, $0x1400;
	[tilespmem:s0+$0xFFFFFFF0] =	vst v5  }
.LBB2_9:
0x209: {  	s2 =	sadd.s32 $0x2, s2  }
0x20a: {  	[tilespmem:s0+$0x0] =	vst v4;
	s0 =	sadd.s32 $0x20, s0;
	p1 =	slt.u32 s2, $0x4  }
.Ltmp5:
0x20b: {  	(pc) =	sbr.rel @p1 .LBB2_9-.Ltmp5, $4  }
0x20c: {  	_ = 	snop  }
0x20d: {  	s1 =	sadd.s32 $0x20, s1;
	v4 =	vsub.s32 v3, v0  }
0x20e: {  	v3 =	vld [tilespmem:s1+$0xFFFFFFF0];
	v4 =	vmin.u32 v4, $0x1400;
	v5 =	vsub.s32 v2, v0  }
0x20f: {  	v2 =	vld [tilespmem:s1+$0x0];
	[tilespmem:s0+$0xFFFFFFF0] =	vst v4;
	v4 =	vmin.u32 v5, $0x1400  }
0x210: {  	_ =	sdelay $0x2  }
0x211: {  	v3 =	vsub.s32 v3, v0  }
0x212: {  	[tilespmem:s0+$0x0] =	vst v4;
	s25 =	sadd.s32 $0x20, s0;
	v3 =	vmin.u32 v3, $0x1400;
	v2 =	vsub.s32 v2, v0  }
0x213: {  	[tilespmem:s25+$0xFFFFFFF0] =	vst v3;
	v2 =	vmin.u32 v2, $0x1400  }
0x214: {  	[tilespmem:s25+$0x0] =	vst v2  }
0x215: {  	v2 =	vld [tilespmem:$0x1E0];
	_ =	sdelay $0x4  }
0x216: {  	v2 =	vsub.s32 v2, v0  }
0x217: {  	v2 =	vmin.u32 v2, $0x1400  }
0x218: {  	s10 =	simm.s32 $0x11C00;
	[tilespmem:$0x2E0] =	vst v2  }
0x219: {  	s1 =	simm.s32 $0xAC00;
	v2 =	vld [tilespmem:s10+$0x80]  }
0x21a: {  	v3 =	vld [tilespmem:s1+$0x80];
	_ =	sdelay $0x3  }
0x21b: {  	v5 =	vld [tilespmem:s10+$0xFFFFFF80]  }
0x21c: {  	v6 =	vld [tilespmem:s1+$0xFFFFFF80];
	v2 =	vadd.f32 v3, v2  }
0x21d: {  	v7 =	vld [tilespmem:s1+$0x0]  }
0x21e: {  	v3 =	vld [tilespmem:s10+$0x0];
	v2 =	vsub.f32 $0.0e+00, v2;
	_ =	sdelay $0x1  }
0x21f: {  	v4 =	vld [tilespmem:s1+$0xFFFFFF00];
	v2 =	vmul.f32 $1.442695020e+00, v2  }
0x220: {  	v8 =	vld [tilespmem:s10+$0xFFFFFF00];
	v5 =	vadd.f32 v6, v5  }
0x221: {  	(erf) = vpow2.f32 v2  }
0x222: {  	v2 =	vadd.f32 v7, v3;
	v3 =	vsub.f32 $0.0e+00, v5;
	_ =	sdelay $0x1  }
0x223: {  	v2 =	vsub.f32 $0.0e+00, v2;
	v3 =	vmul.f32 $1.442695020e+00, v3  }
0x224: {  	v4 =	vadd.f32 v4, v8  }
0x225: {  	v2 =	vmul.f32 $1.442695020e+00, v2;
	(erf) = vpow2.f32 v3  }
0x226: {  	v4 =	vsub.f32 $0.0e+00, v4;
	_ =	sdelay $0x1  }
0x227: {  	v3 =	vmul.f32 $1.442695020e+00, v4;
	(erf) = vpow2.f32 v2  }
0x228: {  	v2 =	vpop (erf)  }
0x229: {  	(erf) = vpow2.f32 v3;
	v2 =	vadd.f32 $1.000000000e+00, v2;
	_ =	sdelay $0x3  }
0x22a: {  	(erf) = vrcp.f32 v2;
	v2 =	vpop (erf)  }
0x22b: {  	v2 =	vadd.f32 $1.000000000e+00, v2;
	_ =	sdelay $0x1  }
0x22c: {  	v3 =	vpop (erf);
	(erf) = vrcp.f32 v2;
	_ =	sdelay $0x1  }
0x22d: {  	s9 =	simm.s32 $0x3C40;
	v3 =	vadd.f32 $1.000000000e+00, v3;
	v4 =	vpop (erf)  }
0x22e: {  	v2 =	vld [tilespmem:s9+$0x80];
	v4 =	vadd.f32 $1.000000000e+00, v4  }
0x22f: {  	(erf) = vrcp.f32 v3  }
0x230: {  	(erf) = vrcp.f32 v4;
	v4 =	vld [tilespmem:s9+$0xFFFFFF80];
	_ =	sdelay $0x1  }
0x231: {  	v3 =	vpop (erf)  }
0x232: {  	v2 =	vmul.f32 v3, v2  }
0x233: {  	v6 =	vld [tilespmem:s9+$0x0];
	v5 =	vpop (erf)  }
0x234: {  	v3 =	vld [tilespmem:s9+$0xFFFFFF00];
	[tilespmem:s9+$0x80] =	vst v2;
	v4 =	vmul.f32 v5, v4  }
0x235: {  	v2 =	vld [tilespmem:s10+$0x90]  }
0x236: {  	v7 =	vld [tilespmem:s1+$0x90]  }
0x237: {  	v8 =	vpop (erf)  }
0x238: {  	s19 =	simm.s32 $0x11E00;
	v6 =	vmul.f32 v8, v6;
	[tilespmem:s9+$0xFFFFFF80] =	vst v4;
	v4 =	vpop (erf)  }
0x239: {  	v10 =	vld [tilespmem:s19+$0x80];
	v3 =	vmul.f32 v4, v3  }
0x23a: {  	[tilespmem:s9+$0x0] =	vst v6;
	v6 =	vld [tilespmem:s1+$0xFFFFFF90]  }
0x23b: {  	v2 =	vadd.f32 v7, v2;
	v4 =	vld [tilespmem:s10+$0xFFFFFF90];
	[tilespmem:s9+$0xFFFFFF00] =	vst v3  }
0x23c: {  	v7 =	vld [tilespmem:s10+$0xFFFFFF10]  }
0x23d: {  	v2 =	vsub.f32 $0.0e+00, v2;
	v8 =	vld [tilespmem:s1+$0xFFFFFF10]  }
0x23e: {  	v9 =	vld [tilespmem:s1+$0x10]  }
0x23f: {  	s17 =	simm.s32 $0xAE00;
	v3 =	vld [tilespmem:s10+$0x10];
	v2 =	vmul.f32 $1.442695020e+00, v2  }
0x240: {  	v4 =	vadd.f32 v6, v4;
	v6 =	vld [tilespmem:s17+$0x80]  }
0x241: {  	(erf) = vpow2.f32 v2  }
0x242: {  	v2 =	vsub.f32 $0.0e+00, v4;
	v7 =	vadd.f32 v8, v7  }
0x243: {  	v4 =	vld [tilespmem:s19+$0xFFFFFF80]  }
0x244: {  	v3 =	vadd.f32 v9, v3;
	v9 =	vld [tilespmem:s19+$0x0];
	v2 =	vmul.f32 $1.442695020e+00, v2;
	v7 =	vsub.f32 $0.0e+00, v7  }
0x245: {  	v8 =	vld [tilespmem:s17+$0xFFFFFF80];
	v6 =	vadd.f32 v6, v10  }
0x246: {  	v3 =	vsub.f32 $0.0e+00, v3;
	(erf) = vpow2.f32 v2;
	v2 =	vld [tilespmem:s17+$0x0];
	v7 =	vmul.f32 $1.442695020e+00, v7  }
0x247: {  	v12 =	vld [tilespmem:s19+$0xFFFFFF00];
	v6 =	vsub.f32 $0.0e+00, v6  }
0x248: {  	v10 =	vld [tilespmem:s17+$0xFFFFFF00];
	v3 =	vmul.f32 $1.442695020e+00, v3  }
0x249: {  	(erf) = vpow2.f32 v7;
	v6 =	vmul.f32 $1.442695020e+00, v6  }
0x24a: {  	v4 =	vadd.f32 v8, v4;
	(erf) = vpow2.f32 v3;
	v7 =	vpop (erf)  }
0x24b: {  	v2 =	vadd.f32 v2, v9;
	(erf) = vpow2.f32 v6;
	v3 =	vadd.f32 $1.000000000e+00, v7  }
0x24c: {  	v4 =	vsub.f32 $0.0e+00, v4  }
0x24d: {  	v2 =	vsub.f32 $0.0e+00, v2;
	(erf) = vrcp.f32 v3;
	v3 =	vadd.f32 v10, v12  }
0x24e: {  	v4 =	vmul.f32 $1.442695020e+00, v4  }
0x24f: {  	v6 =	vpop (erf);
	v2 =	vmul.f32 $1.442695020e+00, v2;
	v3 =	vsub.f32 $0.0e+00, v3  }
0x250: {  	(erf) = vpow2.f32 v4;
	v6 =	vadd.f32 $1.000000000e+00, v6  }
0x251: {  	(erf) = vpow2.f32 v2;
	v3 =	vmul.f32 $1.442695020e+00, v3  }
0x252: {  	v2 =	vld [tilespmem:s9+$0x90];
	v4 =	vpop (erf);
	(erf) = vrcp.f32 v6  }
0x253: {  	(erf) = vpow2.f32 v3;
	v3 =	vadd.f32 $1.000000000e+00, v4;
	v4 =	vpop (erf)  }
0x254: {  	v4 =	vadd.f32 $1.000000000e+00, v4;
	v6 =	vpop (erf)  }
0x255: {  	(erf) = vrcp.f32 v3;
	v3 =	vadd.f32 $1.000000000e+00, v6  }
0x256: {  	v6 =	vpop (erf);
	(erf) = vrcp.f32 v4  }
0x257: {  	v4 =	vmul.f32 v6, v2;
	(erf) = vrcp.f32 v3;
	_ =	sdelay $0x1  }
0x258: {  	[tilespmem:s9+$0x90] =	vst v4;
	v3 =	vpop (erf)  }
0x259: {  	v6 =	vld [tilespmem:s10+$0xA0];
	v3 =	vadd.f32 $1.000000000e+00, v3  }
0x25a: {  	s16 =	simm.s32 $0x3E40;
	v7 =	vpop (erf);
	v12 =	vld [tilespmem:s1+$0xA0]  }
0x25b: {  	v16 =	vld [tilespmem:s16+$0x80];
	v15 =	vpop (erf);
	v7 =	vadd.f32 $1.000000000e+00, v7;
	(erf) = vrcp.f32 v3  }
0x25c: {  	v11 =	vld [tilespmem:s9+$0xFFFFFF10];
	v13 =	vpop (erf)  }
0x25d: {  	v14 =	vld [tilespmem:s9+$0xFFFFFF90];
	(erf) = vrcp.f32 v7;
	v17 =	vpop (erf)  }
0x25e: {  	v13 =	vadd.f32 $1.000000000e+00, v13;
	v19 =	vpop (erf)  }
0x25f: {  	v6 =	vadd.f32 v12, v6;
	v12 =	vpop (erf)  }
0x260: {  	v18 =	vld [tilespmem:s16+$0xFFFFFF80];
	(erf) = vrcp.f32 v13;
	v16 =	vmul.f32 v12, v16  }
0x261: {  	v20 =	vld [tilespmem:s16+$0x0];
	v6 =	vsub.f32 $0.0e+00, v6  }
0x262: {  	v14 =	vmul.f32 v15, v14;
	v7 =	vld [tilespmem:s16+$0xFFFFFF00];
	v17 =	vmul.f32 v17, v11;
	[tilespmem:s16+$0x80] =	vst v16  }
0x263: {  	v6 =	vmul.f32 $1.442695020e+00, v6;
	v16 =	vld [tilespmem:s19+$0x90]  }
0x264: {  	[tilespmem:s9+$0xFFFFFF10] =	vst v17;
	v17 =	vld [tilespmem:s17+$0x90];
	v15 =	vpop (erf)  }
0x265: {  	(erf) = vpow2.f32 v6;
	v6 =	vld [tilespmem:s10+$0xFFFFFF20];
	v15 =	vmul.f32 v15, v18  }
0x266: {  	[tilespmem:s9+$0xFFFFFF90] =	vst v14;
	v14 =	vpop (erf);
	v18 =	vld [tilespmem:s1+$0xFFFFFF20]  }
0x267: {  	v14 =	vmul.f32 v14, v20  }
0x268: {  	v5 =	vld [tilespmem:s9+$0x10];
	[tilespmem:s16+$0xFFFFFF80] =	vst v15  }
0x269: {  	[tilespmem:s16+$0x0] =	vst v14;
	v14 =	vld [tilespmem:s17+$0xFFFFFF90];
	v15 =	vpop (erf)  }
0x26a: {  	v7 =	vmul.f32 v15, v7;
	v15 =	vld [tilespmem:s19+$0xFFFFFF90]  }
0x26b: {  	v16 =	vadd.f32 v17, v16;
	v6 =	vadd.f32 v18, v6;
	v18 =	vld [tilespmem:s17+$0x10]  }
0x26c: {  	[tilespmem:s16+$0xFFFFFF00] =	vst v7;
	v7 =	vld [tilespmem:s19+$0x10]  }
0x26d: {  	v16 =	vsub.f32 $0.0e+00, v16;
	v17 =	vld [tilespmem:s19+$0xFFFFFF10]  }
0x26e: {  	v21 =	vld [tilespmem:s17+$0xFFFFFF10]  }
0x26f: {  	s23 =	simm.s32 $0xB000;
	v16 =	vmul.f32 $1.442695020e+00, v16;
	v6 =	vsub.f32 $0.0e+00, v6;
	v22 =	vpop (erf)  }
0x270: {  	s25 =	simm.s32 $0x12000;
	v23 =	vld [tilespmem:s23+$0x80];
	v5 =	vmul.f32 v19, v5;
	v22 =	vadd.f32 $1.000000000e+00, v22;
	v14 =	vadd.f32 v14, v15  }
0x271: {  	v19 =	vld [tilespmem:s25+$0xFFFFFF00];
	(erf) = vpow2.f32 v16;
	v6 =	vmul.f32 $1.442695020e+00, v6  }
0x272: {  	v15 =	vld [tilespmem:s25+$0x80];
	(erf) = vrcp.f32 v22;
	v14 =	vsub.f32 $0.0e+00, v14;
	v7 =	vadd.f32 v18, v7  }
0x273: {  	v22 =	vld [tilespmem:s25+$0xFFFFFF80];
	v17 =	vadd.f32 v21, v17  }
0x274: {  	(erf) = vpow2.f32 v6;
	v6 =	vld [tilespmem:s25+$0x0];
	v14 =	vmul.f32 $1.442695020e+00, v14;
	v7 =	vsub.f32 $0.0e+00, v7  }
0x275: {  	v21 =	vld [tilespmem:s23+$0xFFFFFF80];
	v17 =	vsub.f32 $0.0e+00, v17  }
0x276: {  	(erf) = vpow2.f32 v14;
	v14 =	vld [tilespmem:s23+$0x0];
	v7 =	vmul.f32 $1.442695020e+00, v7  }
0x277: {  	v18 =	vld [tilespmem:s9+$0xA0];
	v17 =	vmul.f32 $1.442695020e+00, v17  }
0x278: {  	v20 =	vld [tilespmem:s10+$0xFFFFFFA0];
	v15 =	vadd.f32 v23, v15  }
0x279: {  	[tilespmem:s9+$0x10] =	vst v5;
	v16 =	vld [tilespmem:s23+$0xFFFFFF00];
	(erf) = vpow2.f32 v17  }
0x27a: {  	v15 =	vsub.f32 $0.0e+00, v15;
	v5 =	vadd.f32 v21, v22;
	v21 =	vld [tilespmem:s10+$0x20];
	(erf) = vpow2.f32 v7;
	v7 =	vpop (erf)  }
0x27b: {  	v17 =	vld [tilespmem:s1+$0xFFFFFFA0];
	v6 =	vadd.f32 v14, v6;
	v7 =	vadd.f32 $1.000000000e+00, v7;
	v14 =	vpop (erf)  }
0x27c: {  	v22 =	vld [tilespmem:s1+$0x20];
	v15 =	vmul.f32 $1.442695020e+00, v15;
	v14 =	vmul.f32 v14, v18  }
0x27d: {  	v5 =	vsub.f32 $0.0e+00, v5  }
0x27e: {  	(erf) = vpow2.f32 v15;
	v15 =	vadd.f32 v16, v19;
	v6 =	vsub.f32 $0.0e+00, v6  }
0x27f: {  	v5 =	vmul.f32 $1.442695020e+00, v5;
	(erf) = vrcp.f32 v7;
	v7 =	vpop (erf)  }
0x280: {  	v15 =	vsub.f32 $0.0e+00, v15;
	v16 =	vadd.f32 v17, v20;
	[tilespmem:s9+$0xA0] =	vst v14;
	v6 =	vmul.f32 $1.442695020e+00, v6;
	v14 =	vpop (erf)  }
0x281: {  	(erf) = vpow2.f32 v5;
	v17 =	vadd.f32 v22, v21;
	v18 =	vld [tilespmem:s10+$0xB0];
	v14 =	vadd.f32 $1.000000000e+00, v14  }
0x282: {  	v5 =	vsub.f32 $0.0e+00, v16;
	v16 =	vld [tilespmem:s1+$0xB0];
	(erf) = vpow2.f32 v6  }
0x283: {  	v15 =	vmul.f32 $1.442695020e+00, v15;
	(erf) = vrcp.f32 v14;
	v14 =	vsub.f32 $0.0e+00, v17  }
0x284: {  	v19 =	vpop (erf);
	v5 =	vmul.f32 $1.442695020e+00, v5  }
0x285: {  	(erf) = vpow2.f32 v15;
	v15 =	vadd.f32 $1.000000000e+00, v19  }
0x286: {  	v17 =	vpop (erf);
	(erf) = vpow2.f32 v5  }
0x287: {  	v6 =	vld [tilespmem:s16+$0x90];
	v5 =	vmul.f32 $1.442695020e+00, v14;
	(erf) = vrcp.f32 v15;
	v15 =	vadd.f32 v16, v18;
	v14 =	vpop (erf)  }
0x288: {  	s0 =	simm.s32 $0x4040;
	v20 =	vadd.f32 $1.000000000e+00, v17;
	v14 =	vadd.f32 $1.000000000e+00, v14  }
0x289: {  	v24 =	vld [tilespmem:s0+$0xFFFFFF00];
	v15 =	vsub.f32 $0.0e+00, v15  }
0x28a: {  	v25 =	vld [tilespmem:s0+$0xFFFFFF80];
	(erf) = vrcp.f32 v20  }
0x28b: {  	s2 =	simm.s32 $0x12200;
	v26 =	vld [tilespmem:s0+$0x0];
	v7 =	vadd.f32 $1.000000000e+00, v7;
	v16 =	vpop (erf);
	(erf) = vpow2.f32 v5;
	v15 =	vmul.f32 $1.442695020e+00, v15  }
0x28c: {  	v32 =	vld [tilespmem:s2+$0x80];
	v16 =	vmul.f32 v16, v6;
	(erf) = vrcp.f32 v14;
	v14 =	vpop (erf)  }
0x28d: {  	v8 =	vld [tilespmem:s9+$0xFFFFFF20];
	(erf) = vrcp.f32 v7;
	v7 =	vadd.f32 $1.000000000e+00, v14;
	v14 =	vpop (erf)  }
0x28e: {  	v9 =	vld [tilespmem:s9+$0xFFFFFFA0];
	[tilespmem:s16+$0x90] =	vst v16;
	v22 =	vpop (erf)  }
0x28f: {  	v16 =	vld [tilespmem:s19+$0xA0];
	(erf) = vpow2.f32 v15;
	v14 =	vadd.f32 $1.000000000e+00, v14;
	v15 =	vpop (erf)  }
0x290: {  	v20 =	vld [tilespmem:s17+$0xA0];
	(erf) = vrcp.f32 v7;
	v15 =	vadd.f32 $1.000000000e+00, v15  }
0x291: {  	v10 =	vld [tilespmem:s9+$0x20]  }
0x292: {  	v23 =	vld [tilespmem:s0+$0x80];
	v21 =	vpop (erf)  }
0x293: {  	v13 =	vld [tilespmem:s16+$0xFFFFFF10];
	(erf) = vrcp.f32 v14;
	v14 =	vpop (erf)  }
0x294: {  	v12 =	vld [tilespmem:s16+$0xFFFFFF90];
	v28 =	vadd.f32 $1.000000000e+00, v21;
	(erf) = vrcp.f32 v15;
	v15 =	vpop (erf)  }
0x295: {  	v2 =	vld [tilespmem:s9+$0xFFFFFF30];
	v16 =	vadd.f32 v20, v16;
	v20 =	vpop (erf)  }
0x296: {  	v4 =	vld [tilespmem:s9+$0xFFFFFFB0];
	v27 =	vpop (erf)  }
0x297: {  	v3 =	vld [tilespmem:s9+$0x30];
	v23 =	vmul.f32 v27, v23;
	v27 =	vpop (erf)  }
0x298: {  	v11 =	vld [tilespmem:s16+$0x10];
	v13 =	vmul.f32 v14, v13;
	(erf) = vrcp.f32 v28;
	v28 =	vpop (erf)  }
0x299: {  	v17 =	vld [tilespmem:s16+$0xFFFFFF20];
	v12 =	vmul.f32 v22, v12;
	v16 =	vsub.f32 $0.0e+00, v16;
	v22 =	vpop (erf)  }
0x29a: {  	v19 =	vld [tilespmem:s16+$0xFFFFFFA0];
	[tilespmem:s16+$0xFFFFFF10] =	vst v13;
	v13 =	vadd.f32 $1.000000000e+00, v20;
	v22 =	vmul.f32 v22, v25  }
0x29b: {  	v18 =	vld [tilespmem:s16+$0x20];
	v16 =	vmul.f32 $1.442695020e+00, v16;
	[tilespmem:s0+$0x80] =	vst v23  }
0x29c: {  	(erf) = vrcp.f32 v13;
	v13 =	vld [tilespmem:s25+$0x90]  }
0x29d: {  	[tilespmem:s16+$0xFFFFFF90] =	vst v12;
	(erf) = vpow2.f32 v16;
	v25 =	vld [tilespmem:s23+$0x90];
	v12 =	vpop (erf)  }
0x29e: {  	v23 =	vld [tilespmem:s19+$0xFFFFFF20];
	v12 =	vmul.f32 v12, v26;
	[tilespmem:s0+$0xFFFFFF80] =	vst v22;
	v22 =	vpop (erf)  }
0x29f: {  	v16 =	vld [tilespmem:s17+$0xFFFFFF20];
	v22 =	vmul.f32 v22, v24  }
0x2a0: {  	[tilespmem:s0+$0x0] =	vst v12;
	v12 =	vld [tilespmem:s23+$0xFFFFFF90]  }
0x2a1: {  	v24 =	vld [tilespmem:s25+$0xFFFFFF90];
	[tilespmem:s0+$0xFFFFFF00] =	vst v22  }
0x2a2: {  	v13 =	vadd.f32 v25, v13;
	v25 =	vld [tilespmem:s25+$0xFFFFFF10]  }
0x2a3: {  	v30 =	vld [tilespmem:s23+$0xFFFFFF10]  }
0x2a4: {  	v16 =	vadd.f32 v16, v23;
	v23 =	vld [tilespmem:s23+$0x10];
	v29 =	vpop (erf);
	v13 =	vsub.f32 $0.0e+00, v13  }
0x2a5: {  	v28 =	vadd.f32 $1.000000000e+00, v28;
	v22 =	vld [tilespmem:s25+$0x10];
	v31 =	vpop (erf)  }
0x2a6: {  	s13 =	simm.s32 $0xB200;
	v11 =	vmul.f32 v15, v11;
	v15 =	vld [tilespmem:s2+$0xFFFFFF00];
	v13 =	vmul.f32 $1.442695020e+00, v13;
	v12 =	vadd.f32 v12, v24;
	v24 =	vpop (erf)  }
0x2a7: {  	(erf) = vrcp.f32 v28;
	v28 =	vld [tilespmem:s13+$0x80];
	v16 =	vsub.f32 $0.0e+00, v16;
	v24 =	vadd.f32 $1.000000000e+00, v24  }
0x2a8: {  	(erf) = vpow2.f32 v13;
	v13 =	vld [tilespmem:s13+$0xFFFFFF00];
	v12 =	vsub.f32 $0.0e+00, v12;
	v25 =	vadd.f32 v30, v25  }
0x2a9: {  	v16 =	vmul.f32 $1.442695020e+00, v16;
	(erf) = vrcp.f32 v24;
	v24 =	vld [tilespmem:s2+$0xFFFFFF80]  }
0x2aa: {  	v22 =	vadd.f32 v23, v22;
	v30 =	vld [tilespmem:s13+$0xFFFFFF80];
	v12 =	vmul.f32 $1.442695020e+00, v12;
	v23 =	vsub.f32 $0.0e+00, v25  }
0x2ab: {  	(erf) = vpow2.f32 v16;
	v16 =	vld [tilespmem:s2+$0x0]  }
0x2ac: {  	v22 =	vsub.f32 $0.0e+00, v22;
	(erf) = vpow2.f32 v12;
	v12 =	vld [tilespmem:s13+$0x0];
	v23 =	vmul.f32 $1.442695020e+00, v23  }
0x2ad: {  	v5 =	vld [tilespmem:s16+$0xFFFFFF30];
	v25 =	vadd.f32 v28, v32  }
0x2ae: {  	v28 =	vld [tilespmem:s16+$0xA0];
	v59 =	vmul.f32 $1.442695020e+00, v22  }
0x2af: {  	v6 =	vld [tilespmem:s16+$0xFFFFFFB0];
	v25 =	vsub.f32 $0.0e+00, v25;
	(erf) = vpow2.f32 v23  }
0x2b0: {  	v33 =	vld [tilespmem:s17+$0xFFFFFFA0];
	[tilespmem:s16+$0x10] =	vst v11;
	v13 =	vadd.f32 v13, v15;
	v11 =	vadd.f32 v30, v24;
	(erf) = vpow2.f32 v59;
	v23 =	vpop (erf)  }
0x2b1: {  	v26 =	vld [tilespmem:s19+$0xFFFFFFA0];
	v24 =	vmul.f32 $1.442695020e+00, v25;
	v25 =	vmul.f32 v27, v8;
	v12 =	vadd.f32 v12, v16;
	v8 =	vpop (erf)  }
0x2b2: {  	v30 =	vld [tilespmem:s17+$0x20];
	v60 =	vsub.f32 $0.0e+00, v11;
	v16 =	vadd.f32 $1.000000000e+00, v8;
	v8 =	vpop (erf)  }
0x2b3: {  	v27 =	vld [tilespmem:s19+$0x20];
	(erf) = vpow2.f32 v24;
	v12 =	vsub.f32 $0.0e+00, v12;
	v24 =	vmul.f32 v8, v28  }
0x2b4: {  	v7 =	vld [tilespmem:s16+$0x30];
	v15 =	vpop (erf);
	(erf) = vrcp.f32 v16;
	v16 =	vmul.f32 $1.442695020e+00, v60  }
0x2b5: {  	v21 =	vld [tilespmem:s0+$0xFFFFFF90];
	v13 =	vsub.f32 $0.0e+00, v13;
	v28 =	vmul.f32 v29, v9;
	v29 =	vpop (erf);
	v12 =	vmul.f32 $1.442695020e+00, v12  }
0x2b6: {  	v14 =	vld [tilespmem:s0+$0xFFFFFF10];
	v26 =	vadd.f32 v33, v26;
	[tilespmem:s16+$0xA0] =	vst v24;
	v24 =	vadd.f32 $1.000000000e+00, v29;
	(erf) = vpow2.f32 v16  }
0x2b7: {  	v13 =	vmul.f32 $1.442695020e+00, v13;
	v29 =	vld [tilespmem:s19+$0xB0];
	(erf) = vpow2.f32 v12  }
0x2b8: {  	[tilespmem:s9+$0xFFFFFF20] =	vst v25;
	v25 =	vadd.f32 v30, v27;
	v16 =	vsub.f32 $0.0e+00, v26;
	v26 =	vld [tilespmem:s17+$0xB0];
	v27 =	vpop (erf);
	(erf) = vrcp.f32 v24  }
0x2b9: {  	v20 =	vld [tilespmem:s0+$0x10];
	(erf) = vpow2.f32 v13;
	v13 =	vadd.f32 $1.000000000e+00, v27;
	v27 =	vpop (erf)  }
0x2ba: {  	v16 =	vmul.f32 $1.442695020e+00, v16;
	v24 =	vld [tilespmem:s0+$0x90];
	v27 =	vadd.f32 $1.000000000e+00, v27  }
0x2bb: {  	v10 =	vmul.f32 v31, v10;
	v22 =	vld [tilespmem:s9+$0xB0];
	v25 =	vsub.f32 $0.0e+00, v25  }
0x2bc: {  	v11 =	vld [tilespmem:s0+$0xFFFFFF20];
	(erf) = vpow2.f32 v16  }
0x2bd: {  	[tilespmem:s9+$0x20] =	vst v10;
	v8 =	vld [tilespmem:s0+$0xFFFFFFA0];
	v16 =	vmul.f32 $1.442695020e+00, v25;
	v30 =	vpop (erf);
	(erf) = vrcp.f32 v13;
	v10 =	vadd.f32 v26, v29  }
0x2be: {  	[tilespmem:s9+$0xFFFFFFA0] =	vst v28;
	v28 =	vld [tilespmem:s1+$0xFFFFFF30];
	(erf) = vrcp.f32 v27;
	v27 =	vpop (erf)  }
0x2bf: {  	v12 =	vld [tilespmem:s10+$0xFFFFFF30];
	(erf) = vpow2.f32 v16;
	v16 =	vmul.f32 v27, v24;
	v24 =	vsub.f32 $0.0e+00, v10  }
0x2c0: {  	v25 =	vld [tilespmem:s10+$0xFFFFFFB0];
	v13 =	vadd.f32 $1.000000000e+00, v30  }
0x2c1: {  	v26 =	vld [tilespmem:s1+$0xFFFFFFB0];
	[tilespmem:s0+$0x90] =	vst v16;
	v16 =	vmul.f32 $1.442695020e+00, v24  }
0x2c2: {  	v15 =	vadd.f32 $1.000000000e+00, v15;
	v29 =	vld [tilespmem:s10+$0x30];
	(erf) = vrcp.f32 v13;
	v30 =	vpop (erf)  }
0x2c3: {  	v27 =	vld [tilespmem:s1+$0x30];
	v24 =	vpop (erf)  }
0x2c4: {  	v12 =	vadd.f32 v28, v12;
	(erf) = vrcp.f32 v15;
	v15 =	vadd.f32 $1.000000000e+00, v30;
	v30 =	vld [tilespmem:s25+$0xA0];
	v31 =	vpop (erf)  }
0x2c5: {  	v28 =	vld [tilespmem:s23+$0xA0];
	(erf) = vpow2.f32 v16;
	v16 =	vpop (erf)  }
0x2c6: {  	v9 =	vld [tilespmem:s0+$0x20];
	s10 =	simm.s32 $0x4240;
	v61 =	vsub.f32 $0.0e+00, v12;
	v16 =	vadd.f32 $1.000000000e+00, v16  }
0x2c7: {  	v25 =	vadd.f32 v26, v25;
	v24 =	vadd.f32 $1.000000000e+00, v24;
	(erf) = vrcp.f32 v15;
	v15 =	vld [tilespmem:s10+$0x80];
	v26 =	vpop (erf)  }
0x2c8: {  	v34 =	vld [tilespmem:s10+$0xFFFFFF80];
	v32 =	vmul.f32 $1.442695020e+00, v61;
	v62 =	vpop (erf)  }
0x2c9: {  	v13 =	vld [tilespmem:s0+$0xFFFFFF30];
	v27 =	vadd.f32 v27, v29;
	(erf) = vrcp.f32 v24;
	v26 =	vadd.f32 $1.000000000e+00, v26;
	v29 =	vpop (erf)  }
0x2ca: {  	v12 =	vld [tilespmem:s0+$0x30];
	v25 =	vsub.f32 $0.0e+00, v25;
	v28 =	vadd.f32 v28, v30;
	(erf) = vrcp.f32 v16;
	v16 =	vpop (erf)  }
0x2cb: {  	v10 =	vld [tilespmem:s0+$0xFFFFFFB0];
	v33 =	vmul.f32 v62, v14;
	(erf) = vrcp.f32 v26;
	v26 =	vsub.f32 $0.0e+00, v27;
	v14 =	vpop (erf)  }
0x2cc: {  	v25 =	vmul.f32 $1.442695020e+00, v25;
	v24 =	vld [tilespmem:s10+$0xFFFFFF00];
	v27 =	vmul.f32 v14, v15;
	v15 =	vadd.f32 $1.000000000e+00, v16  }
0x2cd: {  	v30 =	vld [tilespmem:s10+$0x0];
	v28 =	vsub.f32 $0.0e+00, v28;
	[tilespmem:s0+$0xFFFFFF10] =	vst v33;
	(erf) = vpow2.f32 v32;
	v26 =	vmul.f32 $1.442695020e+00, v26  }
0x2ce: {  	v22 =	vmul.f32 v23, v22;
	v23 =	vld [tilespmem:s23+$0xFFFFFF20];
	v63 =	vpop (erf);
	(erf) = vrcp.f32 v15  }
0x2cf: {  	v28 =	vmul.f32 $1.442695020e+00, v28;
	v14 =	vld [tilespmem:s10+$0xFFFFFF10];
	[tilespmem:s10+$0x80] =	vst v27;
	(erf) = vpow2.f32 v25  }
0x2d0: {  	v21 =	vmul.f32 v31, v21;
	v25 =	vpop (erf);
	v31 =	vld [tilespmem:s2+$0x90];
	(erf) = vpow2.f32 v26  }
0x2d1: {  	v26 =	vpop (erf);
	(erf) = vpow2.f32 v28;
	v28 =	vld [tilespmem:s13+$0x90]  }
0x2d2: {  	v16 =	vld [tilespmem:s10+$0xFFFFFF90];
	v25 =	vadd.f32 $1.000000000e+00, v25  }
0x2d3: {  	v15 =	vld [tilespmem:s10+$0x10];
	v26 =	vmul.f32 v26, v34  }
0x2d4: {  	[tilespmem:s0+$0xFFFFFF90] =	vst v21;
	v27 =	vld [tilespmem:s25+$0xFFFFFF20];
	v21 =	vpop (erf);
	(erf) = vrcp.f32 v25  }
0x2d5: {  	v30 =	vmul.f32 v21, v30;
	v21 =	vld [tilespmem:s25+$0xFFFFFFA0];
	[tilespmem:s10+$0xFFFFFF80] =	vst v26  }
0x2d6: {  	[tilespmem:s9+$0xB0] =	vst v22;
	v20 =	vmul.f32 v29, v20;
	v22 =	vpop (erf);
	v26 =	vld [tilespmem:s2+$0xFFFFFF90];
	v28 =	vadd.f32 v28, v31  }
0x2d7: {  	v22 =	vmul.f32 v22, v24;
	v24 =	vpop (erf);
	[tilespmem:s10+$0x0] =	vst v30;
	v29 =	vld [tilespmem:s13+$0xFFFFFF90];
	v30 =	vmul.f32 v63, v17  }
0x2d8: {  	[tilespmem:s0+$0x10] =	vst v20;
	v17 =	vld [tilespmem:s16+$0xB0];
	v31 =	vpop (erf);
	v28 =	vsub.f32 $0.0e+00, v28  }
0x2d9: {  	v24 =	vmul.f32 v24, v19;
	v20 =	vld [tilespmem:s2+$0x10];
	[tilespmem:s10+$0xFFFFFF00] =	vst v22;
	v22 =	vadd.f32 v23, v27;
	v23 =	vpop (erf);
	v27 =	vadd.f32 $1.000000000e+00, v31  }
0x2da: {  	[tilespmem:s16+$0xFFFFFF20] =	vst v30;
	v19 =	vld [tilespmem:s2+$0xFFFFFF10];
	v23 =	vmul.f32 v23, v18;
	v25 =	vpop (erf)  }
0x2db: {  	s14 =	simm.s32 $0xC;
	[tilespmem:s16+$0xFFFFFFA0] =	vst v24;
	v24 =	vsub.f32 $0.0e+00, v22;
	v18 =	vld [tilespmem:s13+$0xFFFFFF10];
	v25 =	vadd.f32 $1.000000000e+00, v25;
	(erf) = vrcp.f32 v27;
	v30 =	vpop (erf)  }
0x2dc: {  	s15 =	simm.s32 $0x12400;
	s1 =	simm.s32 $0xB200;
	v22 =	vld [tilespmem:s13+$0x10];
	v26 =	vadd.f32 v29, v26;
	v27 =	vmul.f32 $1.442695020e+00, v28;
	[tilespmem:s16+$0x20] =	vst v23;
	v23 =	vadd.f32 $1.000000000e+00, v30;
	v28 =	vpop (erf)  }
.LBB2_11:
0x2dd: {  	v29 =	vld [tilespmem:s15+$0x80];
	s13 =	sadd.s32 $0x200, s13;
	v24 =	vmul.f32 $1.442695020e+00, v24;
	v28 =	vadd.f32 $1.000000000e+00, v28;
	v30 =	vpop (erf);
	(erf) = vrcp.f32 v25  }
0x2de: {  	v25 =	vld [tilespmem:s13+$0x80];
	v26 =	vsub.f32 $0.0e+00, v26;
	(erf) = vpow2.f32 v27;
	v17 =	vmul.f32 v30, v17  }
0x2df: {  	v27 =	vld [tilespmem:s13+$0xFFFFFF00];
	(erf) = vrcp.f32 v28  }
0x2e0: {  	v28 =	vld [tilespmem:s15+$0xFFFFFF80];
	v18 =	vadd.f32 v18, v19;
	v19 =	vmul.f32 $1.442695020e+00, v26;
	(erf) = vpow2.f32 v24;
	[tilespmem:s16+$0xB0] =	vst v17  }
0x2e1: {  	s14 =	sadd.s32 $0x4, s14;
	v17 =	vld [tilespmem:s13+$0xFFFFFF80];
	v20 =	vadd.f32 v22, v20;
	(erf) = vrcp.f32 v23  }
0x2e2: {  	p1 =	slt.u32 s14, $0x6C;
	v22 =	vld [tilespmem:s15+$0x0];
	v18 =	vsub.f32 $0.0e+00, v18;
	(erf) = vpow2.f32 v19  }
0x2e3: {  	v19 =	vld [tilespmem:s13+$0x0];
	v23 =	vadd.f32 v25, v29;
	v20 =	vsub.f32 $0.0e+00, v20  }
0x2e4: {  	v18 =	vmul.f32 $1.442695020e+00, v18;
	v24 =	vld [tilespmem:s0+$0xA0];
	v25 =	vpop (erf)  }
0x2e5: {  	v26 =	vld [tilespmem:s15+$0xFFFFFF00];
	v23 =	vsub.f32 $0.0e+00, v23;
	v31 =	vmul.f32 $1.442695020e+00, v20;
	v25 =	vmul.f32 v25, v2;
	v2 =	vmovc v5;
	v5 =	vmovc v13  }
0x2e6: {  	v13 =	vadd.f32 v17, v28;
	(erf) = vpow2.f32 v18;
	v28 =	vld [tilespmem:s23+$0xFFFFFFA0];
	v17 =	vpop (erf)  }
0x2e7: {  	v18 =	vmul.f32 $1.442695020e+00, v23;
	(erf) = vpow2.f32 v31;
	v20 =	vpop (erf);
	v23 =	vld [tilespmem:s25+$0x20];
	[tilespmem:s9+$0xFFFFFF30] =	vst v25  }
0x2e8: {  	v31 =	vmul.f32 v17, v4;
	v22 =	vadd.f32 v19, v22;
	v30 =	vadd.f32 $1.000000000e+00, v20;
	v25 =	vld [tilespmem:s23+$0x20];
	v29 =	vpop (erf)  }
0x2e9: {  	v13 =	vsub.f32 $0.0e+00, v13;
	(erf) = vpow2.f32 v18;
	v19 =	vld [tilespmem:s10+$0xFFFFFF20];
	v24 =	vmul.f32 v29, v24;
	v29 =	vpop (erf)  }
0x2ea: {  	v26 =	vadd.f32 v27, v26;
	v22 =	vsub.f32 $0.0e+00, v22;
	v17 =	vld [tilespmem:s10+$0xFFFFFFA0];
	(erf) = vrcp.f32 v30;
	[tilespmem:s9+$0xFFFFFFB0] =	vst v31;
	v20 =	vpop (erf)  }
0x2eb: {  	v13 =	vmul.f32 $1.442695020e+00, v13;
	v27 =	vadd.f32 $1.000000000e+00, v29;
	v18 =	vld [tilespmem:s10+$0x20];
	v4 =	vpop (erf);
	v21 =	vadd.f32 v28, v21;
	[tilespmem:s0+$0xA0] =	vst v24  }
0x2ec: {  	v24 =	vsub.f32 $0.0e+00, v26;
	v22 =	vmul.f32 $1.442695020e+00, v22;
	v26 =	vadd.f32 $1.000000000e+00, v4;
	v28 =	vld [tilespmem:s25+$0xB0];
	v4 =	vmovc v6;
	v6 =	vmovc v10  }
0x2ed: {  	(erf) = vpow2.f32 v13;
	v10 =	vsub.f32 $0.0e+00, v21;
	v13 =	vadd.f32 v25, v23;
	v21 =	vld [tilespmem:s23+$0xB0]  }
0x2ee: {  	v23 =	vmul.f32 $1.442695020e+00, v24;
	(erf) = vpow2.f32 v22;
	v22 =	vld [tilespmem:s19+$0xFFFFFF30]  }
0x2ef: {  	v24 =	vld [tilespmem:s10+$0x90];
	v25 =	vpop (erf);
	(erf) = vrcp.f32 v26;
	v30 =	vmul.f32 $1.442695020e+00, v10;
	v13 =	vsub.f32 $0.0e+00, v13  }
0x2f0: {  	v31 =	vmul.f32 v20, v3;
	(erf) = vpow2.f32 v23;
	v23 =	vadd.f32 $1.000000000e+00, v25;
	v25 =	vpop (erf);
	v26 =	vld [tilespmem:s17+$0xFFFFFF30]  }
0x2f1: {  	v3 =	vmovc v7;
	v7 =	vmovc v12;
	v25 =	vadd.f32 $1.000000000e+00, v25;
	v13 =	vmul.f32 $1.442695020e+00, v13;
	(erf) = vpow2.f32 v30;
	v29 =	vld [tilespmem:s19+$0xFFFFFFB0]  }
0x2f2: {  	v10 =	vpop (erf);
	(erf) = vrcp.f32 v23;
	v12 =	vadd.f32 v21, v28;
	v21 =	vld [tilespmem:s17+$0xFFFFFFB0];
	[tilespmem:s9+$0x30] =	vst v31;
	s9 =	smov.u32 s16;
	s16 =	smov.u32 s0;
	s0 =	smov.u32 s10  }
0x2f3: {  	v10 =	vadd.f32 $1.000000000e+00, v10;
	(erf) = vrcp.f32 v25;
	v20 =	vpop (erf);
	v23 =	vld [tilespmem:s19+$0x30];
	s19 =	smov.u32 s25;
	s25 =	smov.u32 s2;
	s2 =	smov.u32 s15  }
0x2f4: {  	v20 =	vmul.f32 v20, v24;
	v12 =	vsub.f32 $0.0e+00, v12;
	(erf) = vpow2.f32 v13;
	v24 =	vld [tilespmem:s17+$0x30];
	s17 =	smov.u32 s23;
	s23 =	smov.u32 s1;
	s1 =	smov.u32 s13  }
0x2f5: {  	(erf) = vrcp.f32 v10;
	v13 =	vld [tilespmem:s10+$0xFFFFFF30];
	v22 =	vadd.f32 v26, v22  }
0x2f6: {  	v25 =	vpop (erf);
	v10 =	vld [tilespmem:s10+$0xFFFFFFB0];
	[tilespmem:s10+$0x90] =	vst v20;
	v12 =	vmul.f32 $1.442695020e+00, v12;
	(erf) = vrcp.f32 v27  }
0x2f7: {  	v20 =	vadd.f32 $1.000000000e+00, v25;
	v25 =	vpop (erf);
	v26 =	vld [tilespmem:s25+$0xA0];
	v21 =	vadd.f32 v21, v29  }
0x2f8: {  	v22 =	vsub.f32 $0.0e+00, v22;
	v30 =	vadd.f32 $1.000000000e+00, v25;
	v27 =	vld [tilespmem:s23+$0xA0];
	v28 =	vpop (erf);
	(erf) = vpow2.f32 v12  }
0x2f9: {  	s10 =	sadd.s32 $0x200, s10;
	v29 =	vpop (erf);
	(erf) = vrcp.f32 v20;
	v31 =	vmul.f32 v28, v16;
	v12 =	vld [tilespmem:s0+$0x30];
	v20 =	vadd.f32 v24, v23  }
0x2fa: {  	v21 =	vsub.f32 $0.0e+00, v21;
	v23 =	vadd.f32 $1.000000000e+00, v29;
	v24 =	vld [tilespmem:s10+$0x80];
	(erf) = vrcp.f32 v30;
	v25 =	vpop (erf)  }
0x2fb: {  	v22 =	vmul.f32 $1.442695020e+00, v22;
	v28 =	vld [tilespmem:s10+$0xFFFFFF00];
	[tilespmem:s0+$0xFFFFFF90] =	vst v31;
	v16 =	vpop (erf);
	v30 =	vadd.f32 $1.000000000e+00, v25;
	v20 =	vsub.f32 $0.0e+00, v20  }
0x2fc: {  	v29 =	vld [tilespmem:s10+$0xFFFFFF80];
	(erf) = vrcp.f32 v23;
	v16 =	vmul.f32 v16, v14;
	v14 =	vpop (erf)  }
0x2fd: {  	v23 =	vld [tilespmem:s10+$0x0];
	v15 =	vmul.f32 v14, v15;
	v26 =	vadd.f32 v27, v26;
	(erf) = vrcp.f32 v30;
	v25 =	vpop (erf)  }
0x2fe: {  	v21 =	vmul.f32 $1.442695020e+00, v21;
	v20 =	vmul.f32 $1.442695020e+00, v20;
	v14 =	vld [tilespmem:s10+$0xFFFFFF10];
	v27 =	vpop (erf);
	[tilespmem:s0+$0xFFFFFF10] =	vst v16;
	v30 =	vadd.f32 $1.000000000e+00, v25  }
0x2ff: {  	v16 =	vld [tilespmem:s10+$0xFFFFFF90];
	v24 =	vmul.f32 v27, v24;
	[tilespmem:s0+$0x10] =	vst v15;
	v26 =	vsub.f32 $0.0e+00, v26;
	v27 =	vpop (erf);
	(erf) = vpow2.f32 v22  }
0x300: {  	v15 =	vld [tilespmem:s10+$0x10];
	v22 =	vmul.f32 v27, v11;
	(erf) = vrcp.f32 v30;
	v11 =	vmov v19  }
0x301: {  	[tilespmem:s10+$0x80] =	vst v24;
	v19 =	vld [tilespmem:s25+$0xFFFFFF20];
	v24 =	vmul.f32 $1.442695020e+00, v26;
	v25 =	vpop (erf);
	(erf) = vpow2.f32 v21  }
0x302: {  	v26 =	vld [tilespmem:s15+$0x90];
	v21 =	vpop (erf);
	[tilespmem:s16+$0xFFFFFF20] =	vst v22;
	v22 =	vadd.f32 $1.000000000e+00, v25;
	(erf) = vpow2.f32 v20  }
0x303: {  	v27 =	vmul.f32 v21, v29;
	v25 =	vld [tilespmem:s13+$0x90];
	v21 =	vpop (erf);
	(erf) = vpow2.f32 v24  }
0x304: {  	v29 =	vmul.f32 v21, v23;
	v24 =	vld [tilespmem:s23+$0xFFFFFF20];
	(erf) = vrcp.f32 v22  }
0x305: {  	[tilespmem:s10+$0xFFFFFF80] =	vst v27;
	v20 =	vpop (erf);
	v21 =	vld [tilespmem:s25+$0xFFFFFFA0]  }
0x306: {  	v20 =	vmul.f32 v20, v28;
	v22 =	vld [tilespmem:s15+$0xFFFFFF90];
	[tilespmem:s10+$0x0] =	vst v29;
	v23 =	vpop (erf)  }
0x307: {  	v27 =	vld [tilespmem:s13+$0xFFFFFF90];
	v28 =	vmul.f32 v23, v8;
	v8 =	vmov v17  }
.Ltmp6:
0x308: {  	[tilespmem:s10+$0xFFFFFF00] =	vst v20;
	v20 =	vld [tilespmem:s15+$0x10];
	v31 =	vadd.f32 v25, v26;
	v26 =	vpop (erf);
	(pc) =	sbr.rel @p1 .LBB2_11-.Ltmp6, $4  }
0x309: {  	v24 =	vadd.f32 v24, v19;
	[tilespmem:s16+$0xFFFFFFA0] =	vst v28;
	v17 =	vld [tilespmem:s16+$0xB0];
	v23 =	vpop (erf);
	v26 =	vadd.f32 $1.000000000e+00, v26  }
0x30a: {  	v19 =	vld [tilespmem:s15+$0xFFFFFF10];
	v30 =	vsub.f32 $0.0e+00, v31;
	v23 =	vmul.f32 v23, v9;
	v25 =	vpop (erf);
	v9 =	vmov v18  }
0x30b: {  	v18 =	vld [tilespmem:s13+$0xFFFFFF10];
	v24 =	vsub.f32 $0.0e+00, v24;
	v25 =	vadd.f32 $1.000000000e+00, v25;
	(erf) = vrcp.f32 v26;
	v29 =	vpop (erf)  }
0x30c: {  	s15 =	sadd.s32 $0x200, s15;
	v26 =	vadd.f32 v27, v22;
	v22 =	vld [tilespmem:s13+$0x10];
	v27 =	vmul.f32 $1.442695020e+00, v30;
	v28 =	vpop (erf);
	[tilespmem:s16+$0x20] =	vst v23;
	v23 =	vadd.f32 $1.000000000e+00, v29  }
0x30d: {  	(erf) = vrcp.f32 v25  }
0x30e: {  	(erf) = vpow2.f32 v27  }
0x30f: {  	v44 =	vadd.f32 $1.000000000e+00, v28  }
0x310: {  	v24 =	vmul.f32 $1.442695020e+00, v24;
	v26 =	vsub.f32 $0.0e+00, v26;
	v18 =	vadd.f32 v18, v19  }
0x311: {  	(erf) = vrcp.f32 v44;
	v45 =	vadd.f32 v22, v20  }
0x312: {  	v46 =	vmul.f32 $1.442695020e+00, v26;
	(erf) = vpow2.f32 v24;
	v47 =	vsub.f32 $0.0e+00, v18  }
0x313: {  	(erf) = vrcp.f32 v23;
	v48 =	vsub.f32 $0.0e+00, v45  }
0x314: {  	v18 =	vpop (erf);
	(erf) = vpow2.f32 v46;
	v49 =	vmul.f32 $1.442695020e+00, v47  }
0x315: {  	v19 =	vpop (erf);
	v23 =	vmul.f32 $1.442695020e+00, v48  }
0x316: {  	v51 =	vld [tilespmem:s23+$0xFFFFFFA0];
	(erf) = vpow2.f32 v49;
	v20 =	vpop (erf)  }
0x317: {  	v50 =	vld [tilespmem:s0+$0xA0];
	(erf) = vpow2.f32 v23;
	v52 =	vpop (erf)  }
0x318: {  	v53 =	vld [tilespmem:s25+$0x20];
	v23 =	vadd.f32 $1.000000000e+00, v52  }
0x319: {  	v54 =	vld [tilespmem:s23+$0x20]  }
0x31a: {  	v55 =	vpop (erf);
	(erf) = vrcp.f32 v23  }
0x31b: {  	v24 =	vadd.f32 v51, v21;
	v56 =	vpop (erf)  }
0x31c: {  	v21 =	vpop (erf)  }
0x31d: {  	v58 =	vsub.f32 $0.0e+00, v24;
	v22 =	vmul.f32 v55, v50;
	v57 =	vpop (erf)  }
0x31e: {  	v61 =	vld [tilespmem:s10+$0x90];
	v25 =	vadd.f32 v54, v53;
	v59 =	vadd.f32 $1.000000000e+00, v57  }
0x31f: {  	v30 =	vld [tilespmem:s19+$0xFFFFFF30];
	[tilespmem:s0+$0xA0] =	vst v22;
	v22 =	vmul.f32 $1.442695020e+00, v58;
	v62 =	vpop (erf)  }
0x320: {  	v35 =	vld [tilespmem:s17+$0xFFFFFF30];
	v63 =	vsub.f32 $0.0e+00, v25;
	(erf) = vrcp.f32 v59;
	v33 =	vadd.f32 $1.000000000e+00, v62;
	v34 =	vpop (erf)  }
0x321: {  	v60 =	vld [tilespmem:s25+$0xB0];
	v28 =	vadd.f32 $1.000000000e+00, v34;
	(erf) = vpow2.f32 v22  }
0x322: {  	v24 =	vmul.f32 $1.442695020e+00, v63;
	v29 =	vld [tilespmem:s23+$0xB0];
	(erf) = vrcp.f32 v33  }
0x323: {  	v36 =	vld [tilespmem:s19+$0xFFFFFFB0];
	(erf) = vrcp.f32 v28;
	v37 =	vpop (erf)  }
0x324: {  	v31 =	vld [tilespmem:s17+$0xFFFFFFB0];
	v26 =	vmul.f32 v37, v61;
	(erf) = vpow2.f32 v24  }
0x325: {  	v38 =	vld [tilespmem:s19+$0x30]  }
0x326: {  	v39 =	vld [tilespmem:s17+$0x30];
	[tilespmem:s10+$0x90] =	vst v26  }
0x327: {  	v27 =	vadd.f32 v29, v60;
	v26 =	vld [tilespmem:s2+$0xA0]  }
0x328: {  	v40 =	vld [tilespmem:s1+$0xA0]  }
0x329: {  	v22 =	vadd.f32 v35, v30;
	v27 =	vsub.f32 $0.0e+00, v27;
	v41 =	vpop (erf)  }
0x32a: {  	v42 =	vadd.f32 v31, v36;
	v23 =	vadd.f32 $1.000000000e+00, v56;
	v32 =	vpop (erf)  }
0x32b: {  	v22 =	vsub.f32 $0.0e+00, v22;
	v24 =	vadd.f32 v39, v38;
	v27 =	vmul.f32 $1.442695020e+00, v27;
	v43 =	vpop (erf)  }
0x32c: {  	(erf) = vrcp.f32 v23;
	v23 =	vsub.f32 $0.0e+00, v42;
	v44 =	vadd.f32 $1.000000000e+00, v32;
	v45 =	vpop (erf)  }
0x32d: {  	v22 =	vmul.f32 $1.442695020e+00, v22;
	(erf) = vpow2.f32 v27;
	v26 =	vadd.f32 v40, v26;
	v46 =	vpop (erf)  }
0x32e: {  	v24 =	vsub.f32 $0.0e+00, v24;
	(erf) = vrcp.f32 v44;
	v47 =	vadd.f32 $1.000000000e+00, v46  }
0x32f: {  	v23 =	vmul.f32 $1.442695020e+00, v23;
	v26 =	vsub.f32 $0.0e+00, v26;
	(erf) = vpow2.f32 v22  }
0x330: {  	v48 =	vmul.f32 $1.442695020e+00, v24;
	(erf) = vrcp.f32 v47  }
0x331: {  	v49 =	vmul.f32 $1.442695020e+00, v26;
	(erf) = vpow2.f32 v23  }
0x332: {  	(erf) = vpow2.f32 v48  }
0x333: {  	(erf) = vpow2.f32 v49;
	_ =	sdelay $0x1  }
0x334: {  	v50 =	vpop (erf)  }
0x335: {  	v51 =	vpop (erf)  }
0x336: {  	v52 =	vpop (erf)  }
0x337: {  	v53 =	vpop (erf)  }
0x338: {  	v54 =	vpop (erf)  }
0x339: {  	v55 =	vadd.f32 $1.000000000e+00, v51;
	v33 =	vpop (erf)  }
0x33a: {  	v30 =	vmul.f32 v41, v16;
	v26 =	vadd.f32 $1.000000000e+00, v53;
	v35 =	vpop (erf)  }
0x33b: {  	v25 =	vmul.f32 v43, v14;
	(erf) = vrcp.f32 v55;
	v56 =	vadd.f32 $1.000000000e+00, v33;
	v57 =	vpop (erf)  }
0x33c: {  	[tilespmem:s10+$0xFFFFFF90] =	vst v30;
	(erf) = vrcp.f32 v26;
	v58 =	vadd.f32 $1.000000000e+00, v57  }
0x33d: {  	v60 =	vld [tilespmem:s2+$0xFFFFFFA0];
	[tilespmem:s10+$0xFFFFFF10] =	vst v25;
	(erf) = vrcp.f32 v56  }
0x33e: {  	v25 =	vld [tilespmem:s2+$0xFFFFFF20];
	(erf) = vrcp.f32 v58  }
0x33f: {  	v15 =	vmul.f32 v45, v15;
	v59 =	vld [tilespmem:s1+$0xFFFFFF20]  }
0x340: {  	v62 =	vld [tilespmem:s1+$0xFFFFFFA0]  }
0x341: {  	v61 =	vld [tilespmem:s10+$0xA0];
	[tilespmem:s10+$0x10] =	vst v15  }
0x342: {  	v63 =	vld [tilespmem:s2+$0x20]  }
0x343: {  	v36 =	vld [tilespmem:s1+$0x20]  }
0x344: {  	v25 =	vadd.f32 v59, v25;
	v33 =	vpop (erf)  }
0x345: {  	v15 =	vadd.f32 v62, v60;
	v26 =	vpop (erf)  }
0x346: {  	v25 =	vsub.f32 $0.0e+00, v25;
	v37 =	vpop (erf)  }
0x347: {  	v15 =	vsub.f32 $0.0e+00, v15;
	v40 =	vpop (erf)  }
0x348: {  	v41 =	vadd.f32 v36, v63;
	v25 =	vmul.f32 $1.442695020e+00, v25;
	v28 =	vmul.f32 v40, v61  }
0x349: {  	v11 =	vmul.f32 v50, v11;
	v42 =	vadd.f32 $1.000000000e+00, v35  }
0x34a: {  	v15 =	vmul.f32 $1.442695020e+00, v15;
	v43 =	vsub.f32 $0.0e+00, v41;
	(erf) = vpow2.f32 v25;
	[tilespmem:s10+$0xA0] =	vst v28  }
0x34b: {  	(erf) = vrcp.f32 v42;
	v44 =	vld [tilespmem:s2+$0xB0]  }
0x34c: {  	[tilespmem:s0+$0xFFFFFF20] =	vst v11;
	v25 =	vmul.f32 $1.442695020e+00, v43;
	(erf) = vpow2.f32 v15;
	v45 =	vld [tilespmem:s1+$0xB0]  }
0x34d: {  	v46 =	vld [tilespmem:s25+$0xFFFFFF30]  }
0x34e: {  	v47 =	vld [tilespmem:s23+$0xFFFFFF30];
	(erf) = vpow2.f32 v25;
	_ =	sdelay $0x2  }
0x34f: {  	v11 =	vadd.f32 v45, v44  }
0x350: {  	v8 =	vmul.f32 v52, v8  }
0x351: {  	v15 =	vadd.f32 v47, v46;
	v48 =	vpop (erf);
	v11 =	vsub.f32 $0.0e+00, v11  }
0x352: {  	[tilespmem:s0+$0xFFFFFFA0] =	vst v8;
	v49 =	vmul.f32 v54, v9;
	v23 =	vadd.f32 $1.000000000e+00, v48;
	v9 =	vpop (erf)  }
0x353: {  	v50 =	vld [tilespmem:s25+$0xFFFFFFB0];
	v15 =	vsub.f32 $0.0e+00, v15;
	v51 =	vpop (erf);
	v11 =	vmul.f32 $1.442695020e+00, v11  }
0x354: {  	v52 =	vld [tilespmem:s23+$0xFFFFFFB0];
	[tilespmem:s0+$0x20] =	vst v49;
	(erf) = vrcp.f32 v23;
	v53 =	vadd.f32 $1.000000000e+00, v51  }
0x355: {  	v54 =	vld [tilespmem:s25+$0x30];
	v55 =	vmul.f32 $1.442695020e+00, v15;
	v56 =	vpop (erf);
	(erf) = vpow2.f32 v11  }
0x356: {  	v57 =	vld [tilespmem:s23+$0x30];
	v15 =	vadd.f32 $1.000000000e+00, v56;
	(erf) = vrcp.f32 v53  }
0x357: {  	(erf) = vpow2.f32 v55  }
0x358: {  	(erf) = vrcp.f32 v15  }
0x359: {  	v27 =	vld [tilespmem:s10+$0xFFFFFF20]  }
0x35a: {  	v8 =	vadd.f32 v52, v50  }
0x35b: {  	v31 =	vld [tilespmem:s10+$0xFFFFFFA0];
	v58 =	vadd.f32 v57, v54  }
0x35c: {  	v8 =	vsub.f32 $0.0e+00, v8  }
0x35d: {  	v34 =	vld [tilespmem:s10+$0x20];
	v59 =	vpop (erf);
	v11 =	vsub.f32 $0.0e+00, v58  }
0x35e: {  	v8 =	vmul.f32 $1.442695020e+00, v8;
	v15 =	vmul.f32 v59, v27;
	v60 =	vpop (erf)  }
0x35f: {  	v11 =	vmul.f32 $1.442695020e+00, v11;
	v61 =	vpop (erf)  }
0x360: {  	(erf) = vpow2.f32 v8;
	[tilespmem:s10+$0xFFFFFF20] =	vst v15;
	v62 =	vmul.f32 v61, v31;
	v63 =	vpop (erf)  }
0x361: {  	v32 =	vld [tilespmem:s2+$0xFFFFFF30];
	v31 =	vpop (erf)  }
0x362: {  	v36 =	vld [tilespmem:s1+$0xFFFFFF30];
	(erf) = vpow2.f32 v11;
	[tilespmem:s10+$0xFFFFFFA0] =	vst v62;
	v35 =	vmul.f32 v31, v34  }
0x363: {  	v38 =	vld [tilespmem:s2+$0xFFFFFFB0]  }
0x364: {  	v39 =	vld [tilespmem:s1+$0xFFFFFFB0];
	[tilespmem:s10+$0x20] =	vst v35  }
0x365: {  	v40 =	vld [tilespmem:s2+$0x30]  }
0x366: {  	v41 =	vld [tilespmem:s1+$0x30];
	_ =	sdelay $0x1  }
0x367: {  	v23 =	vadd.f32 $1.000000000e+00, v60  }
0x368: {  	v11 =	vadd.f32 v36, v32;
	v15 =	vadd.f32 $1.000000000e+00, v63;
	v42 =	vpop (erf)  }
0x369: {  	v24 =	vadd.f32 $1.000000000e+00, v42;
	v8 =	vadd.f32 v39, v38  }
0x36a: {  	(erf) = vrcp.f32 v23;
	v11 =	vsub.f32 $0.0e+00, v11;
	v43 =	vpop (erf);
	v44 =	vadd.f32 v41, v40  }
0x36b: {  	(erf) = vrcp.f32 v15;
	v8 =	vsub.f32 $0.0e+00, v8;
	v45 =	vadd.f32 $1.000000000e+00, v43  }
0x36c: {  	(erf) = vrcp.f32 v24;
	v11 =	vmul.f32 $1.442695020e+00, v11;
	v46 =	vsub.f32 $0.0e+00, v44  }
0x36d: {  	v8 =	vmul.f32 $1.442695020e+00, v8;
	(erf) = vrcp.f32 v45  }
0x36e: {  	v47 =	vmul.f32 $1.442695020e+00, v46;
	(erf) = vpow2.f32 v11  }
0x36f: {  	(erf) = vpow2.f32 v8  }
0x370: {  	(erf) = vpow2.f32 v47;
	_ =	sdelay $0x2  }
0x371: {  	v48 =	vpop (erf)  }
0x372: {  	v49 =	vpop (erf)  }
0x373: {  	v50 =	vpop (erf)  }
0x374: {  	v51 =	vpop (erf)  }
0x375: {  	v2 =	vmul.f32 v19, v2;
	v53 =	vpop (erf)  }
0x376: {  	v54 =	vadd.f32 $1.000000000e+00, v53;
	v55 =	vpop (erf)  }
0x377: {  	[tilespmem:s9+$0xFFFFFF30] =	vst v2;
	v2 =	vmul.f32 v21, v3;
	v52 =	vld [tilespmem:s0+$0xB0];
	v56 =	vadd.f32 $1.000000000e+00, v55;
	v57 =	vpop (erf)  }
0x378: {  	v17 =	vmul.f32 v18, v17;
	(erf) = vrcp.f32 v54;
	v58 =	vadd.f32 $1.000000000e+00, v57  }
0x379: {  	v3 =	vld [tilespmem:s10+$0xB0];
	[tilespmem:s9+$0x30] =	vst v2;
	v2 =	vmul.f32 v26, v5;
	(erf) = vrcp.f32 v56  }
0x37a: {  	[tilespmem:s16+$0xB0] =	vst v17;
	v4 =	vmul.f32 v20, v4;
	(erf) = vrcp.f32 v58  }
0x37b: {  	[tilespmem:s16+$0xFFFFFF30] =	vst v2;
	v2 =	vmul.f32 v9, v7  }
0x37c: {  	[tilespmem:s9+$0xFFFFFFB0] =	vst v4;
	v59 =	vmul.f32 v33, v52  }
0x37d: {  	v22 =	vld [tilespmem:s10+$0xFFFFFF30];
	[tilespmem:s16+$0x30] =	vst v2;
	v60 =	vmul.f32 v37, v6  }
0x37e: {  	v14 =	vld [tilespmem:s10+$0xFFFFFFB0];
	[tilespmem:s0+$0xB0] =	vst v59;
	v3 =	vmul.f32 v48, v3  }
0x37f: {  	v16 =	vld [tilespmem:s10+$0x30];
	[tilespmem:s16+$0xFFFFFFB0] =	vst v60;
	v2 =	vmul.f32 v49, v13  }
0x380: {  	[tilespmem:s10+$0xB0] =	vst v3;
	v3 =	vmul.f32 v50, v10  }
0x381: {  	[tilespmem:s0+$0xFFFFFF30] =	vst v2;
	v2 =	vmul.f32 v51, v12;
	v61 =	vpop (erf)  }
0x382: {  	[tilespmem:s0+$0xFFFFFFB0] =	vst v3;
	v3 =	vmul.f32 v61, v22;
	v62 =	vpop (erf)  }
0x383: {  	[tilespmem:s0+$0x30] =	vst v2;
	v2 =	vmul.f32 v62, v14;
	v63 =	vpop (erf)  }
0x384: {  	[tilespmem:s10+$0xFFFFFF30] =	vst v3;
	v3 =	vmul.f32 v63, v16  }
.Ltmp7:
0x385: {  	[tilespmem:s10+$0xFFFFFFB0] =	vst v2;
	(pc) =	sbr.rel @p0 .LBB2_14-.Ltmp7, $4  }
0x386: {  	[tilespmem:s10+$0x30] =	vst v3  }
0x387: {  	_ =	swait.ge [sflag:s12], $0x3800  }
0x388: {  	[sflag:s12] =	ssyncset.done $0x0  }
0x389: {  	[sflag:s12] =	ssyncadd.s32 $0xFFFFC800  }
0x38a: {  	_ =	swait.ge [sflag:s21], $0x70  }
0x38b: {  	[sflag:s21] =	ssyncset.done $0x0  }
0x38c: {  	[sflag:s21] =	ssyncadd.s32 $0xFFFFFF90  }
0x38d: {  	_ =	swait.ge [sflag:s21], $0x70  }
0x38e: {  	[sflag:s21] =	ssyncset.done $0x0  }
0x38f: {  	[sflag:s21] =	ssyncadd.s32 $0xFFFFFF90  }
0x390: {  	[tilespmem:s18], [sflag:$0x3] =	stream.indirect.gather [hbm4b:s4+s22], $0x80, s3, s22, $0xb8;
	[tilespmem:$0x1F700] =	vst v63  }
0x391: {  	s0 =	simm.s32 $0x7300  }
0x392: {  	[tilespmem:s0], [sflag:$0x3] =	stream.indirect.gather [hbm4b:s5+s22], $0x80, s3, s22, $0xb8;
	[tilespmem:$0x1F700] =	vst v63  }
.Ltmp8:
0x393: {  	_ = 	snop;
	(pc) =	sbr.rel .LBB2_4-.Ltmp8, $4  }
0x394: {  	s23 =	simm.s32 $0x100;
	s1 =	simm.s32 $0xE300  }
0x395: {  	[tilespmem:s1], [sflag:$0x3] =	stream.indirect.gather [hbm4b:s6+s22], $0x80, s23, s22, $0xb8;
	[tilespmem:$0x1F700] =	vst v63  }
0x396: {  	s25 =	simm.s32 $0x280;
	s24 =	sadd.s32 $0x1, s24  }
0x397: {  	[spmem:s28] =	stream.indirect.scatter.add.f32 [tilespmem:s31], [sflag:$0x6], $0x80, s25, s22, $0xb8;
	[tilespmem:$0x1F700] =	vst v63  }
.LBB2_15:
0x398: {  	_ =	sfence.sel $0x180000  }
0x399: {  	[bflag:$0x0] =	sbarrier.arrive $0xFFFF  }
0x39a: {  	_ =	strace $0x90000047  }
0x39b: {  	s0 =	stileid.u32;
	[bflag:$0x2] =	sbarrier.arrive $0xFFFF  }
0x39c: {  	p0 =	sne.s32 s0, $0x0;
	s0 =	rddreg [dreg:$0x2]  }
0x39d: {  	s0 =	sadd.s32 @!p0 $0x100000, s0  }
0x39e: {  	[sflag:s0] =	ssyncadd.tile.s32 @!p0 $0x1;
	_ =	shalt  }
.Lfunc_end2:
_tile_overlayer_lowered:
.L_overlay_start_2:
0x39f: {  	(tag) =	ssettag $0x2  }
0x3a0: {  	s0 =	rddreg [dreg:$0x0];
	s2 =	stileid.u32  }
0x3a1: {  	s1 =	rddreg [dreg:$0x1];
	p0 =	sne.s32 s2, $0x0  }
0x3a2: {  	s3 =	rddreg [dreg:$0x2];
	[bflag:$0x3] =	sbarrier.arrive $0xFFFF;
	s2 =	simm.s32 @!p0 $0x1C07  }
0x3a3: {  	[timem:s3], [sflag:s2] =	dma.local @!p0 [hbm:s0], s1  }
0x3a4: {  	s0 =	simm.s32 @!p0 $0x7  }
0x3a5: {  	_ =	swait.ge @!p0 [sflag:s0], s1  }
0x3a6: {  	s1 =	ssub.s32 @!p0 $0x0, s1;
	[sflag:s0] =	ssyncset.done @!p0 $0x0  }
0x3a7: {  	[sflag:s0] =	ssyncadd.s32 @!p0 s1  }
0x3a8: {  	[bflag:$0x3] =	sbarrier.arrive $0xFFFF  }
0x3a9: {  	_ =	shalt  }

</sc_bundles>
